<compile_context>
chip_gen: v7x
topology: tpu7x:2x2x1
jax: 0.10.2.dev20260603
libtpu: 0.0.44.dev20260713+nightly
codegen_flags: <defaults>
</compile_context>

<pallas_src>
import functools

import jax
import jax.numpy as jnp
import numpy as np
from jax import lax
from jax.experimental import pallas as pl
from jax.experimental.pallas import tpu as pltpu
from jax.experimental.pallas import tpu_sc as plsc

_VID = (3429, 3510, 3804, 3817, 3818, 1785, 2078, 3916, 4113,
        4314, 4261, 4321, 2364, 4513, 4702, 4740, 4801, 4808,
        3029, 1637, 4863, 5199, 5291, 5266, 5223, 2656, 2707,
        5382, 5615, 5710, 5658, 5635, 4136, 4079, 4152, 3976,
        4589, 4789, 4656, 4591, 5075, 5064, 5103, 5012, 5575,
        5700)

_B, _V, _C = 4096, 5711, 3
_A = len(_VID)
_G = 8
_NG = -(-_A // _G)
_NW = 32
_TASKS = [(c, g) for c in range(_C) for g in range(_NG)]

_VID_PAD = np.asarray(_VID + (_VID[-1],) * (_NG * _G - _A), dtype=np.int32)


def _sc_gather(vt, vid):
    mesh = plsc.VectorSubcoreMesh(core_axis_name="c", subcore_axis_name="s")
    nc = mesh.num_cores

    @functools.partial(
        pl.kernel,
        out_type=jax.ShapeDtypeStruct((_C, _A, _B), jnp.float32),
        mesh=mesh,
        scratch_types=[
            pltpu.VMEM((_NG * _G,), jnp.int32),
            pltpu.VMEM((_G, _B), jnp.float32),
            pltpu.SemaphoreType.DMA,
            pltpu.SemaphoreType.DMA,
        ],
    )
    def k(vt_hbm, vid_hbm, out_hbm, idx_v, buf_v, gsem, ssem):
        wid = lax.axis_index("s") * nc + lax.axis_index("c")
        pl.when(wid < len(_TASKS))(lambda: pltpu.sync_copy(vid_hbm, idx_v))
        for t, (c, g) in enumerate(_TASKS):
            nr = min(_G, _A - g * _G)

            def issue(c=c, g=g, nr=nr):
                pltpu.async_copy(
                    vt_hbm.at[c].at[idx_v.at[pl.ds(g * _G, _G)]],
                    buf_v,
                    gsem,
                ).wait()
                pltpu.async_copy(
                    buf_v.at[pl.ds(0, nr), :],
                    out_hbm.at[c, pl.ds(g * _G, nr), :],
                    ssem,
                ).wait()

            pl.when(wid == t)(issue)

    return k(vt, vid)


def kernel(vertices):
    vt = jnp.transpose(vertices, (2, 1, 0))
    out_t = _sc_gather(vt, jnp.asarray(_VID_PAD))
    return jnp.transpose(out_t, (2, 1, 0))

# --- scband reference (transcript-rebuilt; emitter-appended) ---
"""Pipeline reference for scband-svh-anchor-40209483825422 (READ-ONLY COPY).

The authoritative reference and input builder live on the scoring server;
editing this copy changes nothing except your own understanding.
"""

import jax, jax.numpy as jnp
import numpy as np

VERT_IDX = np.array([3429, 3510, 3804, 3817, 3818, 1785, 2078, 3916, 4113, 4314, 4261, 4321, 2364, 4513, 4702, 4740, 4801, 4808, 3029, 1637, 4863, 5199, 5291, 5266, 5223, 2656, 2707, 5382, 5615, 5710, 5658, 5635, 4136, 4079, 4152, 3976, 4589, 4789, 4656, 4591, 5075, 5064, 5103, 5012, 5575, 5700], dtype=np.int64)


def setup_inputs(seed: int = 0) -> dict:
    key = jax.random.key(seed)
    vertices = jax.random.normal(key, (4096, 5711, 3), dtype=jnp.float32)
    return {"vertices": vertices}


def reference(vertices):
    vert_idx = jnp.asarray(VERT_IDX)
    # anchor_pos = vertices[:, vert_idx, :]  -- gather along the vertex axis
    anchor_pos = jnp.take(vertices, vert_idx, axis=1)
    return anchor_pos

if __name__ == "__main__":
    import jax
    _d = setup_inputs()
    print(jax.jit(kernel)(*tuple(_d.values())))

</pallas_src>

<mosaic_0001>
#map = affine_map<(d0, d1) -> (0, 0, 0)>
#map1 = affine_map<(d0, d1) -> (0)>
module attributes {stable_mosaic.version = 14 : i64} {
  func.func @k(%arg0: i32, %arg1: i32, %arg2: memref<3x5711x4096xf32, #tpu.memory_space<hbm>>, %arg3: memref<48xi32, #tpu.memory_space<hbm>>, %arg4: memref<3x46x4096xf32, #tpu.memory_space<hbm>>, %arg5: memref<48xi32, #tpu.memory_space<vmem>>, %arg6: memref<8x4096xf32, #tpu.memory_space<vmem>>, %arg7: memref<!tpu.dma_semaphore, #tpu.memory_space<semaphore_mem>>, %arg8: memref<!tpu.dma_semaphore, #tpu.memory_space<semaphore_mem>>) attributes {dimension_semantics = [#tpu.dimension_semantics<core_parallel>, #tpu.dimension_semantics<subcore_parallel>], iteration_bounds = array<i64: 2, 16>, scalar_prefetch = 0 : i64, scratch_operands = 4 : i64, tpu.core_type = #tpu.core_type<sc_vector_subcore>, window_params = [{transform_indices = #map}, {transform_indices = #map1}, {transform_indices = #map}]} {
    %mul3A = arith.constant 2 : i32
    %mul3A_0 = arith.muli %arg1, %mul3A : i32
    %add3A = arith.addi %mul3A_0, %arg0 : i32
    %lt3A = arith.constant 18 : i32
    %lt3A_1 = arith.cmpi slt, %add3A, %lt3A : i32
    %convert_element_type3A = arith.extui %lt3A_1 : i1 to i32
    %cond3A = arith.constant 0 : i32
    %cond3A_2 = arith.cmpi ne, %convert_element_type3A, %cond3A : i32
    scf.if %cond3A_2 {
      "tpu.region"() ({
        %run_scoped3A = tpu.sem_alloc : memref<!tpu.dma_semaphore, #tpu.memory_space<semaphore_mem>>
        tpu.enqueue_dma source(%arg3 : memref<48xi32, #tpu.memory_space<hbm>>) target(%arg5 : memref<48xi32, #tpu.memory_space<vmem>>) target_semaphore(%run_scoped3A : memref<!tpu.dma_semaphore, #tpu.memory_space<semaphore_mem>>)
        tpu.wait_dma2 semaphore(%run_scoped3A : memref<!tpu.dma_semaphore, #tpu.memory_space<semaphore_mem>>) src(%arg3 : memref<48xi32, #tpu.memory_space<hbm>>) dst(%arg5 : memref<48xi32, #tpu.memory_space<vmem>>)
        tpu.yield
      }) : () -> ()
    } else {
    }
    %eq3A = arith.constant 0 : i32
    %eq3A_3 = arith.cmpi eq, %add3A, %eq3A : i32
    %convert_element_type3A_4 = arith.extui %eq3A_3 : i1 to i32
    %cond3A_5 = arith.constant 0 : i32
    %cond3A_6 = arith.cmpi ne, %convert_element_type3A_4, %cond3A_5 : i32
    scf.if %cond3A_6 {
      %dma_start3A = arith.constant 0 : i32
      %dma_start3A_92 = arith.constant 0 : i32
      %dma_start3A_93 = tpu.memref_slice %arg5[%dma_start3A_92] : memref<48xi32, #tpu.memory_space<vmem>> -> memref<8xi32, #tpu.memory_space<vmem>>
      %dma_start3A_94 = arith.constant 0 : i32
      %dma_start3A_95 = arith.constant 0 : i32
      %dma_start3A_96 = tpu.memref_slice %arg2[%dma_start3A, %dma_start3A_94, %dma_start3A_95] : memref<3x5711x4096xf32, #tpu.memory_space<hbm>> -> memref<1x5711x4096xf32, #tpu.memory_space<hbm>>
      %dma_start3A_97 = tpu.memref_squeeze %dma_start3A_96 : memref<1x5711x4096xf32, #tpu.memory_space<hbm>> -> memref<5711x4096xf32, #tpu.memory_space<hbm>>
      %dma_start3A_98 = arith.constant 0 : i32
      %dma_start3A_99 = arith.constant 0 : i32
      %dma_start3A_100 = tpu.memref_slice %dma_start3A_97[%dma_start3A_98, %dma_start3A_99] : memref<5711x4096xf32, #tpu.memory_space<hbm>> -> memref<5711x4096xf32, #tpu.memory_space<hbm>>
      tpu.enqueue_indirect_dma source(%dma_start3A_100 : memref<5711x4096xf32, #tpu.memory_space<hbm>>) target(%arg6 : memref<8x4096xf32, #tpu.memory_space<vmem>>) offsets(%dma_start3A_93 : memref<8xi32, #tpu.memory_space<vmem>>) semaphore(%arg7 : memref<!tpu.dma_semaphore, #tpu.memory_space<semaphore_mem>>)
      %dma_wait3A = arith.constant 0 : i32
      %dma_wait3A_101 = arith.constant 0 : i32
      %dma_wait3A_102 = tpu.memref_slice %arg5[%dma_wait3A_101] : memref<48xi32, #tpu.memory_space<vmem>> -> memref<8xi32, #tpu.memory_space<vmem>>
      %dma_wait3A_103 = arith.constant 0 : i32
      %dma_wait3A_104 = arith.constant 0 : i32
      %dma_wait3A_105 = tpu.memref_slice %arg2[%dma_wait3A, %dma_wait3A_103, %dma_wait3A_104] : memref<3x5711x4096xf32, #tpu.memory_space<hbm>> -> memref<1x5711x4096xf32, #tpu.memory_space<hbm>>
      %dma_wait3A_106 = tpu.memref_squeeze %dma_wait3A_105 : memref<1x5711x4096xf32, #tpu.memory_space<hbm>> -> memref<5711x4096xf32, #tpu.memory_space<hbm>>
      %dma_wait3A_107 = arith.constant 0 : i32
      %dma_wait3A_108 = arith.constant 0 : i32
      %dma_wait3A_109 = tpu.memref_slice %dma_wait3A_106[%dma_wait3A_107, %dma_wait3A_108] : memref<5711x4096xf32, #tpu.memory_space<hbm>> -> memref<5711x4096xf32, #tpu.memory_space<hbm>>
      tpu.wait_indirect_dma semaphore(%arg7 : memref<!tpu.dma_semaphore, #tpu.memory_space<semaphore_mem>>) src(%dma_wait3A_109 : memref<5711x4096xf32, #tpu.memory_space<hbm>>) dst(%arg6 : memref<8x4096xf32, #tpu.memory_space<vmem>>)
      %dma_start3A_110 = arith.constant 0 : i32
      %dma_start3A_111 = arith.constant 0 : i32
      %dma_start3A_112 = arith.constant 0 : i32
      %dma_start3A_113 = tpu.memref_slice %arg6[%dma_start3A_111, %dma_start3A_112] : memref<8x4096xf32, #tpu.memory_space<vmem>> -> memref<8x4096xf32, #tpu.memory_space<vmem>>
      %dma_start3A_114 = arith.constant 0 : i32
      %dma_start3A_115 = arith.constant 0 : i32
      %dma_start3A_116 = tpu.memref_slice %arg4[%dma_start3A_110, %dma_start3A_114, %dma_start3A_115] : memref<3x46x4096xf32, #tpu.memory_space<hbm>> -> memref<1x8x4096xf32, #tpu.memory_space<hbm>>
      %dma_start3A_117 = tpu.memref_squeeze %dma_start3A_116 : memref<1x8x4096xf32, #tpu.memory_space<hbm>> -> memref<8x4096xf32, #tpu.memory_space<hbm>>
      %dma_start3A_118 = arith.constant 0 : i32
      %dma_start3A_119 = arith.constant 0 : i32
      %dma_start3A_120 = tpu.memref_slice %arg4[%dma_start3A_110, %dma_start3A_118, %dma_start3A_119] : memref<3x46x4096xf32, #tpu.memory_space<hbm>> -> memref<1x8x4096xf32, #tpu.memory_space<hbm>>
      %dma_start3A_121 = tpu.memref_squeeze %dma_start3A_120 : memref<1x8x4096xf32, #tpu.memory_space<hbm>> -> memref<8x4096xf32, #tpu.memory_space<hbm>>
      %dma_start3A_122 = arith.constant 0 : i32
      %dma_start3A_123 = arith.constant 0 : i32
      %dma_start3A_124 = tpu.memref_slice %arg6[%dma_start3A_122, %dma_start3A_123] : memref<8x4096xf32, #tpu.memory_space<vmem>> -> memref<8x4096xf32, #tpu.memory_space<vmem>>
      tpu.enqueue_dma source(%dma_start3A_124 : memref<8x4096xf32, #tpu.memory_space<vmem>>) target(%dma_start3A_121 : memref<8x4096xf32, #tpu.memory_space<hbm>>) target_semaphore(%arg8 : memref<!tpu.dma_semaphore, #tpu.memory_space<semaphore_mem>>)
      %dma_wait3A_125 = arith.constant 0 : i32
      %dma_wait3A_126 = arith.constant 0 : i32
      %dma_wait3A_127 = arith.constant 0 : i32
      %dma_wait3A_128 = tpu.memref_slice %arg6[%dma_wait3A_126, %dma_wait3A_127] : memref<8x4096xf32, #tpu.memory_space<vmem>> -> memref<8x4096xf32, #tpu.memory_space<vmem>>
      %dma_wait3A_129 = arith.constant 0 : i32
      %dma_wait3A_130 = arith.constant 0 : i32
      %dma_wait3A_131 = tpu.memref_slice %arg4[%dma_wait3A_125, %dma_wait3A_129, %dma_wait3A_130] : memref<3x46x4096xf32, #tpu.memory_space<hbm>> -> memref<1x8x4096xf32, #tpu.memory_space<hbm>>
      %dma_wait3A_132 = tpu.memref_squeeze %dma_wait3A_131 : memref<1x8x4096xf32, #tpu.memory_space<hbm>> -> memref<8x4096xf32, #tpu.memory_space<hbm>>
      %dma_wait3A_133 = arith.constant 0 : i32
      %dma_wait3A_134 = arith.constant 0 : i32
      %dma_wait3A_135 = tpu.memref_slice %arg4[%dma_wait3A_125, %dma_wait3A_133, %dma_wait3A_134] : memref<3x46x4096xf32, #tpu.memory_space<hbm>> -> memref<1x8x4096xf32, #tpu.memory_space<hbm>>
      %dma_wait3A_136 = tpu.memref_squeeze %dma_wait3A_135 : memref<1x8x4096xf32, #tpu.memory_space<hbm>> -> memref<8x4096xf32, #tpu.memory_space<hbm>>
      %dma_wait3A_137 = arith.constant 0 : i32
      %dma_wait3A_138 = arith.constant 0 : i32
      %dma_wait3A_139 = tpu.memref_slice %arg6[%dma_wait3A_137, %dma_wait3A_138] : memref<8x4096xf32, #tpu.memory_space<vmem>> -> memref<8x4096xf32, #tpu.memory_space<vmem>>
      tpu.wait_dma2 semaphore(%arg8 : memref<!tpu.dma_semaphore, #tpu.memory_space<semaphore_mem>>) src(%dma_wait3A_139 : memref<8x4096xf32, #tpu.memory_space<vmem>>) dst(%dma_wait3A_136 : memref<8x4096xf32, #tpu.memory_space<hbm>>)
    } else {
    }
    %eq3A_7 = arith.constant 1 : i32
    %eq3A_8 = arith.cmpi eq, %add3A, %eq3A_7 : i32
    %convert_element_type3A_9 = arith.extui %eq3A_8 : i1 to i32
    %cond3A_10 = arith.constant 0 : i32
    %cond3A_11 = arith.cmpi ne, %convert_element_type3A_9, %cond3A_10 : i32
    scf.if %cond3A_11 {
      %dma_start3A = arith.constant 0 : i32
      %dma_start3A_92 = arith.constant 8 : i32
      %dma_start3A_93 = tpu.memref_slice %arg5[%dma_start3A_92] : memref<48xi32, #tpu.memory_space<vmem>> -> memref<8xi32, #tpu.memory_space<vmem>>
      %dma_start3A_94 = arith.constant 0 : i32
      %dma_start3A_95 = arith.constant 0 : i32
      %dma_start3A_96 = tpu.memref_slice %arg2[%dma_start3A, %dma_start3A_94, %dma_start3A_95] : memref<3x5711x4096xf32, #tpu.memory_space<hbm>> -> memref<1x5711x4096xf32, #tpu.memory_space<hbm>>
      %dma_start3A_97 = tpu.memref_squeeze %dma_start3A_96 : memref<1x5711x4096xf32, #tpu.memory_space<hbm>> -> memref<5711x4096xf32, #tpu.memory_space<hbm>>
      %dma_start3A_98 = arith.constant 0 : i32
      %dma_start3A_99 = arith.constant 0 : i32
      %dma_start3A_100 = tpu.memref_slice %dma_start3A_97[%dma_start3A_98, %dma_start3A_99] : memref<5711x4096xf32, #tpu.memory_space<hbm>> -> memref<5711x4096xf32, #tpu.memory_space<hbm>>
      tpu.enqueue_indirect_dma source(%dma_start3A_100 : memref<5711x4096xf32, #tpu.memory_space<hbm>>) target(%arg6 : memref<8x4096xf32, #tpu.memory_space<vmem>>) offsets(%dma_start3A_93 : memref<8xi32, #tpu.memory_space<vmem>>) semaphore(%arg7 : memref<!tpu.dma_semaphore, #tpu.memory_space<semaphore_mem>>)
      %dma_wait3A = arith.constant 0 : i32
      %dma_wait3A_101 = arith.constant 8 : i32
      %dma_wait3A_102 = tpu.memref_slice %arg5[%dma_wait3A_101] : memref<48xi32, #tpu.memory_space<vmem>> -> memref<8xi32, #tpu.memory_space<vmem>>
      %dma_wait3A_103 = arith.constant 0 : i32
      %dma_wait3A_104 = arith.constant 0 : i32
      %dma_wait3A_105 = tpu.memref_slice %arg2[%dma_wait3A, %dma_wait3A_103, %dma_wait3A_104] : memref<3x5711x4096xf32, #tpu.memory_space<hbm>> -> memref<1x5711x4096xf32, #tpu.memory_space<hbm>>
      %dma_wait3A_106 = tpu.memref_squeeze %dma_wait3A_105 : memref<1x5711x4096xf32, #tpu.memory_space<hbm>> -> memref<5711x4096xf32, #tpu.memory_space<hbm>>
      %dma_wait3A_107 = arith.constant 0 : i32
      %dma_wait3A_108 = arith.constant 0 : i32
      %dma_wait3A_109 = tpu.memref_slice %dma_wait3A_106[%dma_wait3A_107, %dma_wait3A_108] : memref<5711x4096xf32, #tpu.memory_space<hbm>> -> memref<5711x4096xf32, #tpu.memory_space<hbm>>
      tpu.wait_indirect_dma semaphore(%arg7 : memref<!tpu.dma_semaphore, #tpu.memory_space<semaphore_mem>>) src(%dma_wait3A_109 : memref<5711x4096xf32, #tpu.memory_space<hbm>>) dst(%arg6 : memref<8x4096xf32, #tpu.memory_space<vmem>>)
      %dma_start3A_110 = arith.constant 0 : i32
      %dma_start3A_111 = arith.constant 0 : i32
      %dma_start3A_112 = arith.constant 0 : i32
      %dma_start3A_113 = tpu.memref_slice %arg6[%dma_start3A_111, %dma_start3A_112] : memref<8x4096xf32, #tpu.memory_space<vmem>> -> memref<8x4096xf32, #tpu.memory_space<vmem>>
      %dma_start3A_114 = arith.constant 8 : i32
      %dma_start3A_115 = arith.constant 0 : i32
      %dma_start3A_116 = tpu.memref_slice %arg4[%dma_start3A_110, %dma_start3A_114, %dma_start3A_115] : memref<3x46x4096xf32, #tpu.memory_space<hbm>> -> memref<1x8x4096xf32, #tpu.memory_space<hbm>>
      %dma_start3A_117 = tpu.memref_squeeze %dma_start3A_116 : memref<1x8x4096xf32, #tpu.memory_space<hbm>> -> memref<8x4096xf32, #tpu.memory_space<hbm>>
      %dma_start3A_118 = arith.constant 8 : i32
      %dma_start3A_119 = arith.constant 0 : i32
      %dma_start3A_120 = tpu.memref_slice %arg4[%dma_start3A_110, %dma_start3A_118, %dma_start3A_119] : memref<3x46x4096xf32, #tpu.memory_space<hbm>> -> memref<1x8x4096xf32, #tpu.memory_space<hbm>>
      %dma_start3A_121 = tpu.memref_squeeze %dma_start3A_120 : memref<1x8x4096xf32, #tpu.memory_space<hbm>> -> memref<8x4096xf32, #tpu.memory_space<hbm>>
      %dma_start3A_122 = arith.constant 0 : i32
      %dma_start3A_123 = arith.constant 0 : i32
      %dma_start3A_124 = tpu.memref_slice %arg6[%dma_start3A_122, %dma_start3A_123] : memref<8x4096xf32, #tpu.memory_space<vmem>> -> memref<8x4096xf32, #tpu.memory_space<vmem>>
      tpu.enqueue_dma source(%dma_start3A_124 : memref<8x4096xf32, #tpu.memory_space<vmem>>) target(%dma_start3A_121 : memref<8x4096xf32, #tpu.memory_space<hbm>>) target_semaphore(%arg8 : memref<!tpu.dma_semaphore, #tpu.memory_space<semaphore_mem>>)
      %dma_wait3A_125 = arith.constant 0 : i32
      %dma_wait3A_126 = arith.constant 0 : i32
      %dma_wait3A_127 = arith.constant 0 : i32
      %dma_wait3A_128 = tpu.memref_slice %arg6[%dma_wait3A_126, %dma_wait3A_127] : memref<8x4096xf32, #tpu.memory_space<vmem>> -> memref<8x4096xf32, #tpu.memory_space<vmem>>
      %dma_wait3A_129 = arith.constant 8 : i32
      %dma_wait3A_130 = arith.constant 0 : i32
      %dma_wait3A_131 = tpu.memref_slice %arg4[%dma_wait3A_125, %dma_wait3A_129, %dma_wait3A_130] : memref<3x46x4096xf32, #tpu.memory_space<hbm>> -> memref<1x8x4096xf32, #tpu.memory_space<hbm>>
      %dma_wait3A_132 = tpu.memref_squeeze %dma_wait3A_131 : memref<1x8x4096xf32, #tpu.memory_space<hbm>> -> memref<8x4096xf32, #tpu.memory_space<hbm>>
      %dma_wait3A_133 = arith.constant 8 : i32
      %dma_wait3A_134 = arith.constant 0 : i32
      %dma_wait3A_135 = tpu.memref_slice %arg4[%dma_wait3A_125, %dma_wait3A_133, %dma_wait3A_134] : memref<3x46x4096xf32, #tpu.memory_space<hbm>> -> memref<1x8x4096xf32, #tpu.memory_space<hbm>>
      %dma_wait3A_136 = tpu.memref_squeeze %dma_wait3A_135 : memref<1x8x4096xf32, #tpu.memory_space<hbm>> -> memref<8x4096xf32, #tpu.memory_space<hbm>>
      %dma_wait3A_137 = arith.constant 0 : i32
      %dma_wait3A_138 = arith.constant 0 : i32
      %dma_wait3A_139 = tpu.memref_slice %arg6[%dma_wait3A_137, %dma_wait3A_138] : memref<8x4096xf32, #tpu.memory_space<vmem>> -> memref<8x4096xf32, #tpu.memory_space<vmem>>
      tpu.wait_dma2 semaphore(%arg8 : memref<!tpu.dma_semaphore, #tpu.memory_space<semaphore_mem>>) src(%dma_wait3A_139 : memref<8x4096xf32, #tpu.memory_space<vmem>>) dst(%dma_wait3A_136 : memref<8x4096xf32, #tpu.memory_space<hbm>>)
    } else {
    }
    %eq3A_12 = arith.constant 2 : i32
    %eq3A_13 = arith.cmpi eq, %add3A, %eq3A_12 : i32
    %convert_element_type3A_14 = arith.extui %eq3A_13 : i1 to i32
    %cond3A_15 = arith.constant 0 : i32
    %cond3A_16 = arith.cmpi ne, %convert_element_type3A_14, %cond3A_15 : i32
    scf.if %cond3A_16 {
      %dma_start3A = arith.constant 0 : i32
      %dma_start3A_92 = arith.constant 16 : i32
      %dma_start3A_93 = tpu.memref_slice %arg5[%dma_start3A_92] : memref<48xi32, #tpu.memory_space<vmem>> -> memref<8xi32, #tpu.memory_space<vmem>>
      %dma_start3A_94 = arith.constant 0 : i32
      %dma_start3A_95 = arith.constant 0 : i32
      %dma_start3A_96 = tpu.memref_slice %arg2[%dma_start3A, %dma_start3A_94, %dma_start3A_95] : memref<3x5711x4096xf32, #tpu.memory_space<hbm>> -> memref<1x5711x4096xf32, #tpu.memory_space<hbm>>
      %dma_start3A_97 = tpu.memref_squeeze %dma_start3A_96 : memref<1x5711x4096xf32, #tpu.memory_space<hbm>> -> memref<5711x4096xf32, #tpu.memory_space<hbm>>
      %dma_start3A_98 = arith.constant 0 : i32
      %dma_start3A_99 = arith.constant 0 : i32
      %dma_start3A_100 = tpu.memref_slice %dma_start3A_97[%dma_start3A_98, %dma_start3A_99] : memref<5711x4096xf32, #tpu.memory_space<hbm>> -> memref<5711x4096xf32, #tpu.memory_space<hbm>>
      tpu.enqueue_indirect_dma source(%dma_start3A_100 : memref<5711x4096xf32, #tpu.memory_space<hbm>>) target(%arg6 : memref<8x4096xf32, #tpu.memory_space<vmem>>) offsets(%dma_start3A_93 : memref<8xi32, #tpu.memory_space<vmem>>) semaphore(%arg7 : memref<!tpu.dma_semaphore, #tpu.memory_space<semaphore_mem>>)
      %dma_wait3A = arith.constant 0 : i32
      %dma_wait3A_101 = arith.constant 16 : i32
      %dma_wait3A_102 = tpu.memref_slice %arg5[%dma_wait3A_101] : memref<48xi32, #tpu.memory_space<vmem>> -> memref<8xi32, #tpu.memory_space<vmem>>
      %dma_wait3A_103 = arith.constant 0 : i32
      %dma_wait3A_104 = arith.constant 0 : i32
      %dma_wait3A_105 = tpu.memref_slice %arg2[%dma_wait3A, %dma_wait3A_103, %dma_wait3A_104] : memref<3x5711x4096xf32, #tpu.memory_space<hbm>> -> memref<1x5711x4096xf32, #tpu.memory_space<hbm>>
      %dma_wait3A_106 = tpu.memref_squeeze %dma_wait3A_105 : memref<1x5711x4096xf32, #tpu.memory_space<hbm>> -> memref<5711x4096xf32, #tpu.memory_space<hbm>>
      %dma_wait3A_107 = arith.constant 0 : i32
      %dma_wait3A_108 = arith.constant 0 : i32
      %dma_wait3A_109 = tpu.memref_slice %dma_wait3A_106[%dma_wait3A_107, %dma_wait3A_108] : memref<5711x4096xf32, #tpu.memory_space<hbm>> -> memref<5711x4096xf32, #tpu.memory_space<hbm>>
      tpu.wait_indirect_dma semaphore(%arg7 : memref<!tpu.dma_semaphore, #tpu.memory_space<semaphore_mem>>) src(%dma_wait3A_109 : memref<5711x4096xf32, #tpu.memory_space<hbm>>) dst(%arg6 : memref<8x4096xf32, #tpu.memory_space<vmem>>)
      %dma_start3A_110 = arith.constant 0 : i32
      %dma_start3A_111 = arith.constant 0 : i32
      %dma_start3A_112 = arith.constant 0 : i32
      %dma_start3A_113 = tpu.memref_slice %arg6[%dma_start3A_111, %dma_start3A_112] : memref<8x4096xf32, #tpu.memory_space<vmem>> -> memref<8x4096xf32, #tpu.memory_space<vmem>>
      %dma_start3A_114 = arith.constant 16 : i32
      %dma_start3A_115 = arith.constant 0 : i32
      %dma_start3A_116 = tpu.memref_slice %arg4[%dma_start3A_110, %dma_start3A_114, %dma_start3A_115] : memref<3x46x4096xf32, #tpu.memory_space<hbm>> -> memref<1x8x4096xf32, #tpu.memory_space<hbm>>
      %dma_start3A_117 = tpu.memref_squeeze %dma_start3A_116 : memref<1x8x4096xf32, #tpu.memory_space<hbm>> -> memref<8x4096xf32, #tpu.memory_space<hbm>>
      %dma_start3A_118 = arith.constant 16 : i32
      %dma_start3A_119 = arith.constant 0 : i32
      %dma_start3A_120 = tpu.memref_slice %arg4[%dma_start3A_110, %dma_start3A_118, %dma_start3A_119] : memref<3x46x4096xf32, #tpu.memory_space<hbm>> -> memref<1x8x4096xf32, #tpu.memory_space<hbm>>
      %dma_start3A_121 = tpu.memref_squeeze %dma_start3A_120 : memref<1x8x4096xf32, #tpu.memory_space<hbm>> -> memref<8x4096xf32, #tpu.memory_space<hbm>>
      %dma_start3A_122 = arith.constant 0 : i32
      %dma_start3A_123 = arith.constant 0 : i32
      %dma_start3A_124 = tpu.memref_slice %arg6[%dma_start3A_122, %dma_start3A_123] : memref<8x4096xf32, #tpu.memory_space<vmem>> -> memref<8x4096xf32, #tpu.memory_space<vmem>>
      tpu.enqueue_dma source(%dma_start3A_124 : memref<8x4096xf32, #tpu.memory_space<vmem>>) target(%dma_start3A_121 : memref<8x4096xf32, #tpu.memory_space<hbm>>) target_semaphore(%arg8 : memref<!tpu.dma_semaphore, #tpu.memory_space<semaphore_mem>>)
      %dma_wait3A_125 = arith.constant 0 : i32
      %dma_wait3A_126 = arith.constant 0 : i32
      %dma_wait3A_127 = arith.constant 0 : i32
      %dma_wait3A_128 = tpu.memref_slice %arg6[%dma_wait3A_126, %dma_wait3A_127] : memref<8x4096xf32, #tpu.memory_space<vmem>> -> memref<8x4096xf32, #tpu.memory_space<vmem>>
      %dma_wait3A_129 = arith.constant 16 : i32
      %dma_wait3A_130 = arith.constant 0 : i32
      %dma_wait3A_131 = tpu.memref_slice %arg4[%dma_wait3A_125, %dma_wait3A_129, %dma_wait3A_130] : memref<3x46x4096xf32, #tpu.memory_space<hbm>> -> memref<1x8x4096xf32, #tpu.memory_space<hbm>>
      %dma_wait3A_132 = tpu.memref_squeeze %dma_wait3A_131 : memref<1x8x4096xf32, #tpu.memory_space<hbm>> -> memref<8x4096xf32, #tpu.memory_space<hbm>>
      %dma_wait3A_133 = arith.constant 16 : i32
      %dma_wait3A_134 = arith.constant 0 : i32
      %dma_wait3A_135 = tpu.memref_slice %arg4[%dma_wait3A_125, %dma_wait3A_133, %dma_wait3A_134] : memref<3x46x4096xf32, #tpu.memory_space<hbm>> -> memref<1x8x4096xf32, #tpu.memory_space<hbm>>
      %dma_wait3A_136 = tpu.memref_squeeze %dma_wait3A_135 : memref<1x8x4096xf32, #tpu.memory_space<hbm>> -> memref<8x4096xf32, #tpu.memory_space<hbm>>
      %dma_wait3A_137 = arith.constant 0 : i32
      %dma_wait3A_138 = arith.constant 0 : i32
      %dma_wait3A_139 = tpu.memref_slice %arg6[%dma_wait3A_137, %dma_wait3A_138] : memref<8x4096xf32, #tpu.memory_space<vmem>> -> memref<8x4096xf32, #tpu.memory_space<vmem>>
      tpu.wait_dma2 semaphore(%arg8 : memref<!tpu.dma_semaphore, #tpu.memory_space<semaphore_mem>>) src(%dma_wait3A_139 : memref<8x4096xf32, #tpu.memory_space<vmem>>) dst(%dma_wait3A_136 : memref<8x4096xf32, #tpu.memory_space<hbm>>)
    } else {
    }
    %eq3A_17 = arith.constant 3 : i32
    %eq3A_18 = arith.cmpi eq, %add3A, %eq3A_17 : i32
    %convert_element_type3A_19 = arith.extui %eq3A_18 : i1 to i32
    %cond3A_20 = arith.constant 0 : i32
    %cond3A_21 = arith.cmpi ne, %convert_element_type3A_19, %cond3A_20 : i32
    scf.if %cond3A_21 {
      %dma_start3A = arith.constant 0 : i32
      %dma_start3A_92 = arith.constant 24 : i32
      %dma_start3A_93 = tpu.memref_slice %arg5[%dma_start3A_92] : memref<48xi32, #tpu.memory_space<vmem>> -> memref<8xi32, #tpu.memory_space<vmem>>
      %dma_start3A_94 = arith.constant 0 : i32
      %dma_start3A_95 = arith.constant 0 : i32
      %dma_start3A_96 = tpu.memref_slice %arg2[%dma_start3A, %dma_start3A_94, %dma_start3A_95] : memref<3x5711x4096xf32, #tpu.memory_space<hbm>> -> memref<1x5711x4096xf32, #tpu.memory_space<hbm>>
      %dma_start3A_97 = tpu.memref_squeeze %dma_start3A_96 : memref<1x5711x4096xf32, #tpu.memory_space<hbm>> -> memref<5711x4096xf32, #tpu.memory_space<hbm>>
      %dma_start3A_98 = arith.constant 0 : i32
      %dma_start3A_99 = arith.constant 0 : i32
      %dma_start3A_100 = tpu.memref_slice %dma_start3A_97[%dma_start3A_98, %dma_start3A_99] : memref<5711x4096xf32, #tpu.memory_space<hbm>> -> memref<5711x4096xf32, #tpu.memory_space<hbm>>
      tpu.enqueue_indirect_dma source(%dma_start3A_100 : memref<5711x4096xf32, #tpu.memory_space<hbm>>) target(%arg6 : memref<8x4096xf32, #tpu.memory_space<vmem>>) offsets(%dma_start3A_93 : memref<8xi32, #tpu.memory_space<vmem>>) semaphore(%arg7 : memref<!tpu.dma_semaphore, #tpu.memory_space<semaphore_mem>>)
      %dma_wait3A = arith.constant 0 : i32
      %dma_wait3A_101 = arith.constant 24 : i32
      %dma_wait3A_102 = tpu.memref_slice %arg5[%dma_wait3A_101] : memref<48xi32, #tpu.memory_space<vmem>> -> memref<8xi32, #tpu.memory_space<vmem>>
      %dma_wait3A_103 = arith.constant 0 : i32
      %dma_wait3A_104 = arith.constant 0 : i32
      %dma_wait3A_105 = tpu.memref_slice %arg2[%dma_wait3A, %dma_wait3A_103, %dma_wait3A_104] : memref<3x5711x4096xf32, #tpu.memory_space<hbm>> -> memref<1x5711x4096xf32, #tpu.memory_space<hbm>>
      %dma_wait3A_106 = tpu.memref_squeeze %dma_wait3A_105 : memref<1x5711x4096xf32, #tpu.memory_space<hbm>> -> memref<5711x4096xf32, #tpu.memory_space<hbm>>
      %dma_wait3A_107 = arith.constant 0 : i32
      %dma_wait3A_108 = arith.constant 0 : i32
      %dma_wait3A_109 = tpu.memref_slice %dma_wait3A_106[%dma_wait3A_107, %dma_wait3A_108] : memref<5711x4096xf32, #tpu.memory_space<hbm>> -> memref<5711x4096xf32, #tpu.memory_space<hbm>>
      tpu.wait_indirect_dma semaphore(%arg7 : memref<!tpu.dma_semaphore, #tpu.memory_space<semaphore_mem>>) src(%dma_wait3A_109 : memref<5711x4096xf32, #tpu.memory_space<hbm>>) dst(%arg6 : memref<8x4096xf32, #tpu.memory_space<vmem>>)
      %dma_start3A_110 = arith.constant 0 : i32
      %dma_start3A_111 = arith.constant 0 : i32
      %dma_start3A_112 = arith.constant 0 : i32
      %dma_start3A_113 = tpu.memref_slice %arg6[%dma_start3A_111, %dma_start3A_112] : memref<8x4096xf32, #tpu.memory_space<vmem>> -> memref<8x4096xf32, #tpu.memory_space<vmem>>
      %dma_start3A_114 = arith.constant 24 : i32
      %dma_start3A_115 = arith.constant 0 : i32
      %dma_start3A_116 = tpu.memref_slice %arg4[%dma_start3A_110, %dma_start3A_114, %dma_start3A_115] : memref<3x46x4096xf32, #tpu.memory_space<hbm>> -> memref<1x8x4096xf32, #tpu.memory_space<hbm>>
      %dma_start3A_117 = tpu.memref_squeeze %dma_start3A_116 : memref<1x8x4096xf32, #tpu.memory_space<hbm>> -> memref<8x4096xf32, #tpu.memory_space<hbm>>
      %dma_start3A_118 = arith.constant 24 : i32
      %dma_start3A_119 = arith.constant 0 : i32
      %dma_start3A_120 = tpu.memref_slice %arg4[%dma_start3A_110, %dma_start3A_118, %dma_start3A_119] : memref<3x46x4096xf32, #tpu.memory_space<hbm>> -> memref<1x8x4096xf32, #tpu.memory_space<hbm>>
      %dma_start3A_121 = tpu.memref_squeeze %dma_start3A_120 : memref<1x8x4096xf32, #tpu.memory_space<hbm>> -> memref<8x4096xf32, #tpu.memory_space<hbm>>
      %dma_start3A_122 = arith.constant 0 : i32
      %dma_start3A_123 = arith.constant 0 : i32
      %dma_start3A_124 = tpu.memref_slice %arg6[%dma_start3A_122, %dma_start3A_123] : memref<8x4096xf32, #tpu.memory_space<vmem>> -> memref<8x4096xf32, #tpu.memory_space<vmem>>
      tpu.enqueue_dma source(%dma_start3A_124 : memref<8x4096xf32, #tpu.memory_space<vmem>>) target(%dma_start3A_121 : memref<8x4096xf32, #tpu.memory_space<hbm>>) target_semaphore(%arg8 : memref<!tpu.dma_semaphore, #tpu.memory_space<semaphore_mem>>)
      %dma_wait3A_125 = arith.constant 0 : i32
      %dma_wait3A_126 = arith.constant 0 : i32
      %dma_wait3A_127 = arith.constant 0 : i32
      %dma_wait3A_128 = tpu.memref_slice %arg6[%dma_wait3A_126, %dma_wait3A_127] : memref<8x4096xf32, #tpu.memory_space<vmem>> -> memref<8x4096xf32, #tpu.memory_space<vmem>>
      %dma_wait3A_129 = arith.constant 24 : i32
      %dma_wait3A_130 = arith.constant 0 : i32
      %dma_wait3A_131 = tpu.memref_slice %arg4[%dma_wait3A_125, %dma_wait3A_129, %dma_wait3A_130] : memref<3x46x4096xf32, #tpu.memory_space<hbm>> -> memref<1x8x4096xf32, #tpu.memory_space<hbm>>
      %dma_wait3A_132 = tpu.memref_squeeze %dma_wait3A_131 : memref<1x8x4096xf32, #tpu.memory_space<hbm>> -> memref<8x4096xf32, #tpu.memory_space<hbm>>
      %dma_wait3A_133 = arith.constant 24 : i32
      %dma_wait3A_134 = arith.constant 0 : i32
      %dma_wait3A_135 = tpu.memref_slice %arg4[%dma_wait3A_125, %dma_wait3A_133, %dma_wait3A_134] : memref<3x46x4096xf32, #tpu.memory_space<hbm>> -> memref<1x8x4096xf32, #tpu.memory_space<hbm>>
      %dma_wait3A_136 = tpu.memref_squeeze %dma_wait3A_135 : memref<1x8x4096xf32, #tpu.memory_space<hbm>> -> memref<8x4096xf32, #tpu.memory_space<hbm>>
      %dma_wait3A_137 = arith.constant 0 : i32
      %dma_wait3A_138 = arith.constant 0 : i32
      %dma_wait3A_139 = tpu.memref_slice %arg6[%dma_wait3A_137, %dma_wait3A_138] : memref<8x4096xf32, #tpu.memory_space<vmem>> -> memref<8x4096xf32, #tpu.memory_space<vmem>>
      tpu.wait_dma2 semaphore(%arg8 : memref<!tpu.dma_semaphore, #tpu.memory_space<semaphore_mem>>) src(%dma_wait3A_139 : memref<8x4096xf32, #tpu.memory_space<vmem>>) dst(%dma_wait3A_136 : memref<8x4096xf32, #tpu.memory_space<hbm>>)
    } else {
    }
    %eq3A_22 = arith.constant 4 : i32
    %eq3A_23 = arith.cmpi eq, %add3A, %eq3A_22 : i32
    %convert_element_type3A_24 = arith.extui %eq3A_23 : i1 to i32
    %cond3A_25 = arith.constant 0 : i32
    %cond3A_26 = arith.cmpi ne, %convert_element_type3A_24, %cond3A_25 : i32
    scf.if %cond3A_26 {
      %dma_start3A = arith.constant 0 : i32
      %dma_start3A_92 = arith.constant 32 : i32
      %dma_start3A_93 = tpu.memref_slice %arg5[%dma_start3A_92] : memref<48xi32, #tpu.memory_space<vmem>> -> memref<8xi32, #tpu.memory_space<vmem>>
      %dma_start3A_94 = arith.constant 0 : i32
      %dma_start3A_95 = arith.constant 0 : i32
      %dma_start3A_96 = tpu.memref_slice %arg2[%dma_start3A, %dma_start3A_94, %dma_start3A_95] : memref<3x5711x4096xf32, #tpu.memory_space<hbm>> -> memref<1x5711x4096xf32, #tpu.memory_space<hbm>>
      %dma_start3A_97 = tpu.memref_squeeze %dma_start3A_96 : memref<1x5711x4096xf32, #tpu.memory_space<hbm>> -> memref<5711x4096xf32, #tpu.memory_space<hbm>>
      %dma_start3A_98 = arith.constant 0 : i32
      %dma_start3A_99 = arith.constant 0 : i32
      %dma_start3A_100 = tpu.memref_slice %dma_start3A_97[%dma_start3A_98, %dma_start3A_99] : memref<5711x4096xf32, #tpu.memory_space<hbm>> -> memref<5711x4096xf32, #tpu.memory_space<hbm>>
      tpu.enqueue_indirect_dma source(%dma_start3A_100 : memref<5711x4096xf32, #tpu.memory_space<hbm>>) target(%arg6 : memref<8x4096xf32, #tpu.memory_space<vmem>>) offsets(%dma_start3A_93 : memref<8xi32, #tpu.memory_space<vmem>>) semaphore(%arg7 : memref<!tpu.dma_semaphore, #tpu.memory_space<semaphore_mem>>)
      %dma_wait3A = arith.constant 0 : i32
      %dma_wait3A_101 = arith.constant 32 : i32
      %dma_wait3A_102 = tpu.memref_slice %arg5[%dma_wait3A_101] : memref<48xi32, #tpu.memory_space<vmem>> -> memref<8xi32, #tpu.memory_space<vmem>>
      %dma_wait3A_103 = arith.constant 0 : i32
      %dma_wait3A_104 = arith.constant 0 : i32
      %dma_wait3A_105 = tpu.memref_slice %arg2[%dma_wait3A, %dma_wait3A_103, %dma_wait3A_104] : memref<3x5711x4096xf32, #tpu.memory_space<hbm>> -> memref<1x5711x4096xf32, #tpu.memory_space<hbm>>
      %dma_wait3A_106 = tpu.memref_squeeze %dma_wait3A_105 : memref<1x5711x4096xf32, #tpu.memory_space<hbm>> -> memref<5711x4096xf32, #tpu.memory_space<hbm>>
      %dma_wait3A_107 = arith.constant 0 : i32
      %dma_wait3A_108 = arith.constant 0 : i32
      %dma_wait3A_109 = tpu.memref_slice %dma_wait3A_106[%dma_wait3A_107, %dma_wait3A_108] : memref<5711x4096xf32, #tpu.memory_space<hbm>> -> memref<5711x4096xf32, #tpu.memory_space<hbm>>
      tpu.wait_indirect_dma semaphore(%arg7 : memref<!tpu.dma_semaphore, #tpu.memory_space<semaphore_mem>>) src(%dma_wait3A_109 : memref<5711x4096xf32, #tpu.memory_space<hbm>>) dst(%arg6 : memref<8x4096xf32, #tpu.memory_space<vmem>>)
      %dma_start3A_110 = arith.constant 0 : i32
      %dma_start3A_111 = arith.constant 0 : i32
      %dma_start3A_112 = arith.constant 0 : i32
      %dma_start3A_113 = tpu.memref_slice %arg6[%dma_start3A_111, %dma_start3A_112] : memref<8x4096xf32, #tpu.memory_space<vmem>> -> memref<8x4096xf32, #tpu.memory_space<vmem>>
      %dma_start3A_114 = arith.constant 32 : i32
      %dma_start3A_115 = arith.constant 0 : i32
      %dma_start3A_116 = tpu.memref_slice %arg4[%dma_start3A_110, %dma_start3A_114, %dma_start3A_115] : memref<3x46x4096xf32, #tpu.memory_space<hbm>> -> memref<1x8x4096xf32, #tpu.memory_space<hbm>>
      %dma_start3A_117 = tpu.memref_squeeze %dma_start3A_116 : memref<1x8x4096xf32, #tpu.memory_space<hbm>> -> memref<8x4096xf32, #tpu.memory_space<hbm>>
      %dma_start3A_118 = arith.constant 32 : i32
      %dma_start3A_119 = arith.constant 0 : i32
      %dma_start3A_120 = tpu.memref_slice %arg4[%dma_start3A_110, %dma_start3A_118, %dma_start3A_119] : memref<3x46x4096xf32, #tpu.memory_space<hbm>> -> memref<1x8x4096xf32, #tpu.memory_space<hbm>>
      %dma_start3A_121 = tpu.memref_squeeze %dma_start3A_120 : memref<1x8x4096xf32, #tpu.memory_space<hbm>> -> memref<8x4096xf32, #tpu.memory_space<hbm>>
      %dma_start3A_122 = arith.constant 0 : i32
      %dma_start3A_123 = arith.constant 0 : i32
      %dma_start3A_124 = tpu.memref_slice %arg6[%dma_start3A_122, %dma_start3A_123] : memref<8x4096xf32, #tpu.memory_space<vmem>> -> memref<8x4096xf32, #tpu.memory_space<vmem>>
      tpu.enqueue_dma source(%dma_start3A_124 : memref<8x4096xf32, #tpu.memory_space<vmem>>) target(%dma_start3A_121 : memref<8x4096xf32, #tpu.memory_space<hbm>>) target_semaphore(%arg8 : memref<!tpu.dma_semaphore, #tpu.memory_space<semaphore_mem>>)
      %dma_wait3A_125 = arith.constant 0 : i32
      %dma_wait3A_126 = arith.constant 0 : i32
      %dma_wait3A_127 = arith.constant 0 : i32
      %dma_wait3A_128 = tpu.memref_slice %arg6[%dma_wait3A_126, %dma_wait3A_127] : memref<8x4096xf32, #tpu.memory_space<vmem>> -> memref<8x4096xf32, #tpu.memory_space<vmem>>
      %dma_wait3A_129 = arith.constant 32 : i32
      %dma_wait3A_130 = arith.constant 0 : i32
      %dma_wait3A_131 = tpu.memref_slice %arg4[%dma_wait3A_125, %dma_wait3A_129, %dma_wait3A_130] : memref<3x46x4096xf32, #tpu.memory_space<hbm>> -> memref<1x8x4096xf32, #tpu.memory_space<hbm>>
      %dma_wait3A_132 = tpu.memref_squeeze %dma_wait3A_131 : memref<1x8x4096xf32, #tpu.memory_space<hbm>> -> memref<8x4096xf32, #tpu.memory_space<hbm>>
      %dma_wait3A_133 = arith.constant 32 : i32
      %dma_wait3A_134 = arith.constant 0 : i32
      %dma_wait3A_135 = tpu.memref_slice %arg4[%dma_wait3A_125, %dma_wait3A_133, %dma_wait3A_134] : memref<3x46x4096xf32, #tpu.memory_space<hbm>> -> memref<1x8x4096xf32, #tpu.memory_space<hbm>>
      %dma_wait3A_136 = tpu.memref_squeeze %dma_wait3A_135 : memref<1x8x4096xf32, #tpu.memory_space<hbm>> -> memref<8x4096xf32, #tpu.memory_space<hbm>>
      %dma_wait3A_137 = arith.constant 0 : i32
      %dma_wait3A_138 = arith.constant 0 : i32
      %dma_wait3A_139 = tpu.memref_slice %arg6[%dma_wait3A_137, %dma_wait3A_138] : memref<8x4096xf32, #tpu.memory_space<vmem>> -> memref<8x4096xf32, #tpu.memory_space<vmem>>
      tpu.wait_dma2 semaphore(%arg8 : memref<!tpu.dma_semaphore, #tpu.memory_space<semaphore_mem>>) src(%dma_wait3A_139 : memref<8x4096xf32, #tpu.memory_space<vmem>>) dst(%dma_wait3A_136 : memref<8x4096xf32, #tpu.memory_space<hbm>>)
    } else {
    }
    %eq3A_27 = arith.constant 5 : i32
    %eq3A_28 = arith.cmpi eq, %add3A, %eq3A_27 : i32
    %convert_element_type3A_29 = arith.extui %eq3A_28 : i1 to i32
    %cond3A_30 = arith.constant 0 : i32
    %cond3A_31 = arith.cmpi ne, %convert_element_type3A_29, %cond3A_30 : i32
    scf.if %cond3A_31 {
      %dma_start3A = arith.constant 0 : i32
      %dma_start3A_92 = arith.constant 40 : i32
      %dma_start3A_93 = tpu.memref_slice %arg5[%dma_start3A_92] : memref<48xi32, #tpu.memory_space<vmem>> -> memref<8xi32, #tpu.memory_space<vmem>>
      %dma_start3A_94 = arith.constant 0 : i32
      %dma_start3A_95 = arith.constant 0 : i32
      %dma_start3A_96 = tpu.memref_slice %arg2[%dma_start3A, %dma_start3A_94, %dma_start3A_95] : memref<3x5711x4096xf32, #tpu.memory_space<hbm>> -> memref<1x5711x4096xf32, #tpu.memory_space<hbm>>
      %dma_start3A_97 = tpu.memref_squeeze %dma_start3A_96 : memref<1x5711x4096xf32, #tpu.memory_space<hbm>> -> memref<5711x4096xf32, #tpu.memory_space<hbm>>
      %dma_start3A_98 = arith.constant 0 : i32
      %dma_start3A_99 = arith.constant 0 : i32
      %dma_start3A_100 = tpu.memref_slice %dma_start3A_97[%dma_start3A_98, %dma_start3A_99] : memref<5711x4096xf32, #tpu.memory_space<hbm>> -> memref<5711x4096xf32, #tpu.memory_space<hbm>>
      tpu.enqueue_indirect_dma source(%dma_start3A_100 : memref<5711x4096xf32, #tpu.memory_space<hbm>>) target(%arg6 : memref<8x4096xf32, #tpu.memory_space<vmem>>) offsets(%dma_start3A_93 : memref<8xi32, #tpu.memory_space<vmem>>) semaphore(%arg7 : memref<!tpu.dma_semaphore, #tpu.memory_space<semaphore_mem>>)
      %dma_wait3A = arith.constant 0 : i32
      %dma_wait3A_101 = arith.constant 40 : i32
      %dma_wait3A_102 = tpu.memref_slice %arg5[%dma_wait3A_101] : memref<48xi32, #tpu.memory_space<vmem>> -> memref<8xi32, #tpu.memory_space<vmem>>
      %dma_wait3A_103 = arith.constant 0 : i32
      %dma_wait3A_104 = arith.constant 0 : i32
      %dma_wait3A_105 = tpu.memref_slice %arg2[%dma_wait3A, %dma_wait3A_103, %dma_wait3A_104] : memref<3x5711x4096xf32, #tpu.memory_space<hbm>> -> memref<1x5711x4096xf32, #tpu.memory_space<hbm>>
      %dma_wait3A_106 = tpu.memref_squeeze %dma_wait3A_105 : memref<1x5711x4096xf32, #tpu.memory_space<hbm>> -> memref<5711x4096xf32, #tpu.memory_space<hbm>>
      %dma_wait3A_107 = arith.constant 0 : i32
      %dma_wait3A_108 = arith.constant 0 : i32
      %dma_wait3A_109 = tpu.memref_slice %dma_wait3A_106[%dma_wait3A_107, %dma_wait3A_108] : memref<5711x4096xf32, #tpu.memory_space<hbm>> -> memref<5711x4096xf32, #tpu.memory_space<hbm>>
      tpu.wait_indirect_dma semaphore(%arg7 : memref<!tpu.dma_semaphore, #tpu.memory_space<semaphore_mem>>) src(%dma_wait3A_109 : memref<5711x4096xf32, #tpu.memory_space<hbm>>) dst(%arg6 : memref<8x4096xf32, #tpu.memory_space<vmem>>)
      %dma_start3A_110 = arith.constant 0 : i32
      %dma_start3A_111 = arith.constant 0 : i32
      %dma_start3A_112 = arith.constant 0 : i32
      %dma_start3A_113 = tpu.memref_slice %arg6[%dma_start3A_111, %dma_start3A_112] : memref<8x4096xf32, #tpu.memory_space<vmem>> -> memref<6x4096xf32, #tpu.memory_space<vmem>>
      %dma_start3A_114 = arith.constant 40 : i32
      %dma_start3A_115 = arith.constant 0 : i32
      %dma_start3A_116 = tpu.memref_slice %arg4[%dma_start3A_110, %dma_start3A_114, %dma_start3A_115] : memref<3x46x4096xf32, #tpu.memory_space<hbm>> -> memref<1x6x4096xf32, #tpu.memory_space<hbm>>
      %dma_start3A_117 = tpu.memref_squeeze %dma_start3A_116 : memref<1x6x4096xf32, #tpu.memory_space<hbm>> -> memref<6x4096xf32, #tpu.memory_space<hbm>>
      %dma_start3A_118 = arith.constant 40 : i32
      %dma_start3A_119 = arith.constant 0 : i32
      %dma_start3A_120 = tpu.memref_slice %arg4[%dma_start3A_110, %dma_start3A_118, %dma_start3A_119] : memref<3x46x4096xf32, #tpu.memory_space<hbm>> -> memref<1x6x4096xf32, #tpu.memory_space<hbm>>
      %dma_start3A_121 = tpu.memref_squeeze %dma_start3A_120 : memref<1x6x4096xf32, #tpu.memory_space<hbm>> -> memref<6x4096xf32, #tpu.memory_space<hbm>>
      %dma_start3A_122 = arith.constant 0 : i32
      %dma_start3A_123 = arith.constant 0 : i32
      %dma_start3A_124 = tpu.memref_slice %arg6[%dma_start3A_122, %dma_start3A_123] : memref<8x4096xf32, #tpu.memory_space<vmem>> -> memref<6x4096xf32, #tpu.memory_space<vmem>>
      tpu.enqueue_dma source(%dma_start3A_124 : memref<6x4096xf32, #tpu.memory_space<vmem>>) target(%dma_start3A_121 : memref<6x4096xf32, #tpu.memory_space<hbm>>) target_semaphore(%arg8 : memref<!tpu.dma_semaphore, #tpu.memory_space<semaphore_mem>>)
      %dma_wait3A_125 = arith.constant 0 : i32
      %dma_wait3A_126 = arith.constant 0 : i32
      %dma_wait3A_127 = arith.constant 0 : i32
      %dma_wait3A_128 = tpu.memref_slice %arg6[%dma_wait3A_126, %dma_wait3A_127] : memref<8x4096xf32, #tpu.memory_space<vmem>> -> memref<6x4096xf32, #tpu.memory_space<vmem>>
      %dma_wait3A_129 = arith.constant 40 : i32
      %dma_wait3A_130 = arith.constant 0 : i32
      %dma_wait3A_131 = tpu.memref_slice %arg4[%dma_wait3A_125, %dma_wait3A_129, %dma_wait3A_130] : memref<3x46x4096xf32, #tpu.memory_space<hbm>> -> memref<1x6x4096xf32, #tpu.memory_space<hbm>>
      %dma_wait3A_132 = tpu.memref_squeeze %dma_wait3A_131 : memref<1x6x4096xf32, #tpu.memory_space<hbm>> -> memref<6x4096xf32, #tpu.memory_space<hbm>>
      %dma_wait3A_133 = arith.constant 40 : i32
      %dma_wait3A_134 = arith.constant 0 : i32
      %dma_wait3A_135 = tpu.memref_slice %arg4[%dma_wait3A_125, %dma_wait3A_133, %dma_wait3A_134] : memref<3x46x4096xf32, #tpu.memory_space<hbm>> -> memref<1x6x4096xf32, #tpu.memory_space<hbm>>
      %dma_wait3A_136 = tpu.memref_squeeze %dma_wait3A_135 : memref<1x6x4096xf32, #tpu.memory_space<hbm>> -> memref<6x4096xf32, #tpu.memory_space<hbm>>
      %dma_wait3A_137 = arith.constant 0 : i32
      %dma_wait3A_138 = arith.constant 0 : i32
      %dma_wait3A_139 = tpu.memref_slice %arg6[%dma_wait3A_137, %dma_wait3A_138] : memref<8x4096xf32, #tpu.memory_space<vmem>> -> memref<6x4096xf32, #tpu.memory_space<vmem>>
      tpu.wait_dma2 semaphore(%arg8 : memref<!tpu.dma_semaphore, #tpu.memory_space<semaphore_mem>>) src(%dma_wait3A_139 : memref<6x4096xf32, #tpu.memory_space<vmem>>) dst(%dma_wait3A_136 : memref<6x4096xf32, #tpu.memory_space<hbm>>)
    } else {
    }
    %eq3A_32 = arith.constant 6 : i32
    %eq3A_33 = arith.cmpi eq, %add3A, %eq3A_32 : i32
    %convert_element_type3A_34 = arith.extui %eq3A_33 : i1 to i32
    %cond3A_35 = arith.constant 0 : i32
    %cond3A_36 = arith.cmpi ne, %convert_element_type3A_34, %cond3A_35 : i32
    scf.if %cond3A_36 {
      %dma_start3A = arith.constant 1 : i32
      %dma_start3A_92 = arith.constant 0 : i32
      %dma_start3A_93 = tpu.memref_slice %arg5[%dma_start3A_92] : memref<48xi32, #tpu.memory_space<vmem>> -> memref<8xi32, #tpu.memory_space<vmem>>
      %dma_start3A_94 = arith.constant 0 : i32
      %dma_start3A_95 = arith.constant 0 : i32
      %dma_start3A_96 = tpu.memref_slice %arg2[%dma_start3A, %dma_start3A_94, %dma_start3A_95] : memref<3x5711x4096xf32, #tpu.memory_space<hbm>> -> memref<1x5711x4096xf32, #tpu.memory_space<hbm>>
      %dma_start3A_97 = tpu.memref_squeeze %dma_start3A_96 : memref<1x5711x4096xf32, #tpu.memory_space<hbm>> -> memref<5711x4096xf32, #tpu.memory_space<hbm>>
      %dma_start3A_98 = arith.constant 0 : i32
      %dma_start3A_99 = arith.constant 0 : i32
      %dma_start3A_100 = tpu.memref_slice %dma_start3A_97[%dma_start3A_98, %dma_start3A_99] : memref<5711x4096xf32, #tpu.memory_space<hbm>> -> memref<5711x4096xf32, #tpu.memory_space<hbm>>
      tpu.enqueue_indirect_dma source(%dma_start3A_100 : memref<5711x4096xf32, #tpu.memory_space<hbm>>) target(%arg6 : memref<8x4096xf32, #tpu.memory_space<vmem>>) offsets(%dma_start3A_93 : memref<8xi32, #tpu.memory_space<vmem>>) semaphore(%arg7 : memref<!tpu.dma_semaphore, #tpu.memory_space<semaphore_mem>>)
      %dma_wait3A = arith.constant 1 : i32
      %dma_wait3A_101 = arith.constant 0 : i32
      %dma_wait3A_102 = tpu.memref_slice %arg5[%dma_wait3A_101] : memref<48xi32, #tpu.memory_space<vmem>> -> memref<8xi32, #tpu.memory_space<vmem>>
      %dma_wait3A_103 = arith.constant 0 : i32
      %dma_wait3A_104 = arith.constant 0 : i32
      %dma_wait3A_105 = tpu.memref_slice %arg2[%dma_wait3A, %dma_wait3A_103, %dma_wait3A_104] : memref<3x5711x4096xf32, #tpu.memory_space<hbm>> -> memref<1x5711x4096xf32, #tpu.memory_space<hbm>>
      %dma_wait3A_106 = tpu.memref_squeeze %dma_wait3A_105 : memref<1x5711x4096xf32, #tpu.memory_space<hbm>> -> memref<5711x4096xf32, #tpu.memory_space<hbm>>
      %dma_wait3A_107 = arith.constant 0 : i32
      %dma_wait3A_108 = arith.constant 0 : i32
      %dma_wait3A_109 = tpu.memref_slice %dma_wait3A_106[%dma_wait3A_107, %dma_wait3A_108] : memref<5711x4096xf32, #tpu.memory_space<hbm>> -> memref<5711x4096xf32, #tpu.memory_space<hbm>>
      tpu.wait_indirect_dma semaphore(%arg7 : memref<!tpu.dma_semaphore, #tpu.memory_space<semaphore_mem>>) src(%dma_wait3A_109 : memref<5711x4096xf32, #tpu.memory_space<hbm>>) dst(%arg6 : memref<8x4096xf32, #tpu.memory_space<vmem>>)
      %dma_start3A_110 = arith.constant 1 : i32
      %dma_start3A_111 = arith.constant 0 : i32
      %dma_start3A_112 = arith.constant 0 : i32
      %dma_start3A_113 = tpu.memref_slice %arg6[%dma_start3A_111, %dma_start3A_112] : memref<8x4096xf32, #tpu.memory_space<vmem>> -> memref<8x4096xf32, #tpu.memory_space<vmem>>
      %dma_start3A_114 = arith.constant 0 : i32
      %dma_start3A_115 = arith.constant 0 : i32
      %dma_start3A_116 = tpu.memref_slice %arg4[%dma_start3A_110, %dma_start3A_114, %dma_start3A_115] : memref<3x46x4096xf32, #tpu.memory_space<hbm>> -> memref<1x8x4096xf32, #tpu.memory_space<hbm>>
      %dma_start3A_117 = tpu.memref_squeeze %dma_start3A_116 : memref<1x8x4096xf32, #tpu.memory_space<hbm>> -> memref<8x4096xf32, #tpu.memory_space<hbm>>
      %dma_start3A_118 = arith.constant 0 : i32
      %dma_start3A_119 = arith.constant 0 : i32
      %dma_start3A_120 = tpu.memref_slice %arg4[%dma_start3A_110, %dma_start3A_118, %dma_start3A_119] : memref<3x46x4096xf32, #tpu.memory_space<hbm>> -> memref<1x8x4096xf32, #tpu.memory_space<hbm>>
      %dma_start3A_121 = tpu.memref_squeeze %dma_start3A_120 : memref<1x8x4096xf32, #tpu.memory_space<hbm>> -> memref<8x4096xf32, #tpu.memory_space<hbm>>
      %dma_start3A_122 = arith.constant 0 : i32
      %dma_start3A_123 = arith.constant 0 : i32
      %dma_start3A_124 = tpu.memref_slice %arg6[%dma_start3A_122, %dma_start3A_123] : memref<8x4096xf32, #tpu.memory_space<vmem>> -> memref<8x4096xf32, #tpu.memory_space<vmem>>
      tpu.enqueue_dma source(%dma_start3A_124 : memref<8x4096xf32, #tpu.memory_space<vmem>>) target(%dma_start3A_121 : memref<8x4096xf32, #tpu.memory_space<hbm>>) target_semaphore(%arg8 : memref<!tpu.dma_semaphore, #tpu.memory_space<semaphore_mem>>)
      %dma_wait3A_125 = arith.constant 1 : i32
      %dma_wait3A_126 = arith.constant 0 : i32
      %dma_wait3A_127 = arith.constant 0 : i32
      %dma_wait3A_128 = tpu.memref_slice %arg6[%dma_wait3A_126, %dma_wait3A_127] : memref<8x4096xf32, #tpu.memory_space<vmem>> -> memref<8x4096xf32, #tpu.memory_space<vmem>>
      %dma_wait3A_129 = arith.constant 0 : i32
      %dma_wait3A_130 = arith.constant 0 : i32
      %dma_wait3A_131 = tpu.memref_slice %arg4[%dma_wait3A_125, %dma_wait3A_129, %dma_wait3A_130] : memref<3x46x4096xf32, #tpu.memory_space<hbm>> -> memref<1x8x4096xf32, #tpu.memory_space<hbm>>
      %dma_wait3A_132 = tpu.memref_squeeze %dma_wait3A_131 : memref<1x8x4096xf32, #tpu.memory_space<hbm>> -> memref<8x4096xf32, #tpu.memory_space<hbm>>
      %dma_wait3A_133 = arith.constant 0 : i32
      %dma_wait3A_134 = arith.constant 0 : i32
      %dma_wait3A_135 = tpu.memref_slice %arg4[%dma_wait3A_125, %dma_wait3A_133, %dma_wait3A_134] : memref<3x46x4096xf32, #tpu.memory_space<hbm>> -> memref<1x8x4096xf32, #tpu.memory_space<hbm>>
      %dma_wait3A_136 = tpu.memref_squeeze %dma_wait3A_135 : memref<1x8x4096xf32, #tpu.memory_space<hbm>> -> memref<8x4096xf32, #tpu.memory_space<hbm>>
      %dma_wait3A_137 = arith.constant 0 : i32
      %dma_wait3A_138 = arith.constant 0 : i32
      %dma_wait3A_139 = tpu.memref_slice %arg6[%dma_wait3A_137, %dma_wait3A_138] : memref<8x4096xf32, #tpu.memory_space<vmem>> -> memref<8x4096xf32, #tpu.memory_space<vmem>>
      tpu.wait_dma2 semaphore(%arg8 : memref<!tpu.dma_semaphore, #tpu.memory_space<semaphore_mem>>) src(%dma_wait3A_139 : memref<8x4096xf32, #tpu.memory_space<vmem>>) dst(%dma_wait3A_136 : memref<8x4096xf32, #tpu.memory_space<hbm>>)
    } else {
    }
    %eq3A_37 = arith.constant 7 : i32
    %eq3A_38 = arith.cmpi eq, %add3A, %eq3A_37 : i32
    %convert_element_type3A_39 = arith.extui %eq3A_38 : i1 to i32
    %cond3A_40 = arith.constant 0 : i32
    %cond3A_41 = arith.cmpi ne, %convert_element_type3A_39, %cond3A_40 : i32
    scf.if %cond3A_41 {
      %dma_start3A = arith.constant 1 : i32
      %dma_start3A_92 = arith.constant 8 : i32
      %dma_start3A_93 = tpu.memref_slice %arg5[%dma_start3A_92] : memref<48xi32, #tpu.memory_space<vmem>> -> memref<8xi32, #tpu.memory_space<vmem>>
      %dma_start3A_94 = arith.constant 0 : i32
      %dma_start3A_95 = arith.constant 0 : i32
      %dma_start3A_96 = tpu.memref_slice %arg2[%dma_start3A, %dma_start3A_94, %dma_start3A_95] : memref<3x5711x4096xf32, #tpu.memory_space<hbm>> -> memref<1x5711x4096xf32, #tpu.memory_space<hbm>>
      %dma_start3A_97 = tpu.memref_squeeze %dma_start3A_96 : memref<1x5711x4096xf32, #tpu.memory_space<hbm>> -> memref<5711x4096xf32, #tpu.memory_space<hbm>>
      %dma_start3A_98 = arith.constant 0 : i32
      %dma_start3A_99 = arith.constant 0 : i32
      %dma_start3A_100 = tpu.memref_slice %dma_start3A_97[%dma_start3A_98, %dma_start3A_99] : memref<5711x4096xf32, #tpu.memory_space<hbm>> -> memref<5711x4096xf32, #tpu.memory_space<hbm>>
      tpu.enqueue_indirect_dma source(%dma_start3A_100 : memref<5711x4096xf32, #tpu.memory_space<hbm>>) target(%arg6 : memref<8x4096xf32, #tpu.memory_space<vmem>>) offsets(%dma_start3A_93 : memref<8xi32, #tpu.memory_space<vmem>>) semaphore(%arg7 : memref<!tpu.dma_semaphore, #tpu.memory_space<semaphore_mem>>)
      %dma_wait3A = arith.constant 1 : i32
      %dma_wait3A_101 = arith.constant 8 : i32
      %dma_wait3A_102 = tpu.memref_slice %arg5[%dma_wait3A_101] : memref<48xi32, #tpu.memory_space<vmem>> -> memref<8xi32, #tpu.memory_space<vmem>>
      %dma_wait3A_103 = arith.constant 0 : i32
      %dma_wait3A_104 = arith.constant 0 : i32
      %dma_wait3A_105 = tpu.memref_slice %arg2[%dma_wait3A, %dma_wait3A_103, %dma_wait3A_104] : memref<3x5711x4096xf32, #tpu.memory_space<hbm>> -> memref<1x5711x4096xf32, #tpu.memory_space<hbm>>
      %dma_wait3A_106 = tpu.memref_squeeze %dma_wait3A_105 : memref<1x5711x4096xf32, #tpu.memory_space<hbm>> -> memref<5711x4096xf32, #tpu.memory_space<hbm>>
      %dma_wait3A_107 = arith.constant 0 : i32
      %dma_wait3A_108 = arith.constant 0 : i32
      %dma_wait3A_109 = tpu.memref_slice %dma_wait3A_106[%dma_wait3A_107, %dma_wait3A_108] : memref<5711x4096xf32, #tpu.memory_space<hbm>> -> memref<5711x4096xf32, #tpu.memory_space<hbm>>
      tpu.wait_indirect_dma semaphore(%arg7 : memref<!tpu.dma_semaphore, #tpu.memory_space<semaphore_mem>>) src(%dma_wait3A_109 : memref<5711x4096xf32, #tpu.memory_space<hbm>>) dst(%arg6 : memref<8x4096xf32, #tpu.memory_space<vmem>>)
      %dma_start3A_110 = arith.constant 1 : i32
      %dma_start3A_111 = arith.constant 0 : i32
      %dma_start3A_112 = arith.constant 0 : i32
      %dma_start3A_113 = tpu.memref_slice %arg6[%dma_start3A_111, %dma_start3A_112] : memref<8x4096xf32, #tpu.memory_space<vmem>> -> memref<8x4096xf32, #tpu.memory_space<vmem>>
      %dma_start3A_114 = arith.constant 8 : i32
      %dma_start3A_115 = arith.constant 0 : i32
      %dma_start3A_116 = tpu.memref_slice %arg4[%dma_start3A_110, %dma_start3A_114, %dma_start3A_115] : memref<3x46x4096xf32, #tpu.memory_space<hbm>> -> memref<1x8x4096xf32, #tpu.memory_space<hbm>>
      %dma_start3A_117 = tpu.memref_squeeze %dma_start3A_116 : memref<1x8x4096xf32, #tpu.memory_space<hbm>> -> memref<8x4096xf32, #tpu.memory_space<hbm>>
      %dma_start3A_118 = arith.constant 8 : i32
      %dma_start3A_119 = arith.constant 0 : i32
      %dma_start3A_120 = tpu.memref_slice %arg4[%dma_start3A_110, %dma_start3A_118, %dma_start3A_119] : memref<3x46x4096xf32, #tpu.memory_space<hbm>> -> memref<1x8x4096xf32, #tpu.memory_space<hbm>>
      %dma_start3A_121 = tpu.memref_squeeze %dma_start3A_120 : memref<1x8x4096xf32, #tpu.memory_space<hbm>> -> memref<8x4096xf32, #tpu.memory_space<hbm>>
      %dma_start3A_122 = arith.constant 0 : i32
      %dma_start3A_123 = arith.constant 0 : i32
      %dma_start3A_124 = tpu.memref_slice %arg6[%dma_start3A_122, %dma_start3A_123] : memref<8x4096xf32, #tpu.memory_space<vmem>> -> memref<8x4096xf32, #tpu.memory_space<vmem>>
      tpu.enqueue_dma source(%dma_start3A_124 : memref<8x4096xf32, #tpu.memory_space<vmem>>) target(%dma_start3A_121 : memref<8x4096xf32, #tpu.memory_space<hbm>>) target_semaphore(%arg8 : memref<!tpu.dma_semaphore, #tpu.memory_space<semaphore_mem>>)
      %dma_wait3A_125 = arith.constant 1 : i32
      %dma_wait3A_126 = arith.constant 0 : i32
      %dma_wait3A_127 = arith.constant 0 : i32
      %dma_wait3A_128 = tpu.memref_slice %arg6[%dma_wait3A_126, %dma_wait3A_127] : memref<8x4096xf32, #tpu.memory_space<vmem>> -> memref<8x4096xf32, #tpu.memory_space<vmem>>
      %dma_wait3A_129 = arith.constant 8 : i32
      %dma_wait3A_130 = arith.constant 0 : i32
      %dma_wait3A_131 = tpu.memref_slice %arg4[%dma_wait3A_125, %dma_wait3A_129, %dma_wait3A_130] : memref<3x46x4096xf32, #tpu.memory_space<hbm>> -> memref<1x8x4096xf32, #tpu.memory_space<hbm>>
      %dma_wait3A_132 = tpu.memref_squeeze %dma_wait3A_131 : memref<1x8x4096xf32, #tpu.memory_space<hbm>> -> memref<8x4096xf32, #tpu.memory_space<hbm>>
      %dma_wait3A_133 = arith.constant 8 : i32
      %dma_wait3A_134 = arith.constant 0 : i32
      %dma_wait3A_135 = tpu.memref_slice %arg4[%dma_wait3A_125, %dma_wait3A_133, %dma_wait3A_134] : memref<3x46x4096xf32, #tpu.memory_space<hbm>> -> memref<1x8x4096xf32, #tpu.memory_space<hbm>>
      %dma_wait3A_136 = tpu.memref_squeeze %dma_wait3A_135 : memref<1x8x4096xf32, #tpu.memory_space<hbm>> -> memref<8x4096xf32, #tpu.memory_space<hbm>>
      %dma_wait3A_137 = arith.constant 0 : i32
      %dma_wait3A_138 = arith.constant 0 : i32
      %dma_wait3A_139 = tpu.memref_slice %arg6[%dma_wait3A_137, %dma_wait3A_138] : memref<8x4096xf32, #tpu.memory_space<vmem>> -> memref<8x4096xf32, #tpu.memory_space<vmem>>
      tpu.wait_dma2 semaphore(%arg8 : memref<!tpu.dma_semaphore, #tpu.memory_space<semaphore_mem>>) src(%dma_wait3A_139 : memref<8x4096xf32, #tpu.memory_space<vmem>>) dst(%dma_wait3A_136 : memref<8x4096xf32, #tpu.memory_space<hbm>>)
    } else {
    }
    %eq3A_42 = arith.constant 8 : i32
    %eq3A_43 = arith.cmpi eq, %add3A, %eq3A_42 : i32
    %convert_element_type3A_44 = arith.extui %eq3A_43 : i1 to i32
    %cond3A_45 = arith.constant 0 : i32
    %cond3A_46 = arith.cmpi ne, %convert_element_type3A_44, %cond3A_45 : i32
    scf.if %cond3A_46 {
      %dma_start3A = arith.constant 1 : i32
      %dma_start3A_92 = arith.constant 16 : i32
      %dma_start3A_93 = tpu.memref_slice %arg5[%dma_start3A_92] : memref<48xi32, #tpu.memory_space<vmem>> -> memref<8xi32, #tpu.memory_space<vmem>>
      %dma_start3A_94 = arith.constant 0 : i32
      %dma_start3A_95 = arith.constant 0 : i32
      %dma_start3A_96 = tpu.memref_slice %arg2[%dma_start3A, %dma_start3A_94, %dma_start3A_95] : memref<3x5711x4096xf32, #tpu.memory_space<hbm>> -> memref<1x5711x4096xf32, #tpu.memory_space<hbm>>
      %dma_start3A_97 = tpu.memref_squeeze %dma_start3A_96 : memref<1x5711x4096xf32, #tpu.memory_space<hbm>> -> memref<5711x4096xf32, #tpu.memory_space<hbm>>
      %dma_start3A_98 = arith.constant 0 : i32
      %dma_start3A_99 = arith.constant 0 : i32
      %dma_start3A_100 = tpu.memref_slice %dma_start3A_97[%dma_start3A_98, %dma_start3A_99] : memref<5711x4096xf32, #tpu.memory_space<hbm>> -> memref<5711x4096xf32, #tpu.memory_space<hbm>>
      tpu.enqueue_indirect_dma source(%dma_start3A_100 : memref<5711x4096xf32, #tpu.memory_space<hbm>>) target(%arg6 : memref<8x4096xf32, #tpu.memory_space<vmem>>) offsets(%dma_start3A_93 : memref<8xi32, #tpu.memory_space<vmem>>) semaphore(%arg7 : memref<!tpu.dma_semaphore, #tpu.memory_space<semaphore_mem>>)
      %dma_wait3A = arith.constant 1 : i32
      %dma_wait3A_101 = arith.constant 16 : i32
      %dma_wait3A_102 = tpu.memref_slice %arg5[%dma_wait3A_101] : memref<48xi32, #tpu.memory_space<vmem>> -> memref<8xi32, #tpu.memory_space<vmem>>
      %dma_wait3A_103 = arith.constant 0 : i32
      %dma_wait3A_104 = arith.constant 0 : i32
      %dma_wait3A_105 = tpu.memref_slice %arg2[%dma_wait3A, %dma_wait3A_103, %dma_wait3A_104] : memref<3x5711x4096xf32, #tpu.memory_space<hbm>> -> memref<1x5711x4096xf32, #tpu.memory_space<hbm>>
      %dma_wait3A_106 = tpu.memref_squeeze %dma_wait3A_105 : memref<1x5711x4096xf32, #tpu.memory_space<hbm>> -> memref<5711x4096xf32, #tpu.memory_space<hbm>>
      %dma_wait3A_107 = arith.constant 0 : i32
      %dma_wait3A_108 = arith.constant 0 : i32
      %dma_wait3A_109 = tpu.memref_slice %dma_wait3A_106[%dma_wait3A_107, %dma_wait3A_108] : memref<5711x4096xf32, #tpu.memory_space<hbm>> -> memref<5711x4096xf32, #tpu.memory_space<hbm>>
      tpu.wait_indirect_dma semaphore(%arg7 : memref<!tpu.dma_semaphore, #tpu.memory_space<semaphore_mem>>) src(%dma_wait3A_109 : memref<5711x4096xf32, #tpu.memory_space<hbm>>) dst(%arg6 : memref<8x4096xf32, #tpu.memory_space<vmem>>)
      %dma_start3A_110 = arith.constant 1 : i32
      %dma_start3A_111 = arith.constant 0 : i32
      %dma_start3A_112 = arith.constant 0 : i32
      %dma_start3A_113 = tpu.memref_slice %arg6[%dma_start3A_111, %dma_start3A_112] : memref<8x4096xf32, #tpu.memory_space<vmem>> -> memref<8x4096xf32, #tpu.memory_space<vmem>>
      %dma_start3A_114 = arith.constant 16 : i32
      %dma_start3A_115 = arith.constant 0 : i32
      %dma_start3A_116 = tpu.memref_slice %arg4[%dma_start3A_110, %dma_start3A_114, %dma_start3A_115] : memref<3x46x4096xf32, #tpu.memory_space<hbm>> -> memref<1x8x4096xf32, #tpu.memory_space<hbm>>
      %dma_start3A_117 = tpu.memref_squeeze %dma_start3A_116 : memref<1x8x4096xf32, #tpu.memory_space<hbm>> -> memref<8x4096xf32, #tpu.memory_space<hbm>>
      %dma_start3A_118 = arith.constant 16 : i32
      %dma_start3A_119 = arith.constant 0 : i32
      %dma_start3A_120 = tpu.memref_slice %arg4[%dma_start3A_110, %dma_start3A_118, %dma_start3A_119] : memref<3x46x4096xf32, #tpu.memory_space<hbm>> -> memref<1x8x4096xf32, #tpu.memory_space<hbm>>
      %dma_start3A_121 = tpu.memref_squeeze %dma_start3A_120 : memref<1x8x4096xf32, #tpu.memory_space<hbm>> -> memref<8x4096xf32, #tpu.memory_space<hbm>>
      %dma_start3A_122 = arith.constant 0 : i32
      %dma_start3A_123 = arith.constant 0 : i32
      %dma_start3A_124 = tpu.memref_slice %arg6[%dma_start3A_122, %dma_start3A_123] : memref<8x4096xf32, #tpu.memory_space<vmem>> -> memref<8x4096xf32, #tpu.memory_space<vmem>>
      tpu.enqueue_dma source(%dma_start3A_124 : memref<8x4096xf32, #tpu.memory_space<vmem>>) target(%dma_start3A_121 : memref<8x4096xf32, #tpu.memory_space<hbm>>) target_semaphore(%arg8 : memref<!tpu.dma_semaphore, #tpu.memory_space<semaphore_mem>>)
      %dma_wait3A_125 = arith.constant 1 : i32
      %dma_wait3A_126 = arith.constant 0 : i32
      %dma_wait3A_127 = arith.constant 0 : i32
      %dma_wait3A_128 = tpu.memref_slice %arg6[%dma_wait3A_126, %dma_wait3A_127] : memref<8x4096xf32, #tpu.memory_space<vmem>> -> memref<8x4096xf32, #tpu.memory_space<vmem>>
      %dma_wait3A_129 = arith.constant 16 : i32
      %dma_wait3A_130 = arith.constant 0 : i32
      %dma_wait3A_131 = tpu.memref_slice %arg4[%dma_wait3A_125, %dma_wait3A_129, %dma_wait3A_130] : memref<3x46x4096xf32, #tpu.memory_space<hbm>> -> memref<1x8x4096xf32, #tpu.memory_space<hbm>>
      %dma_wait3A_132 = tpu.memref_squeeze %dma_wait3A_131 : memref<1x8x4096xf32, #tpu.memory_space<hbm>> -> memref<8x4096xf32, #tpu.memory_space<hbm>>
      %dma_wait3A_133 = arith.constant 16 : i32
      %dma_wait3A_134 = arith.constant 0 : i32
      %dma_wait3A_135 = tpu.memref_slice %arg4[%dma_wait3A_125, %dma_wait3A_133, %dma_wait3A_134] : memref<3x46x4096xf32, #tpu.memory_space<hbm>> -> memref<1x8x4096xf32, #tpu.memory_space<hbm>>
      %dma_wait3A_136 = tpu.memref_squeeze %dma_wait3A_135 : memref<1x8x4096xf32, #tpu.memory_space<hbm>> -> memref<8x4096xf32, #tpu.memory_space<hbm>>
      %dma_wait3A_137 = arith.constant 0 : i32
      %dma_wait3A_138 = arith.constant 0 : i32
      %dma_wait3A_139 = tpu.memref_slice %arg6[%dma_wait3A_137, %dma_wait3A_138] : memref<8x4096xf32, #tpu.memory_space<vmem>> -> memref<8x4096xf32, #tpu.memory_space<vmem>>
      tpu.wait_dma2 semaphore(%arg8 : memref<!tpu.dma_semaphore, #tpu.memory_space<semaphore_mem>>) src(%dma_wait3A_139 : memref<8x4096xf32, #tpu.memory_space<vmem>>) dst(%dma_wait3A_136 : memref<8x4096xf32, #tpu.memory_space<hbm>>)
    } else {
    }
    %eq3A_47 = arith.constant 9 : i32
    %eq3A_48 = arith.cmpi eq, %add3A, %eq3A_47 : i32
    %convert_element_type3A_49 = arith.extui %eq3A_48 : i1 to i32
    %cond3A_50 = arith.constant 0 : i32
    %cond3A_51 = arith.cmpi ne, %convert_element_type3A_49, %cond3A_50 : i32
    scf.if %cond3A_51 {
      %dma_start3A = arith.constant 1 : i32
      %dma_start3A_92 = arith.constant 24 : i32
      %dma_start3A_93 = tpu.memref_slice %arg5[%dma_start3A_92] : memref<48xi32, #tpu.memory_space<vmem>> -> memref<8xi32, #tpu.memory_space<vmem>>
      %dma_start3A_94 = arith.constant 0 : i32
      %dma_start3A_95 = arith.constant 0 : i32
      %dma_start3A_96 = tpu.memref_slice %arg2[%dma_start3A, %dma_start3A_94, %dma_start3A_95] : memref<3x5711x4096xf32, #tpu.memory_space<hbm>> -> memref<1x5711x4096xf32, #tpu.memory_space<hbm>>
      %dma_start3A_97 = tpu.memref_squeeze %dma_start3A_96 : memref<1x5711x4096xf32, #tpu.memory_space<hbm>> -> memref<5711x4096xf32, #tpu.memory_space<hbm>>
      %dma_start3A_98 = arith.constant 0 : i32
      %dma_start3A_99 = arith.constant 0 : i32
      %dma_start3A_100 = tpu.memref_slice %dma_start3A_97[%dma_start3A_98, %dma_start3A_99] : memref<5711x4096xf32, #tpu.memory_space<hbm>> -> memref<5711x4096xf32, #tpu.memory_space<hbm>>
      tpu.enqueue_indirect_dma source(%dma_start3A_100 : memref<5711x4096xf32, #tpu.memory_space<hbm>>) target(%arg6 : memref<8x4096xf32, #tpu.memory_space<vmem>>) offsets(%dma_start3A_93 : memref<8xi32, #tpu.memory_space<vmem>>) semaphore(%arg7 : memref<!tpu.dma_semaphore, #tpu.memory_space<semaphore_mem>>)
      %dma_wait3A = arith.constant 1 : i32
      %dma_wait3A_101 = arith.constant 24 : i32
      %dma_wait3A_102 = tpu.memref_slice %arg5[%dma_wait3A_101] : memref<48xi32, #tpu.memory_space<vmem>> -> memref<8xi32, #tpu.memory_space<vmem>>
      %dma_wait3A_103 = arith.constant 0 : i32
      %dma_wait3A_104 = arith.constant 0 : i32
      %dma_wait3A_105 = tpu.memref_slice %arg2[%dma_wait3A, %dma_wait3A_103, %dma_wait3A_104] : memref<3x5711x4096xf32, #tpu.memory_space<hbm>> -> memref<1x5711x4096xf32, #tpu.memory_space<hbm>>
      %dma_wait3A_106 = tpu.memref_squeeze %dma_wait3A_105 : memref<1x5711x4096xf32, #tpu.memory_space<hbm>> -> memref<5711x4096xf32, #tpu.memory_space<hbm>>
      %dma_wait3A_107 = arith.constant 0 : i32
      %dma_wait3A_108 = arith.constant 0 : i32
      %dma_wait3A_109 = tpu.memref_slice %dma_wait3A_106[%dma_wait3A_107, %dma_wait3A_108] : memref<5711x4096xf32, #tpu.memory_space<hbm>> -> memref<5711x4096xf32, #tpu.memory_space<hbm>>
      tpu.wait_indirect_dma semaphore(%arg7 : memref<!tpu.dma_semaphore, #tpu.memory_space<semaphore_mem>>) src(%dma_wait3A_109 : memref<5711x4096xf32, #tpu.memory_space<hbm>>) dst(%arg6 : memref<8x4096xf32, #tpu.memory_space<vmem>>)
      %dma_start3A_110 = arith.constant 1 : i32
      %dma_start3A_111 = arith.constant 0 : i32
      %dma_start3A_112 = arith.constant 0 : i32
      %dma_start3A_113 = tpu.memref_slice %arg6[%dma_start3A_111, %dma_start3A_112] : memref<8x4096xf32, #tpu.memory_space<vmem>> -> memref<8x4096xf32, #tpu.memory_space<vmem>>
      %dma_start3A_114 = arith.constant 24 : i32
      %dma_start3A_115 = arith.constant 0 : i32
      %dma_start3A_116 = tpu.memref_slice %arg4[%dma_start3A_110, %dma_start3A_114, %dma_start3A_115] : memref<3x46x4096xf32, #tpu.memory_space<hbm>> -> memref<1x8x4096xf32, #tpu.memory_space<hbm>>
      %dma_start3A_117 = tpu.memref_squeeze %dma_start3A_116 : memref<1x8x4096xf32, #tpu.memory_space<hbm>> -> memref<8x4096xf32, #tpu.memory_space<hbm>>
      %dma_start3A_118 = arith.constant 24 : i32
      %dma_start3A_119 = arith.constant 0 : i32
      %dma_start3A_120 = tpu.memref_slice %arg4[%dma_start3A_110, %dma_start3A_118, %dma_start3A_119] : memref<3x46x4096xf32, #tpu.memory_space<hbm>> -> memref<1x8x4096xf32, #tpu.memory_space<hbm>>
      %dma_start3A_121 = tpu.memref_squeeze %dma_start3A_120 : memref<1x8x4096xf32, #tpu.memory_space<hbm>> -> memref<8x4096xf32, #tpu.memory_space<hbm>>
      %dma_start3A_122 = arith.constant 0 : i32
      %dma_start3A_123 = arith.constant 0 : i32
      %dma_start3A_124 = tpu.memref_slice %arg6[%dma_start3A_122, %dma_start3A_123] : memref<8x4096xf32, #tpu.memory_space<vmem>> -> memref<8x4096xf32, #tpu.memory_space<vmem>>
      tpu.enqueue_dma source(%dma_start3A_124 : memref<8x4096xf32, #tpu.memory_space<vmem>>) target(%dma_start3A_121 : memref<8x4096xf32, #tpu.memory_space<hbm>>) target_semaphore(%arg8 : memref<!tpu.dma_semaphore, #tpu.memory_space<semaphore_mem>>)
      %dma_wait3A_125 = arith.constant 1 : i32
      %dma_wait3A_126 = arith.constant 0 : i32
      %dma_wait3A_127 = arith.constant 0 : i32
      %dma_wait3A_128 = tpu.memref_slice %arg6[%dma_wait3A_126, %dma_wait3A_127] : memref<8x4096xf32, #tpu.memory_space<vmem>> -> memref<8x4096xf32, #tpu.memory_space<vmem>>
      %dma_wait3A_129 = arith.constant 24 : i32
      %dma_wait3A_130 = arith.constant 0 : i32
      %dma_wait3A_131 = tpu.memref_slice %arg4[%dma_wait3A_125, %dma_wait3A_129, %dma_wait3A_130] : memref<3x46x4096xf32, #tpu.memory_space<hbm>> -> memref<1x8x4096xf32, #tpu.memory_space<hbm>>
      %dma_wait3A_132 = tpu.memref_squeeze %dma_wait3A_131 : memref<1x8x4096xf32, #tpu.memory_space<hbm>> -> memref<8x4096xf32, #tpu.memory_space<hbm>>
      %dma_wait3A_133 = arith.constant 24 : i32
      %dma_wait3A_134 = arith.constant 0 : i32
      %dma_wait3A_135 = tpu.memref_slice %arg4[%dma_wait3A_125, %dma_wait3A_133, %dma_wait3A_134] : memref<3x46x4096xf32, #tpu.memory_space<hbm>> -> memref<1x8x4096xf32, #tpu.memory_space<hbm>>
      %dma_wait3A_136 = tpu.memref_squeeze %dma_wait3A_135 : memref<1x8x4096xf32, #tpu.memory_space<hbm>> -> memref<8x4096xf32, #tpu.memory_space<hbm>>
      %dma_wait3A_137 = arith.constant 0 : i32
      %dma_wait3A_138 = arith.constant 0 : i32
      %dma_wait3A_139 = tpu.memref_slice %arg6[%dma_wait3A_137, %dma_wait3A_138] : memref<8x4096xf32, #tpu.memory_space<vmem>> -> memref<8x4096xf32, #tpu.memory_space<vmem>>
      tpu.wait_dma2 semaphore(%arg8 : memref<!tpu.dma_semaphore, #tpu.memory_space<semaphore_mem>>) src(%dma_wait3A_139 : memref<8x4096xf32, #tpu.memory_space<vmem>>) dst(%dma_wait3A_136 : memref<8x4096xf32, #tpu.memory_space<hbm>>)
    } else {
    }
    %eq3A_52 = arith.constant 10 : i32
    %eq3A_53 = arith.cmpi eq, %add3A, %eq3A_52 : i32
    %convert_element_type3A_54 = arith.extui %eq3A_53 : i1 to i32
    %cond3A_55 = arith.constant 0 : i32
    %cond3A_56 = arith.cmpi ne, %convert_element_type3A_54, %cond3A_55 : i32
    scf.if %cond3A_56 {
      %dma_start3A = arith.constant 1 : i32
      %dma_start3A_92 = arith.constant 32 : i32
      %dma_start3A_93 = tpu.memref_slice %arg5[%dma_start3A_92] : memref<48xi32, #tpu.memory_space<vmem>> -> memref<8xi32, #tpu.memory_space<vmem>>
      %dma_start3A_94 = arith.constant 0 : i32
      %dma_start3A_95 = arith.constant 0 : i32
      %dma_start3A_96 = tpu.memref_slice %arg2[%dma_start3A, %dma_start3A_94, %dma_start3A_95] : memref<3x5711x4096xf32, #tpu.memory_space<hbm>> -> memref<1x5711x4096xf32, #tpu.memory_space<hbm>>
      %dma_start3A_97 = tpu.memref_squeeze %dma_start3A_96 : memref<1x5711x4096xf32, #tpu.memory_space<hbm>> -> memref<5711x4096xf32, #tpu.memory_space<hbm>>
      %dma_start3A_98 = arith.constant 0 : i32
      %dma_start3A_99 = arith.constant 0 : i32
      %dma_start3A_100 = tpu.memref_slice %dma_start3A_97[%dma_start3A_98, %dma_start3A_99] : memref<5711x4096xf32, #tpu.memory_space<hbm>> -> memref<5711x4096xf32, #tpu.memory_space<hbm>>
      tpu.enqueue_indirect_dma source(%dma_start3A_100 : memref<5711x4096xf32, #tpu.memory_space<hbm>>) target(%arg6 : memref<8x4096xf32, #tpu.memory_space<vmem>>) offsets(%dma_start3A_93 : memref<8xi32, #tpu.memory_space<vmem>>) semaphore(%arg7 : memref<!tpu.dma_semaphore, #tpu.memory_space<semaphore_mem>>)
      %dma_wait3A = arith.constant 1 : i32
      %dma_wait3A_101 = arith.constant 32 : i32
      %dma_wait3A_102 = tpu.memref_slice %arg5[%dma_wait3A_101] : memref<48xi32, #tpu.memory_space<vmem>> -> memref<8xi32, #tpu.memory_space<vmem>>
      %dma_wait3A_103 = arith.constant 0 : i32
      %dma_wait3A_104 = arith.constant 0 : i32
      %dma_wait3A_105 = tpu.memref_slice %arg2[%dma_wait3A, %dma_wait3A_103, %dma_wait3A_104] : memref<3x5711x4096xf32, #tpu.memory_space<hbm>> -> memref<1x5711x4096xf32, #tpu.memory_space<hbm>>
      %dma_wait3A_106 = tpu.memref_squeeze %dma_wait3A_105 : memref<1x5711x4096xf32, #tpu.memory_space<hbm>> -> memref<5711x4096xf32, #tpu.memory_space<hbm>>
      %dma_wait3A_107 = arith.constant 0 : i32
      %dma_wait3A_108 = arith.constant 0 : i32
      %dma_wait3A_109 = tpu.memref_slice %dma_wait3A_106[%dma_wait3A_107, %dma_wait3A_108] : memref<5711x4096xf32, #tpu.memory_space<hbm>> -> memref<5711x4096xf32, #tpu.memory_space<hbm>>
      tpu.wait_indirect_dma semaphore(%arg7 : memref<!tpu.dma_semaphore, #tpu.memory_space<semaphore_mem>>) src(%dma_wait3A_109 : memref<5711x4096xf32, #tpu.memory_space<hbm>>) dst(%arg6 : memref<8x4096xf32, #tpu.memory_space<vmem>>)
      %dma_start3A_110 = arith.constant 1 : i32
      %dma_start3A_111 = arith.constant 0 : i32
      %dma_start3A_112 = arith.constant 0 : i32
      %dma_start3A_113 = tpu.memref_slice %arg6[%dma_start3A_111, %dma_start3A_112] : memref<8x4096xf32, #tpu.memory_space<vmem>> -> memref<8x4096xf32, #tpu.memory_space<vmem>>
      %dma_start3A_114 = arith.constant 32 : i32
      %dma_start3A_115 = arith.constant 0 : i32
      %dma_start3A_116 = tpu.memref_slice %arg4[%dma_start3A_110, %dma_start3A_114, %dma_start3A_115] : memref<3x46x4096xf32, #tpu.memory_space<hbm>> -> memref<1x8x4096xf32, #tpu.memory_space<hbm>>
      %dma_start3A_117 = tpu.memref_squeeze %dma_start3A_116 : memref<1x8x4096xf32, #tpu.memory_space<hbm>> -> memref<8x4096xf32, #tpu.memory_space<hbm>>
      %dma_start3A_118 = arith.constant 32 : i32
      %dma_start3A_119 = arith.constant 0 : i32
      %dma_start3A_120 = tpu.memref_slice %arg4[%dma_start3A_110, %dma_start3A_118, %dma_start3A_119] : memref<3x46x4096xf32, #tpu.memory_space<hbm>> -> memref<1x8x4096xf32, #tpu.memory_space<hbm>>
      %dma_start3A_121 = tpu.memref_squeeze %dma_start3A_120 : memref<1x8x4096xf32, #tpu.memory_space<hbm>> -> memref<8x4096xf32, #tpu.memory_space<hbm>>
      %dma_start3A_122 = arith.constant 0 : i32
      %dma_start3A_123 = arith.constant 0 : i32
      %dma_start3A_124 = tpu.memref_slice %arg6[%dma_start3A_122, %dma_start3A_123] : memref<8x4096xf32, #tpu.memory_space<vmem>> -> memref<8x4096xf32, #tpu.memory_space<vmem>>
      tpu.enqueue_dma source(%dma_start3A_124 : memref<8x4096xf32, #tpu.memory_space<vmem>>) target(%dma_start3A_121 : memref<8x4096xf32, #tpu.memory_space<hbm>>) target_semaphore(%arg8 : memref<!tpu.dma_semaphore, #tpu.memory_space<semaphore_mem>>)
      %dma_wait3A_125 = arith.constant 1 : i32
      %dma_wait3A_126 = arith.constant 0 : i32
      %dma_wait3A_127 = arith.constant 0 : i32
      %dma_wait3A_128 = tpu.memref_slice %arg6[%dma_wait3A_126, %dma_wait3A_127] : memref<8x4096xf32, #tpu.memory_space<vmem>> -> memref<8x4096xf32, #tpu.memory_space<vmem>>
      %dma_wait3A_129 = arith.constant 32 : i32
      %dma_wait3A_130 = arith.constant 0 : i32
      %dma_wait3A_131 = tpu.memref_slice %arg4[%dma_wait3A_125, %dma_wait3A_129, %dma_wait3A_130] : memref<3x46x4096xf32, #tpu.memory_space<hbm>> -> memref<1x8x4096xf32, #tpu.memory_space<hbm>>
      %dma_wait3A_132 = tpu.memref_squeeze %dma_wait3A_131 : memref<1x8x4096xf32, #tpu.memory_space<hbm>> -> memref<8x4096xf32, #tpu.memory_space<hbm>>
      %dma_wait3A_133 = arith.constant 32 : i32
      %dma_wait3A_134 = arith.constant 0 : i32
      %dma_wait3A_135 = tpu.memref_slice %arg4[%dma_wait3A_125, %dma_wait3A_133, %dma_wait3A_134] : memref<3x46x4096xf32, #tpu.memory_space<hbm>> -> memref<1x8x4096xf32, #tpu.memory_space<hbm>>
      %dma_wait3A_136 = tpu.memref_squeeze %dma_wait3A_135 : memref<1x8x4096xf32, #tpu.memory_space<hbm>> -> memref<8x4096xf32, #tpu.memory_space<hbm>>
      %dma_wait3A_137 = arith.constant 0 : i32
      %dma_wait3A_138 = arith.constant 0 : i32
      %dma_wait3A_139 = tpu.memref_slice %arg6[%dma_wait3A_137, %dma_wait3A_138] : memref<8x4096xf32, #tpu.memory_space<vmem>> -> memref<8x4096xf32, #tpu.memory_space<vmem>>
      tpu.wait_dma2 semaphore(%arg8 : memref<!tpu.dma_semaphore, #tpu.memory_space<semaphore_mem>>) src(%dma_wait3A_139 : memref<8x4096xf32, #tpu.memory_space<vmem>>) dst(%dma_wait3A_136 : memref<8x4096xf32, #tpu.memory_space<hbm>>)
    } else {
    }
    %eq3A_57 = arith.constant 11 : i32
    %eq3A_58 = arith.cmpi eq, %add3A, %eq3A_57 : i32
    %convert_element_type3A_59 = arith.extui %eq3A_58 : i1 to i32
    %cond3A_60 = arith.constant 0 : i32
    %cond3A_61 = arith.cmpi ne, %convert_element_type3A_59, %cond3A_60 : i32
    scf.if %cond3A_61 {
      %dma_start3A = arith.constant 1 : i32
      %dma_start3A_92 = arith.constant 40 : i32
      %dma_start3A_93 = tpu.memref_slice %arg5[%dma_start3A_92] : memref<48xi32, #tpu.memory_space<vmem>> -> memref<8xi32, #tpu.memory_space<vmem>>
      %dma_start3A_94 = arith.constant 0 : i32
      %dma_start3A_95 = arith.constant 0 : i32
      %dma_start3A_96 = tpu.memref_slice %arg2[%dma_start3A, %dma_start3A_94, %dma_start3A_95] : memref<3x5711x4096xf32, #tpu.memory_space<hbm>> -> memref<1x5711x4096xf32, #tpu.memory_space<hbm>>
      %dma_start3A_97 = tpu.memref_squeeze %dma_start3A_96 : memref<1x5711x4096xf32, #tpu.memory_space<hbm>> -> memref<5711x4096xf32, #tpu.memory_space<hbm>>
      %dma_start3A_98 = arith.constant 0 : i32
      %dma_start3A_99 = arith.constant 0 : i32
      %dma_start3A_100 = tpu.memref_slice %dma_start3A_97[%dma_start3A_98, %dma_start3A_99] : memref<5711x4096xf32, #tpu.memory_space<hbm>> -> memref<5711x4096xf32, #tpu.memory_space<hbm>>
      tpu.enqueue_indirect_dma source(%dma_start3A_100 : memref<5711x4096xf32, #tpu.memory_space<hbm>>) target(%arg6 : memref<8x4096xf32, #tpu.memory_space<vmem>>) offsets(%dma_start3A_93 : memref<8xi32, #tpu.memory_space<vmem>>) semaphore(%arg7 : memref<!tpu.dma_semaphore, #tpu.memory_space<semaphore_mem>>)
      %dma_wait3A = arith.constant 1 : i32
      %dma_wait3A_101 = arith.constant 40 : i32
      %dma_wait3A_102 = tpu.memref_slice %arg5[%dma_wait3A_101] : memref<48xi32, #tpu.memory_space<vmem>> -> memref<8xi32, #tpu.memory_space<vmem>>
      %dma_wait3A_103 = arith.constant 0 : i32
      %dma_wait3A_104 = arith.constant 0 : i32
      %dma_wait3A_105 = tpu.memref_slice %arg2[%dma_wait3A, %dma_wait3A_103, %dma_wait3A_104] : memref<3x5711x4096xf32, #tpu.memory_space<hbm>> -> memref<1x5711x4096xf32, #tpu.memory_space<hbm>>
      %dma_wait3A_106 = tpu.memref_squeeze %dma_wait3A_105 : memref<1x5711x4096xf32, #tpu.memory_space<hbm>> -> memref<5711x4096xf32, #tpu.memory_space<hbm>>
      %dma_wait3A_107 = arith.constant 0 : i32
      %dma_wait3A_108 = arith.constant 0 : i32
      %dma_wait3A_109 = tpu.memref_slice %dma_wait3A_106[%dma_wait3A_107, %dma_wait3A_108] : memref<5711x4096xf32, #tpu.memory_space<hbm>> -> memref<5711x4096xf32, #tpu.memory_space<hbm>>
      tpu.wait_indirect_dma semaphore(%arg7 : memref<!tpu.dma_semaphore, #tpu.memory_space<semaphore_mem>>) src(%dma_wait3A_109 : memref<5711x4096xf32, #tpu.memory_space<hbm>>) dst(%arg6 : memref<8x4096xf32, #tpu.memory_space<vmem>>)
      %dma_start3A_110 = arith.constant 1 : i32
      %dma_start3A_111 = arith.constant 0 : i32
      %dma_start3A_112 = arith.constant 0 : i32
      %dma_start3A_113 = tpu.memref_slice %arg6[%dma_start3A_111, %dma_start3A_112] : memref<8x4096xf32, #tpu.memory_space<vmem>> -> memref<6x4096xf32, #tpu.memory_space<vmem>>
      %dma_start3A_114 = arith.constant 40 : i32
      %dma_start3A_115 = arith.constant 0 : i32
      %dma_start3A_116 = tpu.memref_slice %arg4[%dma_start3A_110, %dma_start3A_114, %dma_start3A_115] : memref<3x46x4096xf32, #tpu.memory_space<hbm>> -> memref<1x6x4096xf32, #tpu.memory_space<hbm>>
      %dma_start3A_117 = tpu.memref_squeeze %dma_start3A_116 : memref<1x6x4096xf32, #tpu.memory_space<hbm>> -> memref<6x4096xf32, #tpu.memory_space<hbm>>
      %dma_start3A_118 = arith.constant 40 : i32
      %dma_start3A_119 = arith.constant 0 : i32
      %dma_start3A_120 = tpu.memref_slice %arg4[%dma_start3A_110, %dma_start3A_118, %dma_start3A_119] : memref<3x46x4096xf32, #tpu.memory_space<hbm>> -> memref<1x6x4096xf32, #tpu.memory_space<hbm>>
      %dma_start3A_121 = tpu.memref_squeeze %dma_start3A_120 : memref<1x6x4096xf32, #tpu.memory_space<hbm>> -> memref<6x4096xf32, #tpu.memory_space<hbm>>
      %dma_start3A_122 = arith.constant 0 : i32
      %dma_start3A_123 = arith.constant 0 : i32
      %dma_start3A_124 = tpu.memref_slice %arg6[%dma_start3A_122, %dma_start3A_123] : memref<8x4096xf32, #tpu.memory_space<vmem>> -> memref<6x4096xf32, #tpu.memory_space<vmem>>
      tpu.enqueue_dma source(%dma_start3A_124 : memref<6x4096xf32, #tpu.memory_space<vmem>>) target(%dma_start3A_121 : memref<6x4096xf32, #tpu.memory_space<hbm>>) target_semaphore(%arg8 : memref<!tpu.dma_semaphore, #tpu.memory_space<semaphore_mem>>)
      %dma_wait3A_125 = arith.constant 1 : i32
      %dma_wait3A_126 = arith.constant 0 : i32
      %dma_wait3A_127 = arith.constant 0 : i32
      %dma_wait3A_128 = tpu.memref_slice %arg6[%dma_wait3A_126, %dma_wait3A_127] : memref<8x4096xf32, #tpu.memory_space<vmem>> -> memref<6x4096xf32, #tpu.memory_space<vmem>>
      %dma_wait3A_129 = arith.constant 40 : i32
      %dma_wait3A_130 = arith.constant 0 : i32
      %dma_wait3A_131 = tpu.memref_slice %arg4[%dma_wait3A_125, %dma_wait3A_129, %dma_wait3A_130] : memref<3x46x4096xf32, #tpu.memory_space<hbm>> -> memref<1x6x4096xf32, #tpu.memory_space<hbm>>
      %dma_wait3A_132 = tpu.memref_squeeze %dma_wait3A_131 : memref<1x6x4096xf32, #tpu.memory_space<hbm>> -> memref<6x4096xf32, #tpu.memory_space<hbm>>
      %dma_wait3A_133 = arith.constant 40 : i32
      %dma_wait3A_134 = arith.constant 0 : i32
      %dma_wait3A_135 = tpu.memref_slice %arg4[%dma_wait3A_125, %dma_wait3A_133, %dma_wait3A_134] : memref<3x46x4096xf32, #tpu.memory_space<hbm>> -> memref<1x6x4096xf32, #tpu.memory_space<hbm>>
      %dma_wait3A_136 = tpu.memref_squeeze %dma_wait3A_135 : memref<1x6x4096xf32, #tpu.memory_space<hbm>> -> memref<6x4096xf32, #tpu.memory_space<hbm>>
      %dma_wait3A_137 = arith.constant 0 : i32
      %dma_wait3A_138 = arith.constant 0 : i32
      %dma_wait3A_139 = tpu.memref_slice %arg6[%dma_wait3A_137, %dma_wait3A_138] : memref<8x4096xf32, #tpu.memory_space<vmem>> -> memref<6x4096xf32, #tpu.memory_space<vmem>>
      tpu.wait_dma2 semaphore(%arg8 : memref<!tpu.dma_semaphore, #tpu.memory_space<semaphore_mem>>) src(%dma_wait3A_139 : memref<6x4096xf32, #tpu.memory_space<vmem>>) dst(%dma_wait3A_136 : memref<6x4096xf32, #tpu.memory_space<hbm>>)
    } else {
    }
    %eq3A_62 = arith.constant 12 : i32
    %eq3A_63 = arith.cmpi eq, %add3A, %eq3A_62 : i32
    %convert_element_type3A_64 = arith.extui %eq3A_63 : i1 to i32
    %cond3A_65 = arith.constant 0 : i32
    %cond3A_66 = arith.cmpi ne, %convert_element_type3A_64, %cond3A_65 : i32
    scf.if %cond3A_66 {
      %dma_start3A = arith.constant 2 : i32
      %dma_start3A_92 = arith.constant 0 : i32
      %dma_start3A_93 = tpu.memref_slice %arg5[%dma_start3A_92] : memref<48xi32, #tpu.memory_space<vmem>> -> memref<8xi32, #tpu.memory_space<vmem>>
      %dma_start3A_94 = arith.constant 0 : i32
      %dma_start3A_95 = arith.constant 0 : i32
      %dma_start3A_96 = tpu.memref_slice %arg2[%dma_start3A, %dma_start3A_94, %dma_start3A_95] : memref<3x5711x4096xf32, #tpu.memory_space<hbm>> -> memref<1x5711x4096xf32, #tpu.memory_space<hbm>>
      %dma_start3A_97 = tpu.memref_squeeze %dma_start3A_96 : memref<1x5711x4096xf32, #tpu.memory_space<hbm>> -> memref<5711x4096xf32, #tpu.memory_space<hbm>>
      %dma_start3A_98 = arith.constant 0 : i32
      %dma_start3A_99 = arith.constant 0 : i32
      %dma_start3A_100 = tpu.memref_slice %dma_start3A_97[%dma_start3A_98, %dma_start3A_99] : memref<5711x4096xf32, #tpu.memory_space<hbm>> -> memref<5711x4096xf32, #tpu.memory_space<hbm>>
      tpu.enqueue_indirect_dma source(%dma_start3A_100 : memref<5711x4096xf32, #tpu.memory_space<hbm>>) target(%arg6 : memref<8x4096xf32, #tpu.memory_space<vmem>>) offsets(%dma_start3A_93 : memref<8xi32, #tpu.memory_space<vmem>>) semaphore(%arg7 : memref<!tpu.dma_semaphore, #tpu.memory_space<semaphore_mem>>)
      %dma_wait3A = arith.constant 2 : i32
      %dma_wait3A_101 = arith.constant 0 : i32
      %dma_wait3A_102 = tpu.memref_slice %arg5[%dma_wait3A_101] : memref<48xi32, #tpu.memory_space<vmem>> -> memref<8xi32, #tpu.memory_space<vmem>>
      %dma_wait3A_103 = arith.constant 0 : i32
      %dma_wait3A_104 = arith.constant 0 : i32
      %dma_wait3A_105 = tpu.memref_slice %arg2[%dma_wait3A, %dma_wait3A_103, %dma_wait3A_104] : memref<3x5711x4096xf32, #tpu.memory_space<hbm>> -> memref<1x5711x4096xf32, #tpu.memory_space<hbm>>
      %dma_wait3A_106 = tpu.memref_squeeze %dma_wait3A_105 : memref<1x5711x4096xf32, #tpu.memory_space<hbm>> -> memref<5711x4096xf32, #tpu.memory_space<hbm>>
      %dma_wait3A_107 = arith.constant 0 : i32
      %dma_wait3A_108 = arith.constant 0 : i32
      %dma_wait3A_109 = tpu.memref_slice %dma_wait3A_106[%dma_wait3A_107, %dma_wait3A_108] : memref<5711x4096xf32, #tpu.memory_space<hbm>> -> memref<5711x4096xf32, #tpu.memory_space<hbm>>
      tpu.wait_indirect_dma semaphore(%arg7 : memref<!tpu.dma_semaphore, #tpu.memory_space<semaphore_mem>>) src(%dma_wait3A_109 : memref<5711x4096xf32, #tpu.memory_space<hbm>>) dst(%arg6 : memref<8x4096xf32, #tpu.memory_space<vmem>>)
      %dma_start3A_110 = arith.constant 2 : i32
      %dma_start3A_111 = arith.constant 0 : i32
      %dma_start3A_112 = arith.constant 0 : i32
      %dma_start3A_113 = tpu.memref_slice %arg6[%dma_start3A_111, %dma_start3A_112] : memref<8x4096xf32, #tpu.memory_space<vmem>> -> memref<8x4096xf32, #tpu.memory_space<vmem>>
      %dma_start3A_114 = arith.constant 0 : i32
      %dma_start3A_115 = arith.constant 0 : i32
      %dma_start3A_116 = tpu.memref_slice %arg4[%dma_start3A_110, %dma_start3A_114, %dma_start3A_115] : memref<3x46x4096xf32, #tpu.memory_space<hbm>> -> memref<1x8x4096xf32, #tpu.memory_space<hbm>>
      %dma_start3A_117 = tpu.memref_squeeze %dma_start3A_116 : memref<1x8x4096xf32, #tpu.memory_space<hbm>> -> memref<8x4096xf32, #tpu.memory_space<hbm>>
      %dma_start3A_118 = arith.constant 0 : i32
      %dma_start3A_119 = arith.constant 0 : i32
      %dma_start3A_120 = tpu.memref_slice %arg4[%dma_start3A_110, %dma_start3A_118, %dma_start3A_119] : memref<3x46x4096xf32, #tpu.memory_space<hbm>> -> memref<1x8x4096xf32, #tpu.memory_space<hbm>>
      %dma_start3A_121 = tpu.memref_squeeze %dma_start3A_120 : memref<1x8x4096xf32, #tpu.memory_space<hbm>> -> memref<8x4096xf32, #tpu.memory_space<hbm>>
      %dma_start3A_122 = arith.constant 0 : i32
      %dma_start3A_123 = arith.constant 0 : i32
      %dma_start3A_124 = tpu.memref_slice %arg6[%dma_start3A_122, %dma_start3A_123] : memref<8x4096xf32, #tpu.memory_space<vmem>> -> memref<8x4096xf32, #tpu.memory_space<vmem>>
      tpu.enqueue_dma source(%dma_start3A_124 : memref<8x4096xf32, #tpu.memory_space<vmem>>) target(%dma_start3A_121 : memref<8x4096xf32, #tpu.memory_space<hbm>>) target_semaphore(%arg8 : memref<!tpu.dma_semaphore, #tpu.memory_space<semaphore_mem>>)
      %dma_wait3A_125 = arith.constant 2 : i32
      %dma_wait3A_126 = arith.constant 0 : i32
      %dma_wait3A_127 = arith.constant 0 : i32
      %dma_wait3A_128 = tpu.memref_slice %arg6[%dma_wait3A_126, %dma_wait3A_127] : memref<8x4096xf32, #tpu.memory_space<vmem>> -> memref<8x4096xf32, #tpu.memory_space<vmem>>
      %dma_wait3A_129 = arith.constant 0 : i32
      %dma_wait3A_130 = arith.constant 0 : i32
      %dma_wait3A_131 = tpu.memref_slice %arg4[%dma_wait3A_125, %dma_wait3A_129, %dma_wait3A_130] : memref<3x46x4096xf32, #tpu.memory_space<hbm>> -> memref<1x8x4096xf32, #tpu.memory_space<hbm>>
      %dma_wait3A_132 = tpu.memref_squeeze %dma_wait3A_131 : memref<1x8x4096xf32, #tpu.memory_space<hbm>> -> memref<8x4096xf32, #tpu.memory_space<hbm>>
      %dma_wait3A_133 = arith.constant 0 : i32
      %dma_wait3A_134 = arith.constant 0 : i32
      %dma_wait3A_135 = tpu.memref_slice %arg4[%dma_wait3A_125, %dma_wait3A_133, %dma_wait3A_134] : memref<3x46x4096xf32, #tpu.memory_space<hbm>> -> memref<1x8x4096xf32, #tpu.memory_space<hbm>>
      %dma_wait3A_136 = tpu.memref_squeeze %dma_wait3A_135 : memref<1x8x4096xf32, #tpu.memory_space<hbm>> -> memref<8x4096xf32, #tpu.memory_space<hbm>>
      %dma_wait3A_137 = arith.constant 0 : i32
      %dma_wait3A_138 = arith.constant 0 : i32
      %dma_wait3A_139 = tpu.memref_slice %arg6[%dma_wait3A_137, %dma_wait3A_138] : memref<8x4096xf32, #tpu.memory_space<vmem>> -> memref<8x4096xf32, #tpu.memory_space<vmem>>
      tpu.wait_dma2 semaphore(%arg8 : memref<!tpu.dma_semaphore, #tpu.memory_space<semaphore_mem>>) src(%dma_wait3A_139 : memref<8x4096xf32, #tpu.memory_space<vmem>>) dst(%dma_wait3A_136 : memref<8x4096xf32, #tpu.memory_space<hbm>>)
    } else {
    }
    %eq3A_67 = arith.constant 13 : i32
    %eq3A_68 = arith.cmpi eq, %add3A, %eq3A_67 : i32
    %convert_element_type3A_69 = arith.extui %eq3A_68 : i1 to i32
    %cond3A_70 = arith.constant 0 : i32
    %cond3A_71 = arith.cmpi ne, %convert_element_type3A_69, %cond3A_70 : i32
    scf.if %cond3A_71 {
      %dma_start3A = arith.constant 2 : i32
      %dma_start3A_92 = arith.constant 8 : i32
      %dma_start3A_93 = tpu.memref_slice %arg5[%dma_start3A_92] : memref<48xi32, #tpu.memory_space<vmem>> -> memref<8xi32, #tpu.memory_space<vmem>>
      %dma_start3A_94 = arith.constant 0 : i32
      %dma_start3A_95 = arith.constant 0 : i32
      %dma_start3A_96 = tpu.memref_slice %arg2[%dma_start3A, %dma_start3A_94, %dma_start3A_95] : memref<3x5711x4096xf32, #tpu.memory_space<hbm>> -> memref<1x5711x4096xf32, #tpu.memory_space<hbm>>
      %dma_start3A_97 = tpu.memref_squeeze %dma_start3A_96 : memref<1x5711x4096xf32, #tpu.memory_space<hbm>> -> memref<5711x4096xf32, #tpu.memory_space<hbm>>
      %dma_start3A_98 = arith.constant 0 : i32
      %dma_start3A_99 = arith.constant 0 : i32
      %dma_start3A_100 = tpu.memref_slice %dma_start3A_97[%dma_start3A_98, %dma_start3A_99] : memref<5711x4096xf32, #tpu.memory_space<hbm>> -> memref<5711x4096xf32, #tpu.memory_space<hbm>>
      tpu.enqueue_indirect_dma source(%dma_start3A_100 : memref<5711x4096xf32, #tpu.memory_space<hbm>>) target(%arg6 : memref<8x4096xf32, #tpu.memory_space<vmem>>) offsets(%dma_start3A_93 : memref<8xi32, #tpu.memory_space<vmem>>) semaphore(%arg7 : memref<!tpu.dma_semaphore, #tpu.memory_space<semaphore_mem>>)
      %dma_wait3A = arith.constant 2 : i32
      %dma_wait3A_101 = arith.constant 8 : i32
      %dma_wait3A_102 = tpu.memref_slice %arg5[%dma_wait3A_101] : memref<48xi32, #tpu.memory_space<vmem>> -> memref<8xi32, #tpu.memory_space<vmem>>
      %dma_wait3A_103 = arith.constant 0 : i32
      %dma_wait3A_104 = arith.constant 0 : i32
      %dma_wait3A_105 = tpu.memref_slice %arg2[%dma_wait3A, %dma_wait3A_103, %dma_wait3A_104] : memref<3x5711x4096xf32, #tpu.memory_space<hbm>> -> memref<1x5711x4096xf32, #tpu.memory_space<hbm>>
      %dma_wait3A_106 = tpu.memref_squeeze %dma_wait3A_105 : memref<1x5711x4096xf32, #tpu.memory_space<hbm>> -> memref<5711x4096xf32, #tpu.memory_space<hbm>>
      %dma_wait3A_107 = arith.constant 0 : i32
      %dma_wait3A_108 = arith.constant 0 : i32
      %dma_wait3A_109 = tpu.memref_slice %dma_wait3A_106[%dma_wait3A_107, %dma_wait3A_108] : memref<5711x4096xf32, #tpu.memory_space<hbm>> -> memref<5711x4096xf32, #tpu.memory_space<hbm>>
      tpu.wait_indirect_dma semaphore(%arg7 : memref<!tpu.dma_semaphore, #tpu.memory_space<semaphore_mem>>) src(%dma_wait3A_109 : memref<5711x4096xf32, #tpu.memory_space<hbm>>) dst(%arg6 : memref<8x4096xf32, #tpu.memory_space<vmem>>)
      %dma_start3A_110 = arith.constant 2 : i32
      %dma_start3A_111 = arith.constant 0 : i32
      %dma_start3A_112 = arith.constant 0 : i32
      %dma_start3A_113 = tpu.memref_slice %arg6[%dma_start3A_111, %dma_start3A_112] : memref<8x4096xf32, #tpu.memory_space<vmem>> -> memref<8x4096xf32, #tpu.memory_space<vmem>>
      %dma_start3A_114 = arith.constant 8 : i32
      %dma_start3A_115 = arith.constant 0 : i32
      %dma_start3A_116 = tpu.memref_slice %arg4[%dma_start3A_110, %dma_start3A_114, %dma_start3A_115] : memref<3x46x4096xf32, #tpu.memory_space<hbm>> -> memref<1x8x4096xf32, #tpu.memory_space<hbm>>
      %dma_start3A_117 = tpu.memref_squeeze %dma_start3A_116 : memref<1x8x4096xf32, #tpu.memory_space<hbm>> -> memref<8x4096xf32, #tpu.memory_space<hbm>>
      %dma_start3A_118 = arith.constant 8 : i32
      %dma_start3A_119 = arith.constant 0 : i32
      %dma_start3A_120 = tpu.memref_slice %arg4[%dma_start3A_110, %dma_start3A_118, %dma_start3A_119] : memref<3x46x4096xf32, #tpu.memory_space<hbm>> -> memref<1x8x4096xf32, #tpu.memory_space<hbm>>
      %dma_start3A_121 = tpu.memref_squeeze %dma_start3A_120 : memref<1x8x4096xf32, #tpu.memory_space<hbm>> -> memref<8x4096xf32, #tpu.memory_space<hbm>>
      %dma_start3A_122 = arith.constant 0 : i32
      %dma_start3A_123 = arith.constant 0 : i32
      %dma_start3A_124 = tpu.memref_slice %arg6[%dma_start3A_122, %dma_start3A_123] : memref<8x4096xf32, #tpu.memory_space<vmem>> -> memref<8x4096xf32, #tpu.memory_space<vmem>>
      tpu.enqueue_dma source(%dma_start3A_124 : memref<8x4096xf32, #tpu.memory_space<vmem>>) target(%dma_start3A_121 : memref<8x4096xf32, #tpu.memory_space<hbm>>) target_semaphore(%arg8 : memref<!tpu.dma_semaphore, #tpu.memory_space<semaphore_mem>>)
      %dma_wait3A_125 = arith.constant 2 : i32
      %dma_wait3A_126 = arith.constant 0 : i32
      %dma_wait3A_127 = arith.constant 0 : i32
      %dma_wait3A_128 = tpu.memref_slice %arg6[%dma_wait3A_126, %dma_wait3A_127] : memref<8x4096xf32, #tpu.memory_space<vmem>> -> memref<8x4096xf32, #tpu.memory_space<vmem>>
      %dma_wait3A_129 = arith.constant 8 : i32
      %dma_wait3A_130 = arith.constant 0 : i32
      %dma_wait3A_131 = tpu.memref_slice %arg4[%dma_wait3A_125, %dma_wait3A_129, %dma_wait3A_130] : memref<3x46x4096xf32, #tpu.memory_space<hbm>> -> memref<1x8x4096xf32, #tpu.memory_space<hbm>>
      %dma_wait3A_132 = tpu.memref_squeeze %dma_wait3A_131 : memref<1x8x4096xf32, #tpu.memory_space<hbm>> -> memref<8x4096xf32, #tpu.memory_space<hbm>>
      %dma_wait3A_133 = arith.constant 8 : i32
      %dma_wait3A_134 = arith.constant 0 : i32
      %dma_wait3A_135 = tpu.memref_slice %arg4[%dma_wait3A_125, %dma_wait3A_133, %dma_wait3A_134] : memref<3x46x4096xf32, #tpu.memory_space<hbm>> -> memref<1x8x4096xf32, #tpu.memory_space<hbm>>
      %dma_wait3A_136 = tpu.memref_squeeze %dma_wait3A_135 : memref<1x8x4096xf32, #tpu.memory_space<hbm>> -> memref<8x4096xf32, #tpu.memory_space<hbm>>
      %dma_wait3A_137 = arith.constant 0 : i32
      %dma_wait3A_138 = arith.constant 0 : i32
      %dma_wait3A_139 = tpu.memref_slice %arg6[%dma_wait3A_137, %dma_wait3A_138] : memref<8x4096xf32, #tpu.memory_space<vmem>> -> memref<8x4096xf32, #tpu.memory_space<vmem>>
      tpu.wait_dma2 semaphore(%arg8 : memref<!tpu.dma_semaphore, #tpu.memory_space<semaphore_mem>>) src(%dma_wait3A_139 : memref<8x4096xf32, #tpu.memory_space<vmem>>) dst(%dma_wait3A_136 : memref<8x4096xf32, #tpu.memory_space<hbm>>)
    } else {
    }
    %eq3A_72 = arith.constant 14 : i32
    %eq3A_73 = arith.cmpi eq, %add3A, %eq3A_72 : i32
    %convert_element_type3A_74 = arith.extui %eq3A_73 : i1 to i32
    %cond3A_75 = arith.constant 0 : i32
    %cond3A_76 = arith.cmpi ne, %convert_element_type3A_74, %cond3A_75 : i32
    scf.if %cond3A_76 {
      %dma_start3A = arith.constant 2 : i32
      %dma_start3A_92 = arith.constant 16 : i32
      %dma_start3A_93 = tpu.memref_slice %arg5[%dma_start3A_92] : memref<48xi32, #tpu.memory_space<vmem>> -> memref<8xi32, #tpu.memory_space<vmem>>
      %dma_start3A_94 = arith.constant 0 : i32
      %dma_start3A_95 = arith.constant 0 : i32
      %dma_start3A_96 = tpu.memref_slice %arg2[%dma_start3A, %dma_start3A_94, %dma_start3A_95] : memref<3x5711x4096xf32, #tpu.memory_space<hbm>> -> memref<1x5711x4096xf32, #tpu.memory_space<hbm>>
      %dma_start3A_97 = tpu.memref_squeeze %dma_start3A_96 : memref<1x5711x4096xf32, #tpu.memory_space<hbm>> -> memref<5711x4096xf32, #tpu.memory_space<hbm>>
      %dma_start3A_98 = arith.constant 0 : i32
      %dma_start3A_99 = arith.constant 0 : i32
      %dma_start3A_100 = tpu.memref_slice %dma_start3A_97[%dma_start3A_98, %dma_start3A_99] : memref<5711x4096xf32, #tpu.memory_space<hbm>> -> memref<5711x4096xf32, #tpu.memory_space<hbm>>
      tpu.enqueue_indirect_dma source(%dma_start3A_100 : memref<5711x4096xf32, #tpu.memory_space<hbm>>) target(%arg6 : memref<8x4096xf32, #tpu.memory_space<vmem>>) offsets(%dma_start3A_93 : memref<8xi32, #tpu.memory_space<vmem>>) semaphore(%arg7 : memref<!tpu.dma_semaphore, #tpu.memory_space<semaphore_mem>>)
      %dma_wait3A = arith.constant 2 : i32
      %dma_wait3A_101 = arith.constant 16 : i32
      %dma_wait3A_102 = tpu.memref_slice %arg5[%dma_wait3A_101] : memref<48xi32, #tpu.memory_space<vmem>> -> memref<8xi32, #tpu.memory_space<vmem>>
      %dma_wait3A_103 = arith.constant 0 : i32
      %dma_wait3A_104 = arith.constant 0 : i32
      %dma_wait3A_105 = tpu.memref_slice %arg2[%dma_wait3A, %dma_wait3A_103, %dma_wait3A_104] : memref<3x5711x4096xf32, #tpu.memory_space<hbm>> -> memref<1x5711x4096xf32, #tpu.memory_space<hbm>>
      %dma_wait3A_106 = tpu.memref_squeeze %dma_wait3A_105 : memref<1x5711x4096xf32, #tpu.memory_space<hbm>> -> memref<5711x4096xf32, #tpu.memory_space<hbm>>
      %dma_wait3A_107 = arith.constant 0 : i32
      %dma_wait3A_108 = arith.constant 0 : i32
      %dma_wait3A_109 = tpu.memref_slice %dma_wait3A_106[%dma_wait3A_107, %dma_wait3A_108] : memref<5711x4096xf32, #tpu.memory_space<hbm>> -> memref<5711x4096xf32, #tpu.memory_space<hbm>>
      tpu.wait_indirect_dma semaphore(%arg7 : memref<!tpu.dma_semaphore, #tpu.memory_space<semaphore_mem>>) src(%dma_wait3A_109 : memref<5711x4096xf32, #tpu.memory_space<hbm>>) dst(%arg6 : memref<8x4096xf32, #tpu.memory_space<vmem>>)
      %dma_start3A_110 = arith.constant 2 : i32
      %dma_start3A_111 = arith.constant 0 : i32
      %dma_start3A_112 = arith.constant 0 : i32
      %dma_start3A_113 = tpu.memref_slice %arg6[%dma_start3A_111, %dma_start3A_112] : memref<8x4096xf32, #tpu.memory_space<vmem>> -> memref<8x4096xf32, #tpu.memory_space<vmem>>
      %dma_start3A_114 = arith.constant 16 : i32
      %dma_start3A_115 = arith.constant 0 : i32
      %dma_start3A_116 = tpu.memref_slice %arg4[%dma_start3A_110, %dma_start3A_114, %dma_start3A_115] : memref<3x46x4096xf32, #tpu.memory_space<hbm>> -> memref<1x8x4096xf32, #tpu.memory_space<hbm>>
      %dma_start3A_117 = tpu.memref_squeeze %dma_start3A_116 : memref<1x8x4096xf32, #tpu.memory_space<hbm>> -> memref<8x4096xf32, #tpu.memory_space<hbm>>
      %dma_start3A_118 = arith.constant 16 : i32
      %dma_start3A_119 = arith.constant 0 : i32
      %dma_start3A_120 = tpu.memref_slice %arg4[%dma_start3A_110, %dma_start3A_118, %dma_start3A_119] : memref<3x46x4096xf32, #tpu.memory_space<hbm>> -> memref<1x8x4096xf32, #tpu.memory_space<hbm>>
      %dma_start3A_121 = tpu.memref_squeeze %dma_start3A_120 : memref<1x8x4096xf32, #tpu.memory_space<hbm>> -> memref<8x4096xf32, #tpu.memory_space<hbm>>
      %dma_start3A_122 = arith.constant 0 : i32
      %dma_start3A_123 = arith.constant 0 : i32
      %dma_start3A_124 = tpu.memref_slice %arg6[%dma_start3A_122, %dma_start3A_123] : memref<8x4096xf32, #tpu.memory_space<vmem>> -> memref<8x4096xf32, #tpu.memory_space<vmem>>
      tpu.enqueue_dma source(%dma_start3A_124 : memref<8x4096xf32, #tpu.memory_space<vmem>>) target(%dma_start3A_121 : memref<8x4096xf32, #tpu.memory_space<hbm>>) target_semaphore(%arg8 : memref<!tpu.dma_semaphore, #tpu.memory_space<semaphore_mem>>)
      %dma_wait3A_125 = arith.constant 2 : i32
      %dma_wait3A_126 = arith.constant 0 : i32
      %dma_wait3A_127 = arith.constant 0 : i32
      %dma_wait3A_128 = tpu.memref_slice %arg6[%dma_wait3A_126, %dma_wait3A_127] : memref<8x4096xf32, #tpu.memory_space<vmem>> -> memref<8x4096xf32, #tpu.memory_space<vmem>>
      %dma_wait3A_129 = arith.constant 16 : i32
      %dma_wait3A_130 = arith.constant 0 : i32
      %dma_wait3A_131 = tpu.memref_slice %arg4[%dma_wait3A_125, %dma_wait3A_129, %dma_wait3A_130] : memref<3x46x4096xf32, #tpu.memory_space<hbm>> -> memref<1x8x4096xf32, #tpu.memory_space<hbm>>
      %dma_wait3A_132 = tpu.memref_squeeze %dma_wait3A_131 : memref<1x8x4096xf32, #tpu.memory_space<hbm>> -> memref<8x4096xf32, #tpu.memory_space<hbm>>
      %dma_wait3A_133 = arith.constant 16 : i32
      %dma_wait3A_134 = arith.constant 0 : i32
      %dma_wait3A_135 = tpu.memref_slice %arg4[%dma_wait3A_125, %dma_wait3A_133, %dma_wait3A_134] : memref<3x46x4096xf32, #tpu.memory_space<hbm>> -> memref<1x8x4096xf32, #tpu.memory_space<hbm>>
      %dma_wait3A_136 = tpu.memref_squeeze %dma_wait3A_135 : memref<1x8x4096xf32, #tpu.memory_space<hbm>> -> memref<8x4096xf32, #tpu.memory_space<hbm>>
      %dma_wait3A_137 = arith.constant 0 : i32
      %dma_wait3A_138 = arith.constant 0 : i32
      %dma_wait3A_139 = tpu.memref_slice %arg6[%dma_wait3A_137, %dma_wait3A_138] : memref<8x4096xf32, #tpu.memory_space<vmem>> -> memref<8x4096xf32, #tpu.memory_space<vmem>>
      tpu.wait_dma2 semaphore(%arg8 : memref<!tpu.dma_semaphore, #tpu.memory_space<semaphore_mem>>) src(%dma_wait3A_139 : memref<8x4096xf32, #tpu.memory_space<vmem>>) dst(%dma_wait3A_136 : memref<8x4096xf32, #tpu.memory_space<hbm>>)
    } else {
    }
    %eq3A_77 = arith.constant 15 : i32
    %eq3A_78 = arith.cmpi eq, %add3A, %eq3A_77 : i32
    %convert_element_type3A_79 = arith.extui %eq3A_78 : i1 to i32
    %cond3A_80 = arith.constant 0 : i32
    %cond3A_81 = arith.cmpi ne, %convert_element_type3A_79, %cond3A_80 : i32
    scf.if %cond3A_81 {
      %dma_start3A = arith.constant 2 : i32
      %dma_start3A_92 = arith.constant 24 : i32
      %dma_start3A_93 = tpu.memref_slice %arg5[%dma_start3A_92] : memref<48xi32, #tpu.memory_space<vmem>> -> memref<8xi32, #tpu.memory_space<vmem>>
      %dma_start3A_94 = arith.constant 0 : i32
      %dma_start3A_95 = arith.constant 0 : i32
      %dma_start3A_96 = tpu.memref_slice %arg2[%dma_start3A, %dma_start3A_94, %dma_start3A_95] : memref<3x5711x4096xf32, #tpu.memory_space<hbm>> -> memref<1x5711x4096xf32, #tpu.memory_space<hbm>>
      %dma_start3A_97 = tpu.memref_squeeze %dma_start3A_96 : memref<1x5711x4096xf32, #tpu.memory_space<hbm>> -> memref<5711x4096xf32, #tpu.memory_space<hbm>>
      %dma_start3A_98 = arith.constant 0 : i32
      %dma_start3A_99 = arith.constant 0 : i32
      %dma_start3A_100 = tpu.memref_slice %dma_start3A_97[%dma_start3A_98, %dma_start3A_99] : memref<5711x4096xf32, #tpu.memory_space<hbm>> -> memref<5711x4096xf32, #tpu.memory_space<hbm>>
      tpu.enqueue_indirect_dma source(%dma_start3A_100 : memref<5711x4096xf32, #tpu.memory_space<hbm>>) target(%arg6 : memref<8x4096xf32, #tpu.memory_space<vmem>>) offsets(%dma_start3A_93 : memref<8xi32, #tpu.memory_space<vmem>>) semaphore(%arg7 : memref<!tpu.dma_semaphore, #tpu.memory_space<semaphore_mem>>)
      %dma_wait3A = arith.constant 2 : i32
      %dma_wait3A_101 = arith.constant 24 : i32
      %dma_wait3A_102 = tpu.memref_slice %arg5[%dma_wait3A_101] : memref<48xi32, #tpu.memory_space<vmem>> -> memref<8xi32, #tpu.memory_space<vmem>>
      %dma_wait3A_103 = arith.constant 0 : i32
      %dma_wait3A_104 = arith.constant 0 : i32
      %dma_wait3A_105 = tpu.memref_slice %arg2[%dma_wait3A, %dma_wait3A_103, %dma_wait3A_104] : memref<3x5711x4096xf32, #tpu.memory_space<hbm>> -> memref<1x5711x4096xf32, #tpu.memory_space<hbm>>
      %dma_wait3A_106 = tpu.memref_squeeze %dma_wait3A_105 : memref<1x5711x4096xf32, #tpu.memory_space<hbm>> -> memref<5711x4096xf32, #tpu.memory_space<hbm>>
      %dma_wait3A_107 = arith.constant 0 : i32
      %dma_wait3A_108 = arith.constant 0 : i32
      %dma_wait3A_109 = tpu.memref_slice %dma_wait3A_106[%dma_wait3A_107, %dma_wait3A_108] : memref<5711x4096xf32, #tpu.memory_space<hbm>> -> memref<5711x4096xf32, #tpu.memory_space<hbm>>
      tpu.wait_indirect_dma semaphore(%arg7 : memref<!tpu.dma_semaphore, #tpu.memory_space<semaphore_mem>>) src(%dma_wait3A_109 : memref<5711x4096xf32, #tpu.memory_space<hbm>>) dst(%arg6 : memref<8x4096xf32, #tpu.memory_space<vmem>>)
      %dma_start3A_110 = arith.constant 2 : i32
      %dma_start3A_111 = arith.constant 0 : i32
      %dma_start3A_112 = arith.constant 0 : i32
      %dma_start3A_113 = tpu.memref_slice %arg6[%dma_start3A_111, %dma_start3A_112] : memref<8x4096xf32, #tpu.memory_space<vmem>> -> memref<8x4096xf32, #tpu.memory_space<vmem>>
      %dma_start3A_114 = arith.constant 24 : i32
      %dma_start3A_115 = arith.constant 0 : i32
      %dma_start3A_116 = tpu.memref_slice %arg4[%dma_start3A_110, %dma_start3A_114, %dma_start3A_115] : memref<3x46x4096xf32, #tpu.memory_space<hbm>> -> memref<1x8x4096xf32, #tpu.memory_space<hbm>>
      %dma_start3A_117 = tpu.memref_squeeze %dma_start3A_116 : memref<1x8x4096xf32, #tpu.memory_space<hbm>> -> memref<8x4096xf32, #tpu.memory_space<hbm>>
      %dma_start3A_118 = arith.constant 24 : i32
      %dma_start3A_119 = arith.constant 0 : i32
      %dma_start3A_120 = tpu.memref_slice %arg4[%dma_start3A_110, %dma_start3A_118, %dma_start3A_119] : memref<3x46x4096xf32, #tpu.memory_space<hbm>> -> memref<1x8x4096xf32, #tpu.memory_space<hbm>>
      %dma_start3A_121 = tpu.memref_squeeze %dma_start3A_120 : memref<1x8x4096xf32, #tpu.memory_space<hbm>> -> memref<8x4096xf32, #tpu.memory_space<hbm>>
      %dma_start3A_122 = arith.constant 0 : i32
      %dma_start3A_123 = arith.constant 0 : i32
      %dma_start3A_124 = tpu.memref_slice %arg6[%dma_start3A_122, %dma_start3A_123] : memref<8x4096xf32, #tpu.memory_space<vmem>> -> memref<8x4096xf32, #tpu.memory_space<vmem>>
      tpu.enqueue_dma source(%dma_start3A_124 : memref<8x4096xf32, #tpu.memory_space<vmem>>) target(%dma_start3A_121 : memref<8x4096xf32, #tpu.memory_space<hbm>>) target_semaphore(%arg8 : memref<!tpu.dma_semaphore, #tpu.memory_space<semaphore_mem>>)
      %dma_wait3A_125 = arith.constant 2 : i32
      %dma_wait3A_126 = arith.constant 0 : i32
      %dma_wait3A_127 = arith.constant 0 : i32
      %dma_wait3A_128 = tpu.memref_slice %arg6[%dma_wait3A_126, %dma_wait3A_127] : memref<8x4096xf32, #tpu.memory_space<vmem>> -> memref<8x4096xf32, #tpu.memory_space<vmem>>
      %dma_wait3A_129 = arith.constant 24 : i32
      %dma_wait3A_130 = arith.constant 0 : i32
      %dma_wait3A_131 = tpu.memref_slice %arg4[%dma_wait3A_125, %dma_wait3A_129, %dma_wait3A_130] : memref<3x46x4096xf32, #tpu.memory_space<hbm>> -> memref<1x8x4096xf32, #tpu.memory_space<hbm>>
      %dma_wait3A_132 = tpu.memref_squeeze %dma_wait3A_131 : memref<1x8x4096xf32, #tpu.memory_space<hbm>> -> memref<8x4096xf32, #tpu.memory_space<hbm>>
      %dma_wait3A_133 = arith.constant 24 : i32
      %dma_wait3A_134 = arith.constant 0 : i32
      %dma_wait3A_135 = tpu.memref_slice %arg4[%dma_wait3A_125, %dma_wait3A_133, %dma_wait3A_134] : memref<3x46x4096xf32, #tpu.memory_space<hbm>> -> memref<1x8x4096xf32, #tpu.memory_space<hbm>>
      %dma_wait3A_136 = tpu.memref_squeeze %dma_wait3A_135 : memref<1x8x4096xf32, #tpu.memory_space<hbm>> -> memref<8x4096xf32, #tpu.memory_space<hbm>>
      %dma_wait3A_137 = arith.constant 0 : i32
      %dma_wait3A_138 = arith.constant 0 : i32
      %dma_wait3A_139 = tpu.memref_slice %arg6[%dma_wait3A_137, %dma_wait3A_138] : memref<8x4096xf32, #tpu.memory_space<vmem>> -> memref<8x4096xf32, #tpu.memory_space<vmem>>
      tpu.wait_dma2 semaphore(%arg8 : memref<!tpu.dma_semaphore, #tpu.memory_space<semaphore_mem>>) src(%dma_wait3A_139 : memref<8x4096xf32, #tpu.memory_space<vmem>>) dst(%dma_wait3A_136 : memref<8x4096xf32, #tpu.memory_space<hbm>>)
    } else {
    }
    %eq3A_82 = arith.constant 16 : i32
    %eq3A_83 = arith.cmpi eq, %add3A, %eq3A_82 : i32
    %convert_element_type3A_84 = arith.extui %eq3A_83 : i1 to i32
    %cond3A_85 = arith.constant 0 : i32
    %cond3A_86 = arith.cmpi ne, %convert_element_type3A_84, %cond3A_85 : i32
    scf.if %cond3A_86 {
      %dma_start3A = arith.constant 2 : i32
      %dma_start3A_92 = arith.constant 32 : i32
      %dma_start3A_93 = tpu.memref_slice %arg5[%dma_start3A_92] : memref<48xi32, #tpu.memory_space<vmem>> -> memref<8xi32, #tpu.memory_space<vmem>>
      %dma_start3A_94 = arith.constant 0 : i32
      %dma_start3A_95 = arith.constant 0 : i32
      %dma_start3A_96 = tpu.memref_slice %arg2[%dma_start3A, %dma_start3A_94, %dma_start3A_95] : memref<3x5711x4096xf32, #tpu.memory_space<hbm>> -> memref<1x5711x4096xf32, #tpu.memory_space<hbm>>
      %dma_start3A_97 = tpu.memref_squeeze %dma_start3A_96 : memref<1x5711x4096xf32, #tpu.memory_space<hbm>> -> memref<5711x4096xf32, #tpu.memory_space<hbm>>
      %dma_start3A_98 = arith.constant 0 : i32
      %dma_start3A_99 = arith.constant 0 : i32
      %dma_start3A_100 = tpu.memref_slice %dma_start3A_97[%dma_start3A_98, %dma_start3A_99] : memref<5711x4096xf32, #tpu.memory_space<hbm>> -> memref<5711x4096xf32, #tpu.memory_space<hbm>>
      tpu.enqueue_indirect_dma source(%dma_start3A_100 : memref<5711x4096xf32, #tpu.memory_space<hbm>>) target(%arg6 : memref<8x4096xf32, #tpu.memory_space<vmem>>) offsets(%dma_start3A_93 : memref<8xi32, #tpu.memory_space<vmem>>) semaphore(%arg7 : memref<!tpu.dma_semaphore, #tpu.memory_space<semaphore_mem>>)
      %dma_wait3A = arith.constant 2 : i32
      %dma_wait3A_101 = arith.constant 32 : i32
      %dma_wait3A_102 = tpu.memref_slice %arg5[%dma_wait3A_101] : memref<48xi32, #tpu.memory_space<vmem>> -> memref<8xi32, #tpu.memory_space<vmem>>
      %dma_wait3A_103 = arith.constant 0 : i32
      %dma_wait3A_104 = arith.constant 0 : i32
      %dma_wait3A_105 = tpu.memref_slice %arg2[%dma_wait3A, %dma_wait3A_103, %dma_wait3A_104] : memref<3x5711x4096xf32, #tpu.memory_space<hbm>> -> memref<1x5711x4096xf32, #tpu.memory_space<hbm>>
      %dma_wait3A_106 = tpu.memref_squeeze %dma_wait3A_105 : memref<1x5711x4096xf32, #tpu.memory_space<hbm>> -> memref<5711x4096xf32, #tpu.memory_space<hbm>>
      %dma_wait3A_107 = arith.constant 0 : i32
      %dma_wait3A_108 = arith.constant 0 : i32
      %dma_wait3A_109 = tpu.memref_slice %dma_wait3A_106[%dma_wait3A_107, %dma_wait3A_108] : memref<5711x4096xf32, #tpu.memory_space<hbm>> -> memref<5711x4096xf32, #tpu.memory_space<hbm>>
      tpu.wait_indirect_dma semaphore(%arg7 : memref<!tpu.dma_semaphore, #tpu.memory_space<semaphore_mem>>) src(%dma_wait3A_109 : memref<5711x4096xf32, #tpu.memory_space<hbm>>) dst(%arg6 : memref<8x4096xf32, #tpu.memory_space<vmem>>)
      %dma_start3A_110 = arith.constant 2 : i32
      %dma_start3A_111 = arith.constant 0 : i32
      %dma_start3A_112 = arith.constant 0 : i32
      %dma_start3A_113 = tpu.memref_slice %arg6[%dma_start3A_111, %dma_start3A_112] : memref<8x4096xf32, #tpu.memory_space<vmem>> -> memref<8x4096xf32, #tpu.memory_space<vmem>>
      %dma_start3A_114 = arith.constant 32 : i32
      %dma_start3A_115 = arith.constant 0 : i32
      %dma_start3A_116 = tpu.memref_slice %arg4[%dma_start3A_110, %dma_start3A_114, %dma_start3A_115] : memref<3x46x4096xf32, #tpu.memory_space<hbm>> -> memref<1x8x4096xf32, #tpu.memory_space<hbm>>
      %dma_start3A_117 = tpu.memref_squeeze %dma_start3A_116 : memref<1x8x4096xf32, #tpu.memory_space<hbm>> -> memref<8x4096xf32, #tpu.memory_space<hbm>>
      %dma_start3A_118 = arith.constant 32 : i32
      %dma_start3A_119 = arith.constant 0 : i32
      %dma_start3A_120 = tpu.memref_slice %arg4[%dma_start3A_110, %dma_start3A_118, %dma_start3A_119] : memref<3x46x4096xf32, #tpu.memory_space<hbm>> -> memref<1x8x4096xf32, #tpu.memory_space<hbm>>
      %dma_start3A_121 = tpu.memref_squeeze %dma_start3A_120 : memref<1x8x4096xf32, #tpu.memory_space<hbm>> -> memref<8x4096xf32, #tpu.memory_space<hbm>>
      %dma_start3A_122 = arith.constant 0 : i32
      %dma_start3A_123 = arith.constant 0 : i32
      %dma_start3A_124 = tpu.memref_slice %arg6[%dma_start3A_122, %dma_start3A_123] : memref<8x4096xf32, #tpu.memory_space<vmem>> -> memref<8x4096xf32, #tpu.memory_space<vmem>>
      tpu.enqueue_dma source(%dma_start3A_124 : memref<8x4096xf32, #tpu.memory_space<vmem>>) target(%dma_start3A_121 : memref<8x4096xf32, #tpu.memory_space<hbm>>) target_semaphore(%arg8 : memref<!tpu.dma_semaphore, #tpu.memory_space<semaphore_mem>>)
      %dma_wait3A_125 = arith.constant 2 : i32
      %dma_wait3A_126 = arith.constant 0 : i32
      %dma_wait3A_127 = arith.constant 0 : i32
      %dma_wait3A_128 = tpu.memref_slice %arg6[%dma_wait3A_126, %dma_wait3A_127] : memref<8x4096xf32, #tpu.memory_space<vmem>> -> memref<8x4096xf32, #tpu.memory_space<vmem>>
      %dma_wait3A_129 = arith.constant 32 : i32
      %dma_wait3A_130 = arith.constant 0 : i32
      %dma_wait3A_131 = tpu.memref_slice %arg4[%dma_wait3A_125, %dma_wait3A_129, %dma_wait3A_130] : memref<3x46x4096xf32, #tpu.memory_space<hbm>> -> memref<1x8x4096xf32, #tpu.memory_space<hbm>>
      %dma_wait3A_132 = tpu.memref_squeeze %dma_wait3A_131 : memref<1x8x4096xf32, #tpu.memory_space<hbm>> -> memref<8x4096xf32, #tpu.memory_space<hbm>>
      %dma_wait3A_133 = arith.constant 32 : i32
      %dma_wait3A_134 = arith.constant 0 : i32
      %dma_wait3A_135 = tpu.memref_slice %arg4[%dma_wait3A_125, %dma_wait3A_133, %dma_wait3A_134] : memref<3x46x4096xf32, #tpu.memory_space<hbm>> -> memref<1x8x4096xf32, #tpu.memory_space<hbm>>
      %dma_wait3A_136 = tpu.memref_squeeze %dma_wait3A_135 : memref<1x8x4096xf32, #tpu.memory_space<hbm>> -> memref<8x4096xf32, #tpu.memory_space<hbm>>
      %dma_wait3A_137 = arith.constant 0 : i32
      %dma_wait3A_138 = arith.constant 0 : i32
      %dma_wait3A_139 = tpu.memref_slice %arg6[%dma_wait3A_137, %dma_wait3A_138] : memref<8x4096xf32, #tpu.memory_space<vmem>> -> memref<8x4096xf32, #tpu.memory_space<vmem>>
      tpu.wait_dma2 semaphore(%arg8 : memref<!tpu.dma_semaphore, #tpu.memory_space<semaphore_mem>>) src(%dma_wait3A_139 : memref<8x4096xf32, #tpu.memory_space<vmem>>) dst(%dma_wait3A_136 : memref<8x4096xf32, #tpu.memory_space<hbm>>)
    } else {
    }
    %eq3A_87 = arith.constant 17 : i32
    %eq3A_88 = arith.cmpi eq, %add3A, %eq3A_87 : i32
    %convert_element_type3A_89 = arith.extui %eq3A_88 : i1 to i32
    %cond3A_90 = arith.constant 0 : i32
    %cond3A_91 = arith.cmpi ne, %convert_element_type3A_89, %cond3A_90 : i32
    scf.if %cond3A_91 {
      %dma_start3A = arith.constant 2 : i32
      %dma_start3A_92 = arith.constant 40 : i32
      %dma_start3A_93 = tpu.memref_slice %arg5[%dma_start3A_92] : memref<48xi32, #tpu.memory_space<vmem>> -> memref<8xi32, #tpu.memory_space<vmem>>
      %dma_start3A_94 = arith.constant 0 : i32
      %dma_start3A_95 = arith.constant 0 : i32
      %dma_start3A_96 = tpu.memref_slice %arg2[%dma_start3A, %dma_start3A_94, %dma_start3A_95] : memref<3x5711x4096xf32, #tpu.memory_space<hbm>> -> memref<1x5711x4096xf32, #tpu.memory_space<hbm>>
      %dma_start3A_97 = tpu.memref_squeeze %dma_start3A_96 : memref<1x5711x4096xf32, #tpu.memory_space<hbm>> -> memref<5711x4096xf32, #tpu.memory_space<hbm>>
      %dma_start3A_98 = arith.constant 0 : i32
      %dma_start3A_99 = arith.constant 0 : i32
      %dma_start3A_100 = tpu.memref_slice %dma_start3A_97[%dma_start3A_98, %dma_start3A_99] : memref<5711x4096xf32, #tpu.memory_space<hbm>> -> memref<5711x4096xf32, #tpu.memory_space<hbm>>
      tpu.enqueue_indirect_dma source(%dma_start3A_100 : memref<5711x4096xf32, #tpu.memory_space<hbm>>) target(%arg6 : memref<8x4096xf32, #tpu.memory_space<vmem>>) offsets(%dma_start3A_93 : memref<8xi32, #tpu.memory_space<vmem>>) semaphore(%arg7 : memref<!tpu.dma_semaphore, #tpu.memory_space<semaphore_mem>>)
      %dma_wait3A = arith.constant 2 : i32
      %dma_wait3A_101 = arith.constant 40 : i32
      %dma_wait3A_102 = tpu.memref_slice %arg5[%dma_wait3A_101] : memref<48xi32, #tpu.memory_space<vmem>> -> memref<8xi32, #tpu.memory_space<vmem>>
      %dma_wait3A_103 = arith.constant 0 : i32
      %dma_wait3A_104 = arith.constant 0 : i32
      %dma_wait3A_105 = tpu.memref_slice %arg2[%dma_wait3A, %dma_wait3A_103, %dma_wait3A_104] : memref<3x5711x4096xf32, #tpu.memory_space<hbm>> -> memref<1x5711x4096xf32, #tpu.memory_space<hbm>>
      %dma_wait3A_106 = tpu.memref_squeeze %dma_wait3A_105 : memref<1x5711x4096xf32, #tpu.memory_space<hbm>> -> memref<5711x4096xf32, #tpu.memory_space<hbm>>
      %dma_wait3A_107 = arith.constant 0 : i32
      %dma_wait3A_108 = arith.constant 0 : i32
      %dma_wait3A_109 = tpu.memref_slice %dma_wait3A_106[%dma_wait3A_107, %dma_wait3A_108] : memref<5711x4096xf32, #tpu.memory_space<hbm>> -> memref<5711x4096xf32, #tpu.memory_space<hbm>>
      tpu.wait_indirect_dma semaphore(%arg7 : memref<!tpu.dma_semaphore, #tpu.memory_space<semaphore_mem>>) src(%dma_wait3A_109 : memref<5711x4096xf32, #tpu.memory_space<hbm>>) dst(%arg6 : memref<8x4096xf32, #tpu.memory_space<vmem>>)
      %dma_start3A_110 = arith.constant 2 : i32
      %dma_start3A_111 = arith.constant 0 : i32
      %dma_start3A_112 = arith.constant 0 : i32
      %dma_start3A_113 = tpu.memref_slice %arg6[%dma_start3A_111, %dma_start3A_112] : memref<8x4096xf32, #tpu.memory_space<vmem>> -> memref<6x4096xf32, #tpu.memory_space<vmem>>
      %dma_start3A_114 = arith.constant 40 : i32
      %dma_start3A_115 = arith.constant 0 : i32
      %dma_start3A_116 = tpu.memref_slice %arg4[%dma_start3A_110, %dma_start3A_114, %dma_start3A_115] : memref<3x46x4096xf32, #tpu.memory_space<hbm>> -> memref<1x6x4096xf32, #tpu.memory_space<hbm>>
      %dma_start3A_117 = tpu.memref_squeeze %dma_start3A_116 : memref<1x6x4096xf32, #tpu.memory_space<hbm>> -> memref<6x4096xf32, #tpu.memory_space<hbm>>
      %dma_start3A_118 = arith.constant 40 : i32
      %dma_start3A_119 = arith.constant 0 : i32
      %dma_start3A_120 = tpu.memref_slice %arg4[%dma_start3A_110, %dma_start3A_118, %dma_start3A_119] : memref<3x46x4096xf32, #tpu.memory_space<hbm>> -> memref<1x6x4096xf32, #tpu.memory_space<hbm>>
      %dma_start3A_121 = tpu.memref_squeeze %dma_start3A_120 : memref<1x6x4096xf32, #tpu.memory_space<hbm>> -> memref<6x4096xf32, #tpu.memory_space<hbm>>
      %dma_start3A_122 = arith.constant 0 : i32
      %dma_start3A_123 = arith.constant 0 : i32
      %dma_start3A_124 = tpu.memref_slice %arg6[%dma_start3A_122, %dma_start3A_123] : memref<8x4096xf32, #tpu.memory_space<vmem>> -> memref<6x4096xf32, #tpu.memory_space<vmem>>
      tpu.enqueue_dma source(%dma_start3A_124 : memref<6x4096xf32, #tpu.memory_space<vmem>>) target(%dma_start3A_121 : memref<6x4096xf32, #tpu.memory_space<hbm>>) target_semaphore(%arg8 : memref<!tpu.dma_semaphore, #tpu.memory_space<semaphore_mem>>)
      %dma_wait3A_125 = arith.constant 2 : i32
      %dma_wait3A_126 = arith.constant 0 : i32
      %dma_wait3A_127 = arith.constant 0 : i32
      %dma_wait3A_128 = tpu.memref_slice %arg6[%dma_wait3A_126, %dma_wait3A_127] : memref<8x4096xf32, #tpu.memory_space<vmem>> -> memref<6x4096xf32, #tpu.memory_space<vmem>>
      %dma_wait3A_129 = arith.constant 40 : i32
      %dma_wait3A_130 = arith.constant 0 : i32
      %dma_wait3A_131 = tpu.memref_slice %arg4[%dma_wait3A_125, %dma_wait3A_129, %dma_wait3A_130] : memref<3x46x4096xf32, #tpu.memory_space<hbm>> -> memref<1x6x4096xf32, #tpu.memory_space<hbm>>
      %dma_wait3A_132 = tpu.memref_squeeze %dma_wait3A_131 : memref<1x6x4096xf32, #tpu.memory_space<hbm>> -> memref<6x4096xf32, #tpu.memory_space<hbm>>
      %dma_wait3A_133 = arith.constant 40 : i32
      %dma_wait3A_134 = arith.constant 0 : i32
      %dma_wait3A_135 = tpu.memref_slice %arg4[%dma_wait3A_125, %dma_wait3A_133, %dma_wait3A_134] : memref<3x46x4096xf32, #tpu.memory_space<hbm>> -> memref<1x6x4096xf32, #tpu.memory_space<hbm>>
      %dma_wait3A_136 = tpu.memref_squeeze %dma_wait3A_135 : memref<1x6x4096xf32, #tpu.memory_space<hbm>> -> memref<6x4096xf32, #tpu.memory_space<hbm>>
      %dma_wait3A_137 = arith.constant 0 : i32
      %dma_wait3A_138 = arith.constant 0 : i32
      %dma_wait3A_139 = tpu.memref_slice %arg6[%dma_wait3A_137, %dma_wait3A_138] : memref<8x4096xf32, #tpu.memory_space<vmem>> -> memref<6x4096xf32, #tpu.memory_space<vmem>>
      tpu.wait_dma2 semaphore(%arg8 : memref<!tpu.dma_semaphore, #tpu.memory_space<semaphore_mem>>) src(%dma_wait3A_139 : memref<6x4096xf32, #tpu.memory_space<vmem>>) dst(%dma_wait3A_136 : memref<6x4096xf32, #tpu.memory_space<hbm>>)
    } else {
    }
    return
  }
}

</mosaic_0001>

<sc_bundles>
// kernel: kernel.3.cloned.1.call-start
scs
__scs_entry_jumppad:
0x0: {  	(pc) =	sbr.rel $0x88, $3  }
0x1: {  	(tag) =	ssettag $0x0;
	lr =	simm.s32 $0x1  }
0x2: {  	[smem:$0x3FA0] =	sst lr;
	_ =	strace $0xD0000000  }
0x3: {  	_ = 	snop  }
0x4: {  	_ = 	snop  }
0x5: {  	_ = 	snop  }
0x6: {  	_ = 	snop  }
0x7: {  	_ = 	snop  }
__scs_overlays_trampoline_lowered:
0x8: {  	[smem:$0x3FAF] =	sst s0  }
0x9: {  	[smem:$0x3FB0] =	sst s1  }
0xa: {  	[smem:$0x3FB1] =	sst s2  }
0xb: {  	[smem:$0x3FB2] =	sst s3  }
0xc: {  	[smem:$0x3FB3] =	sst s4  }
0xd: {  	[smem:$0x3FB4] =	sst s5  }
0xe: {  	[smem:$0x3FB5] =	sst s6  }
0xf: {  	[smem:$0x3FB6] =	sst s7  }
0x10: {  	[smem:$0x3FB7] =	sst s8  }
0x11: {  	[smem:$0x3FB8] =	sst s9;
	s0 =	simm.s32 @!p0 $0x0  }
0x12: {  	s1 =	sld [smem:$0x3F9E];
	s0 =	simm.s32 @p0 $0x1  }
0x13: {  	[smem:$0x3FB9] =	sst s0;
	s0 =	simm.s32 @!p1 $0x0  }
0x14: {  	s2 =	sld [smem:$0x3F9D];
	s0 =	simm.s32 @p1 $0x1  }
0x15: {  	[smem:$0x3FBA] =	sst s0;
	s0 =	simm.s32 @!p2 $0x0  }
0x16: {  	s3 =	sld [smem:$0x3FDB];
	s0 =	simm.s32 @p2 $0x1  }
0x17: {  	s4 =	simm.s32 $0x1BF5;
	[smem:$0x3FBC] =	sst s0  }
0x18: {  	s0 =	sld [smem:$0x3F9F];
	_ =	swait.ge [sflag:s4], $0x0  }
0x19: {  	s7 =	sld [smem:$0x3FA0]  }
0x1a: {  	s8 =	sadd.s32 $0xFFFFE003, lr  }
0x1b: {  	s9 =	sadd.s32 $0xFFFFFEF7, lr;
	s5 =	simm.s32 $0xFFFFFFFF;
	p2 =	slt.u32 s8, $0xFFFFF086  }
0x1c: {  	p1 =	slt.u32 s9, $0xF7A;
	s5 =	simm.s32 @!p2 $0x0  }
0x1d: {  	s5 =	simm.s32 @p1 $0x1;
	p0 =	seq.s32 s7, s2  }
0x1e: {  	s7 =	smul.u32 @!p0 $0xF7A, s2;
	p2 =	seq.s32 @!p0 s5, $0x0  }
0x1f: {  	s9 =	smul.u32 $0xF7A, s1;
	s8 =	simm.s32 @!p0 $0x1BF5;
	p2 =	por !p2, p0  }
0x20: {  	[sflag:s8] =	ssyncset.s32 @!p0 $0xFFFFF086;
	s6 =	sadd.s32 @!p0 s3, s7;
	s7 =	simm.s32 @!p0 $0x108  }
0x21: {  	s3 =	sadd.s32 s3, s9;
	s6 =	sadd.s32 @!p0 $0x88, s6;
	s7 =	simm.s32 @p2 $0x1082  }
0x22: {  	[simem:s7], [sflag:s8] =	dma.local @!p0 [hbm:s6], $0xF7A  }
0x23: {  	s9 =	sor.u32 $0xD0000000, s2;
	s6 =	simm.s32 $0x108;
	_ =	swait.ge @!p0 [sflag:s8], $0x0  }
0x24: {  	s3 =	sadd.s32 $0x88, s3;
	s6 =	simm.s32 @!p1 $0x1082;
	[sflag:s4] =	ssyncset.s32 $0xFFFFF086  }
0x25: {  	[simem:s6], [sflag:s4] =	dma.local [hbm:s3], $0xF7A  }
0x26: {  	[smem:$0x3FA0] =	sst s1;
	(tag) =	ssettag s2;
	_ =	strace s9  }
0x27: {  	s1 =	sld [smem:$0x3FB0]  }
0x28: {  	s2 =	sld [smem:$0x3FB1]  }
0x29: {  	s4 =	sld [smem:$0x3FB3]  }
0x2a: {  	p0 =	seq.s32 s5, $0x0;
	s5 =	sld [smem:$0x3FB4]  }
0x2b: {  	s6 =	sld [smem:$0x3FB5]  }
0x2c: {  	s7 =	sld [smem:$0x3FB6]  }
0x2d: {  	s3 =	simm.s32 $0x108;
	s8 =	sld [smem:$0x3FB7]  }
0x2e: {  	s3 =	simm.s32 @!p0 $0x1082;
	s9 =	sld [smem:$0x3FB8]  }
0x2f: {  	lr =	sadd.s32 s0, s3;
	s0 =	sld [smem:$0x3FAF]  }
0x30: {  	s3 =	sld [smem:$0x3FB2]  }
0x31: {  	[smem:$0x3FBB] =	sst s10  }
0x32: {  	s10 =	sld [smem:$0x3FB9];
	_ =	sdelay $0x3  }
0x33: {  	p0 =	seq.s32 s10, $0x1;
	s10 =	sld [smem:$0x3FBB];
	_ =	sdelay $0x3  }
0x34: {  	[smem:$0x3FBB] =	sst s10  }
0x35: {  	s10 =	sld [smem:$0x3FBA];
	_ =	sdelay $0x3  }
0x36: {  	p1 =	seq.s32 s10, $0x1;
	s10 =	sld [smem:$0x3FBB];
	_ =	sdelay $0x3  }
0x37: {  	[smem:$0x3FBB] =	sst s10  }
0x38: {  	s10 =	sld [smem:$0x3FBC]  }
0x39: {  	_ = 	snop;
	(pc) =	sbr.ind lr, $3  }
0x3a: {  	_ = 	snop  }
0x3b: {  	_ = 	snop  }
0x3c: {  	p2 =	seq.s32 s10, $0x1;
	s10 =	sld [smem:$0x3FBB]  }
0x3d: {  	_ =	shalt  }
0x3e: {  	_ =	shalt  }
0x3f: {  	_ =	shalt  }
0x40: {  	_ =	shalt  }
0x41: {  	_ =	shalt  }
0x42: {  	_ =	shalt  }
0x43: {  	_ =	shalt  }
0x44: {  	_ =	shalt  }
0x45: {  	_ =	shalt  }
0x46: {  	_ =	shalt  }
0x47: {  	_ =	shalt  }
0x48: {  	_ =	shalt  }
0x49: {  	_ =	shalt  }
0x4a: {  	_ =	shalt  }
0x4b: {  	_ =	shalt  }
0x4c: {  	_ =	shalt  }
0x4d: {  	_ =	shalt  }
0x4e: {  	_ =	shalt  }
0x4f: {  	_ =	shalt  }
0x50: {  	_ =	shalt  }
0x51: {  	_ =	shalt  }
0x52: {  	_ =	shalt  }
0x53: {  	_ =	shalt  }
0x54: {  	_ =	shalt  }
0x55: {  	_ =	shalt  }
0x56: {  	_ =	shalt  }
0x57: {  	_ =	shalt  }
0x58: {  	_ =	shalt  }
0x59: {  	_ =	shalt  }
0x5a: {  	_ =	shalt  }
0x5b: {  	_ =	shalt  }
0x5c: {  	_ =	shalt  }
0x5d: {  	_ =	shalt  }
0x5e: {  	_ =	shalt  }
0x5f: {  	_ =	shalt  }
0x60: {  	_ =	shalt  }
0x61: {  	_ =	shalt  }
0x62: {  	_ =	shalt  }
0x63: {  	_ =	shalt  }
0x64: {  	_ =	shalt  }
0x65: {  	_ =	shalt  }
0x66: {  	_ =	shalt  }
0x67: {  	_ =	shalt  }
0x68: {  	_ =	shalt  }
0x69: {  	_ =	shalt  }
0x6a: {  	_ =	shalt  }
0x6b: {  	_ =	shalt  }
0x6c: {  	_ =	shalt  }
0x6d: {  	_ =	shalt  }
0x6e: {  	_ =	shalt  }
0x6f: {  	_ =	shalt  }
0x70: {  	_ =	shalt  }
0x71: {  	_ =	shalt  }
0x72: {  	_ =	shalt  }
0x73: {  	_ =	shalt  }
0x74: {  	_ =	shalt  }
0x75: {  	_ =	shalt  }
0x76: {  	_ =	shalt  }
0x77: {  	_ =	shalt  }
0x78: {  	_ =	shalt  }
0x79: {  	_ =	shalt  }
0x7a: {  	_ =	shalt  }
0x7b: {  	_ =	shalt  }
0x7c: {  	_ =	shalt  }
0x7d: {  	_ =	shalt  }
0x7e: {  	_ =	shalt  }
0x7f: {  	_ =	shalt  }
0x80: {  	_ =	shalt  }
0x81: {  	_ =	shalt  }
0x82: {  	_ =	shalt  }
0x83: {  	_ =	shalt  }
0x84: {  	_ =	shalt  }
0x85: {  	_ =	shalt  }
0x86: {  	_ =	shalt  }
0x87: {  	_ =	shalt  }
.Lfunc_end0:
.L_simem_size_0:
called_computation_lowered:
.L_overlay_start_0:
0x88: {  	s2 =	sld [smem:$0x3FD9]  }
0x89: {  	s3 =	sld [smem:$0x3FFE];
	_ =	sdelay $0x1  }
0x8a: {  	s1 =	srdreg.scid  }
0x8b: {  	s0 =	sand.u32 $0x1, s1  }
0x8c: {  	s17 =	sshll.u32 s0, $0xA;
	s2 =	sadd.s32 s3, s2  }
0x8d: {  	s2 =	sadd.s32 s2, s17  }
0x8e: {  	[smem:$0x3FC7] =	sst s2  }
0x8f: {  	_ = 	snop  }
0x90: {  	s2 =	sld [smem:$0x3FC9]  }
0x91: {  	s18 =	sld [smem:$0x3FD0];
	(tm) =	ssettm $0x1  }
0x92: {  	s4 =	sld [smem:$0x3FFB];
	_ =	sdelay $0x3  }
0x93: {  	_ =	strace s4  }
0x94: {  	s4 =	sld [smem:$0x3FFC];
	_ =	sdelay $0x3  }
0x95: {  	_ =	strace s4  }
0x96: {  	s4 =	sld [smem:$0x3FFD];
	_ =	sdelay $0x3  }
0x97: {  	_ =	strace s4  }
0x98: {  	_ =	strace $0x8FFFFFFF  }
0x99: {  	s19 =	sld [smem:$0x3FDB];
	_ =	sdelay $0x1  }
0x9a: {  	s5 =	simm.s32 $_scs_section_size  }
0x9b: {  	s6 =	simm.s32 $_size__tile_overlayer_lowered;
	s7 =	simm.s32 $_tile_overlayer_lowered  }
0x9c: {  	s22 =	simm.s32 $0x1BFF;
	s21 =	sshll.u32 s7, $0x1;
	s4 =	sadd.s32 s5, s19  }
0x9d: {  	s8 =	simm.s32 $0x0;
	s20 =	sshll.u32 s6, $0x1;
	s6 =	sadd.s32 s21, s4  }
0x9e: {  	[timem:s8], [sflag:s22] =	dma.local [hbm:s6], s20  }
0x9f: {  	_ =	swait.ge [sflag:s22], s20  }
0xa0: {  	s5 =	ssub.s32 $0x0, s20;
	[sflag:s22] =	ssyncset.done $0x0  }
0xa1: {  	[sflag:s22] =	ssyncadd.s32 s5;
	_ =	sdelay $0x1  }
0xa2: {  	s23 =	simm.s32 $0x1B8B  }
0xa3: {  	_ =	swait.ge [sflag:s23], $0x1  }
0xa4: {  	[sflag:s23] =	ssyncset.done $0x0  }
0xa5: {  	s25 =	simm.s32 $0x1B8E;
	s24 =	sld [smem:$0x3FFE];
	[sflag:s23] =	ssyncadd.s32 $0xFFFFFFFF  }
0xa6: {  	s26 =	simm.s32 $execute0_lowered;
	[smem:$0x3FD2] =	sst s25  }
0xa7: {  	s6 =	sshll.u32 s26, $0x1;
	_ =	strace $0x80000046;
	[dreg:$0x1] =	wrdreg $0xFFFFFFFF  }
0xa8: {  	s28 =	simm.s32 $_size_execute0_lowered;
	s4 =	sadd.s32 s4, s6;
	[dreg:$0x0] =	wrdreg $0x0  }
0xa9: {  	s6 =	sshll.u32 s28, $0x1;
	[dreg:$0x2] =	wrdreg s4  }
0xaa: {  	[dreg:$0x3] =	wrdreg s6  }
0xab: {  	[dreg:$0x4] =	wrdreg $0xC0  }
0xac: {  	_ =	task [dreg:s8], $0x5FFFF  }
0xad: {  	[dreg:$0x1] =	wrdreg $0xFFFFFFFF  }
0xae: {  	[dreg:$0x0] =	wrdreg $0x60  }
0xaf: {  	[dreg:$0x2] =	wrdreg s2  }
0xb0: {  	[dreg:$0x3] =	wrdreg s24  }
0xb1: {  	[dreg:$0x4] =	wrdreg s18  }
0xb2: {  	[dreg:$0x5] =	wrdreg $0x9  }
0xb3: {  	_ =	task.clear_ibuf [dreg:s8], $0x6FFFF;
	_ =	strace $0x90000046  }
0xb4: {  	s29 =	simm.s32 $0x9;
	_ =	strace $0x80000048  }
0xb5: {  	_ =	swait.ge [sflag:s29], $0x1  }
0xb6: {  	[sflag:s29] =	ssyncadd.s32 $0xFFFFFFFF  }
0xb7: {  	_ =	strace $0x90000048  }
0xb8: {  	_ =	sfence  }
0xb9: {  	s30 =	sld [smem:$0x0];
	_ =	sdelay $0x2  }
0xba: {  	s31 =	sshll.u32 s1, $0xD;
	s1 =	sshrl.u32 s1, $0x2  }
0xbb: {  	s3 =	sand.u32 $0x4000, s31;
	s1 =	sadd.s32 s1, s30  }
0xbc: {  	s0 =	sor.u32 s3, s0;
	s1 =	sshll.u32 s1, $0x11  }
0xbd: {  	s0 =	sor.u32 s1, s0  }
0xbe: {  	s0 =	sadd.s32 $0x8F2B, s0  }
0xbf: {  	[sflag:s0] =	ssyncadd.remote.s32 $0x1  }
0xc0: {  	_ =	sfence.sel $0xFFFF  }
0xc1: {  	[dreg:$0x0] =	wrdreg $0xFFFFFFFF;
	(pc) =	sbr.abs _section_cstart, $3  }
0xc2: {  	[dreg:$0x1] =	wrdreg $0xFFFFFFFF  }
0xc3: {  	_ =	task.clear_ibuf [dreg:s8], $0x2FFFF;
	_ =	strace $0x9FFFFFFF  }
0xc4: {  	(tm) =	ssettm $0x7FFFFFFF  }
0xc5: {  	_ =	shalt  }
tec
execute0_lowered:
.L_overlay_start_1:
0x0: {  	(tag) =	ssettag $0x1  }
0x1: {  	s20 =	rddreg [dreg:$0x0]  }
0x2: {  	s0 =	rddreg [dreg:$0x1]  }
0x3: {  	s6 =	rddreg [dreg:$0x2];
	s1 =	srdreg.scid;
	s3 =	simm.s32 $0x0  }
0x4: {  	s7 =	stileid.u32;
	[smem:$0x7FF] =	sst s3;
	s12 =	sadd.s32 $0x100, s20  }
0x5: {  	s13 =	sadd.s32 $0x300, s20;
	_ =	strace $0x80000047;
	[dreg:$0x4] =	wrdreg s12  }
0x6: {  	s30 =	simm.s32 $0x80;
	s14 =	sadd.s32 $0x400, s20;
	[dreg:$0x6] =	wrdreg s13  }
0x7: {  	s28 =	simm.s32 $0x1880;
	s15 =	sadd.s32 $0x500, s20;
	[dreg:$0x7] =	wrdreg s14  }
0x8: {  	s29 =	simm.s32 $0x2880;
	s16 =	sadd.s32 $0x600, s20;
	[dreg:$0x8] =	wrdreg s15  }
0x9: {  	s1 =	sand.u32 $0x1, s1;
	s17 =	sadd.s32 $0x700, s20;
	[dreg:$0x9] =	wrdreg s16  }
0xa: {  	s5 =	sadd.s32 $0x400, s0;
	s18 =	sadd.s32 $0x800, s20;
	[dreg:$0xa] =	wrdreg s17  }
0xb: {  	s11 =	sshll.u32 s7, $0x1;
	s19 =	sadd.s32 $0x900, s20;
	[dreg:$0xb] =	wrdreg s18  }
0xc: {  	s31 =	sadd.s32 $0x200, s20;
	s21 =	sadd.s32 $0xA00, s20;
	[dreg:$0xc] =	wrdreg s19  }
0xd: {  	s22 =	sadd.s32 $0xB00, s20;
	s23 =	sadd.s32 $0xC00, s20;
	[dreg:$0xd] =	wrdreg s21  }
0xe: {  	s24 =	sadd.s32 $0xD00, s20;
	s25 =	sadd.s32 $0xE00, s20;
	[dreg:$0xe] =	wrdreg s22  }
0xf: {  	s26 =	sadd.s32 $0xF00, s20;
	p3 =	sgt.u32 s7, $0x8;
	[dreg:$0xf] =	wrdreg s23  }
0x10: {  	s7 =	sadd.s32 $0xF000, s6;
	s8 =	sadd.s32 $0xE000, s6;
	[dreg:$0x10] =	wrdreg s24  }
0x11: {  	s9 =	sadd.s32 $0xD000, s6;
	s2 =	ssub.s32 $0x2, s1;
	[dreg:$0x11] =	wrdreg s25  }
0x12: {  	s1 =	sor.u32 s1, s11;
	[dreg:$0x12] =	wrdreg s26;
	s21 =	sadd.s32 $0x5000, s6  }
0x13: {  	s22 =	sadd.s32 $0x2CA000, s20;
	s23 =	sadd.s32 $0xB000, s6;
	[dreg:$0x14] =	wrdreg s7  }
0x14: {  	s24 =	sadd.s32 $0x594000, s20;
	s26 =	sadd.s32 $0x11000, s6;
	[dreg:$0x15] =	wrdreg s8  }
0x15: {  	[dreg:$0x16] =	wrdreg s9;
	s11 =	sadd.s32 $0xA000, s6;
	s12 =	sadd.s32 $0x9000, s6  }
0x16: {  	s13 =	sadd.s32 $0x8000, s6;
	s4 =	sshrl.u32 s2, $0x1;
	p2 =	sgt.s32 s1, $0x1  }
0x17: {  	s14 =	sadd.s32 $0x7000, s6;
	s10 =	ssub.s32 s2, s4;
	s2 =	simm.s32 @!p2 $0x0  }
0x18: {  	s15 =	sadd.s32 $0x6000, s6;
	s2 =	simm.s32 @p2 $0x1;
	p2 =	seq.s32 s1, $0x0  }
0x19: {  	s16 =	sadd.s32 $0x4000, s6;
	[smem:$0x7E9] =	sst s2;
	s2 =	simm.s32 @!p2 $0x0  }
0x1a: {  	s17 =	sadd.s32 $0x3000, s6;
	s2 =	simm.s32 @p2 $0x1;
	p2 =	seq.s32 s1, $0x2  }
0x1b: {  	s18 =	sadd.s32 $0x2000, s6;
	[smem:$0x7EA] =	sst s2;
	s2 =	simm.s32 @!p2 $0x0  }
0x1c: {  	[dreg:$0x5] =	wrdreg s31;
	s2 =	simm.s32 @p2 $0x1;
	p2 =	sgt.s32 s1, $0x5  }
0x1d: {  	s19 =	sadd.s32 $0x1000, s6;
	[smem:$0x7EB] =	sst s2;
	s2 =	simm.s32 @!p2 $0x0  }
0x1e: {  	[dreg:$0x18] =	wrdreg s11;
	s2 =	simm.s32 @p2 $0x1;
	p2 =	seq.s32 s1, $0x4  }
0x1f: {  	s7 =	simm.s32 $0x4080;
	[smem:$0x7EC] =	sst s2;
	s2 =	simm.s32 @!p2 $0x0  }
0x20: {  	[dreg:$0x19] =	wrdreg s12;
	s2 =	simm.s32 @p2 $0x1;
	p2 =	seq.s32 s1, $0x5  }
0x21: {  	s8 =	simm.s32 $0x4880;
	[smem:$0x7ED] =	sst s2;
	s2 =	simm.s32 @!p2 $0x0  }
0x22: {  	[dreg:$0x1a] =	wrdreg s13;
	s2 =	simm.s32 @p2 $0x1;
	p2 =	seq.s32 s1, $0x6  }
0x23: {  	s9 =	simm.s32 $0x5080;
	[smem:$0x7EE] =	sst s2;
	s2 =	simm.s32 @!p2 $0x0  }
0x24: {  	[dreg:$0x1b] =	wrdreg s14;
	s2 =	simm.s32 @p2 $0x1;
	p2 =	seq.s32 s1, $0x7  }
0x25: {  	p0 =	sgt.s32 s1, $0x8;
	[smem:$0x7EF] =	sst s2;
	s2 =	simm.s32 @!p2 $0x0  }
0x26: {  	[dreg:$0x1c] =	wrdreg s15;
	s2 =	simm.s32 @p2 $0x1;
	p2 =	seq.s32 s1, $0x8  }
0x27: {  	p1 =	sgt.s32 s1, $0x3;
	[smem:$0x7F0] =	sst s2;
	s2 =	simm.s32 @!p2 $0x0  }
0x28: {  	[dreg:$0x1d] =	wrdreg s16;
	s2 =	simm.s32 @p2 $0x1;
	p2 =	sgt.s32 s1, $0xA  }
0x29: {  	p4 =	seq.s32 s1, $0x1;
	[smem:$0x7F1] =	sst s2;
	s2 =	simm.s32 @!p2 $0x0  }
0x2a: {  	[dreg:$0x1e] =	wrdreg s17;
	s2 =	simm.s32 @p2 $0x1;
	p2 =	seq.s32 s1, $0x9  }
0x2b: {  	p6 =	seq.s32 s1, $0x3;
	[smem:$0x7F2] =	sst s2;
	s2 =	simm.s32 @!p2 $0x0  }
0x2c: {  	[dreg:$0x1f] =	wrdreg s18;
	s2 =	simm.s32 @p2 $0x1;
	p2 =	seq.s32 s1, $0xA  }
0x2d: {  	p5 =	sgt.s32 s1, $0xC;
	[smem:$0x7F3] =	sst s2;
	s2 =	simm.s32 @!p2 $0x0  }
0x2e: {  	[smem:$0x7FD] =	sst s19;
	s2 =	simm.s32 @p2 $0x1;
	p2 =	seq.s32 s1, $0xB  }
0x2f: {  	s18 =	simm.s32 $0x880;
	[smem:$0x7F4] =	sst s2;
	s2 =	simm.s32 @!p2 $0x0  }
0x30: {  	s19 =	simm.s32 $0x1080;
	s2 =	simm.s32 @p2 $0x1;
	p2 =	seq.s32 s1, $0xC  }
0x31: {  	s11 =	simm.s32 $0x6080;
	[smem:$0x7F5] =	sst s2;
	s2 =	simm.s32 @!p2 $0x0  }
0x32: {  	s12 =	simm.s32 $0x6880;
	s2 =	simm.s32 @p2 $0x1;
	p2 =	sgt.s32 s1, $0xE  }
0x33: {  	s13 =	simm.s32 $0x7080;
	[smem:$0x7F6] =	sst s2;
	s2 =	simm.s32 @!p2 $0x0  }
0x34: {  	s14 =	simm.s32 $0x7880;
	s2 =	simm.s32 @p2 $0x1;
	p2 =	seq.s32 s1, $0xD  }
0x35: {  	s15 =	simm.s32 $0x1;
	[smem:$0x7F7] =	sst s2;
	s2 =	simm.s32 @!p2 $0x0  }
0x36: {  	s16 =	simm.s32 $0x2;
	s2 =	simm.s32 @p2 $0x1;
	p2 =	seq.s32 s1, $0xE  }
0x37: {  	s17 =	simm.s32 $0x0;
	[smem:$0x7F8] =	sst s2;
	s2 =	simm.s32 @!p2 $0x0  }
0x38: {  	s4 =	sadd.s32 $0x10000, s6;
	s2 =	simm.s32 @p2 $0x1;
	p2 =	seq.s32 s1, $0xF  }
0x39: {  	s25 =	smax.u32 s10, $0x1;
	[smem:$0x7F9] =	sst s2;
	s2 =	simm.s32 @!p2 $0x0  }
0x3a: {  	[dreg:$0x13] =	wrdreg s4;
	s2 =	simm.s32 @p2 $0x1;
	p2 =	seq.s32 s1, $0x10  }
.Ltmp0:
0x3b: {  	[smem:$0x7FA] =	sst s2;
	s2 =	simm.s32 @!p2 $0x0;
	(pc) =	sbr.rel .LBB2_1-.Ltmp0, $4  }
0x3c: {  	s10 =	sadd.s32 $0xC000, s6;
	s2 =	simm.s32 @p2 $0x1;
	p2 =	seq.s32 s1, $0x11  }
0x3d: {  	v0 =	vlaneseq.u32;
	s4 =	simm.s32 $0x2080;
	[dreg:$0x17] =	wrdreg s10;
	s1 =	simm.s32 @!p2 $0x0  }
0x3e: {  	vm0 =	vmmov $0xffff;
	v1 =	vshrl.u32 v0, $0x3;
	v0 =	vand.u32 $0x7, v0;
	s6 =	simm.s32 $0x3880;
	[smem:$0x7FB] =	sst s2;
	s1 =	simm.s32 @p2 $0x1  }
0x3f: {  	v1 =	vmul.u32 $0x8, v1;
	vm1 =	vmmov @p4 $0xffff;
	vm2 =	vmmov @p6 $0xffff;
	s10 =	simm.s32 $0x5880;
	s2 =	simm.s32 $0x3080;
	[smem:$0x7FC] =	sst s1  }
.LBB2_41:
0x40: {  	v2 =	vld.msk [tilespmem:$0x18], $0xff;
	_ =	sdelay $0x4  }
0x41: {  	v3 =	vshll.u32 v2, $0x5  }
0x42: {  	v2 =	vand.u32 $0x7, v2;
	v3 =	vand.u32 $0xFFFFFF00, v3  }
0x43: {  	v2 =	vor.u32 v2, v3  }
0x44: {  	v2 =	vperm.xlane v2, v0;
	_ =	sdelay $0x1  }
0x45: {  	v2 =	vadd.s32 v1, v2;
	_ =	sdelay $0x4  }
0x46: {  	[tilespmem:s30], [sflag:$0x1] =	stream.indirect_vreg.gather [hbm4b:s22+s3], $0x80, v2, vm0, $0xb8;
	[tilespmem:$0x8080] =	vst v63  }
0x47: {  	s1 =	sadd.s32 $0x100, s22  }
0x48: {  	[tilespmem:s18], [sflag:$0x1] =	stream.indirect_vreg.gather [hbm4b:s1+s3], $0x80, v2, vm0, $0xb8;
	[tilespmem:$0x8080] =	vst v63  }
0x49: {  	s0 =	sadd.s32 $0x200, s22  }
0x4a: {  	[tilespmem:s19], [sflag:$0x1] =	stream.indirect_vreg.gather [hbm4b:s0+s3], $0x80, v2, vm0, $0xb8;
	[tilespmem:$0x8080] =	vst v63  }
0x4b: {  	s0 =	sadd.s32 $0x300, s22  }
0x4c: {  	[tilespmem:s28], [sflag:$0x1] =	stream.indirect_vreg.gather [hbm4b:s0+s3], $0x80, v2, vm0, $0xb8;
	[tilespmem:$0x8080] =	vst v63  }
0x4d: {  	s0 =	sadd.s32 $0x400, s22  }
0x4e: {  	[tilespmem:s4], [sflag:$0x1] =	stream.indirect_vreg.gather [hbm4b:s0+s3], $0x80, v2, vm0, $0xb8;
	[tilespmem:$0x8080] =	vst v63  }
0x4f: {  	s0 =	sadd.s32 $0x500, s22  }
0x50: {  	[tilespmem:s29], [sflag:$0x1] =	stream.indirect_vreg.gather [hbm4b:s0+s3], $0x80, v2, vm0, $0xb8;
	[tilespmem:$0x8080] =	vst v63  }
0x51: {  	s0 =	sadd.s32 $0x600, s22  }
0x52: {  	[tilespmem:s2], [sflag:$0x1] =	stream.indirect_vreg.gather [hbm4b:s0+s3], $0x80, v2, vm0, $0xb8;
	[tilespmem:$0x8080] =	vst v63  }
0x53: {  	s0 =	sadd.s32 $0x700, s22  }
0x54: {  	[tilespmem:s6], [sflag:$0x1] =	stream.indirect_vreg.gather [hbm4b:s0+s3], $0x80, v2, vm0, $0xb8;
	[tilespmem:$0x8080] =	vst v63  }
0x55: {  	s0 =	sadd.s32 $0x800, s22  }
0x56: {  	[tilespmem:s7], [sflag:$0x1] =	stream.indirect_vreg.gather [hbm4b:s0+s3], $0x80, v2, vm0, $0xb8;
	[tilespmem:$0x8080] =	vst v63  }
0x57: {  	s0 =	sadd.s32 $0x900, s22  }
0x58: {  	[tilespmem:s8], [sflag:$0x1] =	stream.indirect_vreg.gather [hbm4b:s0+s3], $0x80, v2, vm0, $0xb8;
	[tilespmem:$0x8080] =	vst v63  }
0x59: {  	s0 =	sadd.s32 $0xA00, s22  }
0x5a: {  	[tilespmem:s9], [sflag:$0x1] =	stream.indirect_vreg.gather [hbm4b:s0+s3], $0x80, v2, vm0, $0xb8;
	[tilespmem:$0x8080] =	vst v63  }
0x5b: {  	s0 =	sadd.s32 $0xB00, s22  }
0x5c: {  	[tilespmem:s10], [sflag:$0x1] =	stream.indirect_vreg.gather [hbm4b:s0+s3], $0x80, v2, vm0, $0xb8;
	[tilespmem:$0x8080] =	vst v63  }
0x5d: {  	s0 =	sadd.s32 $0xC00, s22  }
0x5e: {  	[tilespmem:s11], [sflag:$0x1] =	stream.indirect_vreg.gather [hbm4b:s0+s3], $0x80, v2, vm0, $0xb8;
	[tilespmem:$0x8080] =	vst v63  }
0x5f: {  	s0 =	sadd.s32 $0xD00, s22  }
0x60: {  	[tilespmem:s12], [sflag:$0x1] =	stream.indirect_vreg.gather [hbm4b:s0+s3], $0x80, v2, vm0, $0xb8;
	[tilespmem:$0x8080] =	vst v63  }
0x61: {  	s0 =	sadd.s32 $0xE00, s22  }
0x62: {  	[tilespmem:s13], [sflag:$0x1] =	stream.indirect_vreg.gather [hbm4b:s0+s3], $0x80, v2, vm0, $0xb8;
	[tilespmem:$0x8080] =	vst v63  }
0x63: {  	s0 =	sadd.s32 $0xF00, s22  }
0x64: {  	[tilespmem:s14], [sflag:$0x1] =	stream.indirect_vreg.gather [hbm4b:s0+s3], $0x80, v2, vm0, $0xb8;
	[tilespmem:$0x8080] =	vst v63  }
0x65: {  	_ =	swait.ge [sflag:s15], $0x8000  }
0x66: {  	[sflag:s15] =	ssyncset.done $0x0  }
0x67: {  	s0 =	rddreg [dreg:$0x19];
	[sflag:s15] =	ssyncadd.s32 $0xFFFF8000  }
0x68: {  	[hbm4b:s0+s3] =	stream.linear.scatter [tilespmem:s30], [sflag:$0x2], $0x8000, $0x38;
	[tilespmem:$0x8080] =	vst v63  }
0x69: {  	_ =	swait.ge [sflag:s16], $0x8000  }
0x6a: {  	[sflag:s16] =	ssyncset.done $0x0  }
0x6b: {  	[sflag:s16] =	ssyncadd.s32 $0xFFFF8000  }
.LBB2_48:
0x6c: {  	s17 =	sadd.s32 $0x1, s17  }
0x6d: {  	p2 =	sne.s32 s17, s25  }
.Ltmp1:
0x6e: {  	_ = 	snop;
	(pc) =	sbr.rel @!p2 .LBB2_49-.Ltmp1, $1  }
0x6f: {  	_ =	sdelay $0x3  }
.LBB2_1:
0x70: {  	s1 =	simm.s32 @!p3 $0x0  }
0x71: {  	[tilespmem:s1], [sflag:$0x3] =	stream.linear.gather @!p3 [hbm4b:s5+s1], $0x80, $0x38;
	[tilespmem:$0x8080] =	vst v63  }
.Ltmp2:
0x72: {  	_ = 	snop;
	(pc) =	sbr.rel @p0 .LBB2_18-.Ltmp2, $4  }
0x73: {  	s1 =	simm.s32 @!p3 $0x3  }
0x74: {  	_ =	swait.ge @!p3 [sflag:s1], $0x80  }
0x75: {  	[sflag:s1] =	ssyncset.done @!p3 $0x0  }
0x76: {  	[sflag:s1] =	ssyncadd.s32 @!p3 $0xFFFFFF80  }
.Ltmp3:
0x77: {  	(pc) =	sbr.rel @!p1 .LBB2_3-.Ltmp3, $1  }
0x78: {  	_ =	sdelay $0x3  }
0x79: {  	s0 =	sld [smem:$0x7EC];
	_ =	sdelay $0x2  }
0x7a: {  	p2 =	seq.s32 s0, $0x1  }
.Ltmp4:
0x7b: {  	_ = 	snop;
	(pc) =	sbr.rel @!p2 .LBB2_9-.Ltmp4, $1  }
0x7c: {  	_ =	sdelay $0x3  }
0x7d: {  	s0 =	sld [smem:$0x7EF];
	_ =	sdelay $0x2  }
0x7e: {  	p2 =	seq.s32 s0, $0x1  }
.Ltmp5:
0x7f: {  	_ = 	snop;
	(pc) =	sbr.rel @p2 .LBB2_39-.Ltmp5, $1  }
0x80: {  	_ =	sdelay $0x3  }
0x81: {  	s0 =	sld [smem:$0x7F0];
	_ =	sdelay $0x2  }
0x82: {  	p2 =	seq.s32 s0, $0x1  }
.Ltmp6:
0x83: {  	_ = 	snop;
	(pc) =	sbr.rel @p2 .LBB2_40-.Ltmp6, $1  }
0x84: {  	_ =	sdelay $0x3  }
0x85: {  	s0 =	sld [smem:$0x7F1];
	_ =	sdelay $0x2  }
0x86: {  	p2 =	seq.s32 s0, $0x1  }
.Ltmp7:
0x87: {  	_ = 	snop;
	(pc) =	sbr.rel @!p2 .LBB2_48-.Ltmp7, $1  }
0x88: {  	_ =	sdelay $0x3  }
0x89: {  	v2 =	vld.msk [tilespmem:$0x10], $0xff;
	_ =	sdelay $0x4  }
0x8a: {  	v3 =	vshll.u32 v2, $0x5  }
0x8b: {  	v2 =	vand.u32 $0x7, v2;
	v3 =	vand.u32 $0xFFFFFF00, v3  }
0x8c: {  	v2 =	vor.u32 v2, v3  }
0x8d: {  	v2 =	vperm.xlane v2, v0;
	_ =	sdelay $0x1  }
0x8e: {  	v2 =	vadd.s32 v1, v2;
	_ =	sdelay $0x4  }
0x8f: {  	[tilespmem:s30], [sflag:$0x1] =	stream.indirect_vreg.gather [hbm4b:s22+s3], $0x80, v2, vm0, $0xb8;
	[tilespmem:$0x8080] =	vst v63  }
0x90: {  	s1 =	sadd.s32 $0x100, s22  }
0x91: {  	[tilespmem:s18], [sflag:$0x1] =	stream.indirect_vreg.gather [hbm4b:s1+s3], $0x80, v2, vm0, $0xb8;
	[tilespmem:$0x8080] =	vst v63  }
0x92: {  	s0 =	sadd.s32 $0x200, s22  }
0x93: {  	[tilespmem:s19], [sflag:$0x1] =	stream.indirect_vreg.gather [hbm4b:s0+s3], $0x80, v2, vm0, $0xb8;
	[tilespmem:$0x8080] =	vst v63  }
0x94: {  	s0 =	sadd.s32 $0x300, s22  }
0x95: {  	[tilespmem:s28], [sflag:$0x1] =	stream.indirect_vreg.gather [hbm4b:s0+s3], $0x80, v2, vm0, $0xb8;
	[tilespmem:$0x8080] =	vst v63  }
0x96: {  	s0 =	sadd.s32 $0x400, s22  }
0x97: {  	[tilespmem:s4], [sflag:$0x1] =	stream.indirect_vreg.gather [hbm4b:s0+s3], $0x80, v2, vm0, $0xb8;
	[tilespmem:$0x8080] =	vst v63  }
0x98: {  	s0 =	sadd.s32 $0x500, s22  }
0x99: {  	[tilespmem:s29], [sflag:$0x1] =	stream.indirect_vreg.gather [hbm4b:s0+s3], $0x80, v2, vm0, $0xb8;
	[tilespmem:$0x8080] =	vst v63  }
0x9a: {  	s0 =	sadd.s32 $0x600, s22  }
0x9b: {  	[tilespmem:s2], [sflag:$0x1] =	stream.indirect_vreg.gather [hbm4b:s0+s3], $0x80, v2, vm0, $0xb8;
	[tilespmem:$0x8080] =	vst v63  }
0x9c: {  	s0 =	sadd.s32 $0x700, s22  }
0x9d: {  	[tilespmem:s6], [sflag:$0x1] =	stream.indirect_vreg.gather [hbm4b:s0+s3], $0x80, v2, vm0, $0xb8;
	[tilespmem:$0x8080] =	vst v63  }
0x9e: {  	s0 =	sadd.s32 $0x800, s22  }
0x9f: {  	[tilespmem:s7], [sflag:$0x1] =	stream.indirect_vreg.gather [hbm4b:s0+s3], $0x80, v2, vm0, $0xb8;
	[tilespmem:$0x8080] =	vst v63  }
0xa0: {  	s0 =	sadd.s32 $0x900, s22  }
0xa1: {  	[tilespmem:s8], [sflag:$0x1] =	stream.indirect_vreg.gather [hbm4b:s0+s3], $0x80, v2, vm0, $0xb8;
	[tilespmem:$0x8080] =	vst v63  }
0xa2: {  	s0 =	sadd.s32 $0xA00, s22  }
0xa3: {  	[tilespmem:s9], [sflag:$0x1] =	stream.indirect_vreg.gather [hbm4b:s0+s3], $0x80, v2, vm0, $0xb8;
	[tilespmem:$0x8080] =	vst v63  }
0xa4: {  	s0 =	sadd.s32 $0xB00, s22  }
0xa5: {  	[tilespmem:s10], [sflag:$0x1] =	stream.indirect_vreg.gather [hbm4b:s0+s3], $0x80, v2, vm0, $0xb8;
	[tilespmem:$0x8080] =	vst v63  }
0xa6: {  	s0 =	sadd.s32 $0xC00, s22  }
0xa7: {  	[tilespmem:s11], [sflag:$0x1] =	stream.indirect_vreg.gather [hbm4b:s0+s3], $0x80, v2, vm0, $0xb8;
	[tilespmem:$0x8080] =	vst v63  }
0xa8: {  	s0 =	sadd.s32 $0xD00, s22  }
0xa9: {  	[tilespmem:s12], [sflag:$0x1] =	stream.indirect_vreg.gather [hbm4b:s0+s3], $0x80, v2, vm0, $0xb8;
	[tilespmem:$0x8080] =	vst v63  }
0xaa: {  	s0 =	sadd.s32 $0xE00, s22  }
0xab: {  	[tilespmem:s13], [sflag:$0x1] =	stream.indirect_vreg.gather [hbm4b:s0+s3], $0x80, v2, vm0, $0xb8;
	[tilespmem:$0x8080] =	vst v63  }
0xac: {  	s0 =	sadd.s32 $0xF00, s22  }
0xad: {  	[tilespmem:s14], [sflag:$0x1] =	stream.indirect_vreg.gather [hbm4b:s0+s3], $0x80, v2, vm0, $0xb8;
	[tilespmem:$0x8080] =	vst v63  }
0xae: {  	_ =	swait.ge [sflag:s15], $0x8000  }
0xaf: {  	[sflag:s15] =	ssyncset.done $0x0  }
.Ltmp8:
0xb0: {  	s0 =	rddreg [dreg:$0x1a];
	[sflag:s15] =	ssyncadd.s32 $0xFFFF8000;
	(pc) =	sbr.rel .LBB2_48-.Ltmp8, $4  }
0xb1: {  	[hbm4b:s0+s3] =	stream.linear.scatter [tilespmem:s30], [sflag:$0x2], $0x8000, $0x38;
	[tilespmem:$0x8080] =	vst v63  }
0xb2: {  	_ =	swait.ge [sflag:s16], $0x8000  }
0xb3: {  	[sflag:s16] =	ssyncset.done $0x0  }
0xb4: {  	[sflag:s16] =	ssyncadd.s32 $0xFFFF8000  }
.LBB2_18:
.Ltmp9:
0xb5: {  	(pc) =	sbr.rel @!p5 .LBB2_19-.Ltmp9, $1  }
0xb6: {  	_ =	sdelay $0x3  }
0xb7: {  	s0 =	sld [smem:$0x7F7];
	_ =	sdelay $0x2  }
0xb8: {  	p2 =	seq.s32 s0, $0x1  }
.Ltmp10:
0xb9: {  	_ = 	snop;
	(pc) =	sbr.rel @!p2 .LBB2_27-.Ltmp10, $1  }
0xba: {  	_ =	sdelay $0x3  }
0xbb: {  	s0 =	sld [smem:$0x7FA];
	_ =	sdelay $0x2  }
0xbc: {  	p2 =	seq.s32 s0, $0x1  }
.Ltmp11:
0xbd: {  	_ = 	snop;
	(pc) =	sbr.rel @p2 .LBB2_46-.Ltmp11, $1  }
0xbe: {  	_ =	sdelay $0x3  }
0xbf: {  	s0 =	sld [smem:$0x7FB];
	_ =	sdelay $0x2  }
0xc0: {  	p2 =	seq.s32 s0, $0x1  }
.Ltmp12:
0xc1: {  	_ = 	snop;
	(pc) =	sbr.rel @p2 .LBB2_47-.Ltmp12, $1  }
0xc2: {  	_ =	sdelay $0x3  }
0xc3: {  	s0 =	sld [smem:$0x7FC];
	_ =	sdelay $0x2  }
0xc4: {  	p2 =	seq.s32 s0, $0x1  }
.Ltmp13:
0xc5: {  	_ = 	snop;
	(pc) =	sbr.rel @!p2 .LBB2_48-.Ltmp13, $1  }
0xc6: {  	_ =	sdelay $0x3  }
0xc7: {  	v2 =	vld.msk [tilespmem:$0x28], $0xff;
	_ =	sdelay $0x4  }
0xc8: {  	v3 =	vshll.u32 v2, $0x5  }
0xc9: {  	v2 =	vand.u32 $0x7, v2;
	v3 =	vand.u32 $0xFFFFFF00, v3  }
0xca: {  	v2 =	vor.u32 v2, v3  }
0xcb: {  	v2 =	vperm.xlane v2, v0;
	_ =	sdelay $0x1  }
0xcc: {  	v2 =	vadd.s32 v1, v2;
	_ =	sdelay $0x3  }
0xcd: {  	s1 =	simm.s32 $0x0;
	s18 =	simm.s32 $0x80  }
0xce: {  	[tilespmem:s18], [sflag:$0x1] =	stream.indirect_vreg.gather [hbm4b:s24+s1], $0x80, v2, vm0, $0xb8;
	[tilespmem:$0x8080] =	vst v63  }
0xcf: {  	s0 =	simm.s32 $0x880;
	s19 =	sadd.s32 $0x100, s24  }
0xd0: {  	[tilespmem:s0], [sflag:$0x1] =	stream.indirect_vreg.gather [hbm4b:s19+s1], $0x80, v2, vm0, $0xb8;
	[tilespmem:$0x8080] =	vst v63  }
0xd1: {  	s20 =	simm.s32 $0x1080;
	s0 =	sadd.s32 $0x200, s24  }
0xd2: {  	[tilespmem:s20], [sflag:$0x1] =	stream.indirect_vreg.gather [hbm4b:s0+s1], $0x80, v2, vm0, $0xb8;
	[tilespmem:$0x8080] =	vst v63  }
0xd3: {  	s20 =	sadd.s32 $0x300, s24  }
0xd4: {  	[tilespmem:s28], [sflag:$0x1] =	stream.indirect_vreg.gather [hbm4b:s20+s1], $0x80, v2, vm0, $0xb8;
	[tilespmem:$0x8080] =	vst v63  }
0xd5: {  	s0 =	sadd.s32 $0x400, s24  }
0xd6: {  	[tilespmem:s4], [sflag:$0x1] =	stream.indirect_vreg.gather [hbm4b:s0+s1], $0x80, v2, vm0, $0xb8;
	[tilespmem:$0x8080] =	vst v63  }
0xd7: {  	s20 =	sadd.s32 $0x500, s24  }
0xd8: {  	[tilespmem:s29], [sflag:$0x1] =	stream.indirect_vreg.gather [hbm4b:s20+s1], $0x80, v2, vm0, $0xb8;
	[tilespmem:$0x8080] =	vst v63  }
0xd9: {  	s0 =	sadd.s32 $0x600, s24  }
0xda: {  	[tilespmem:s2], [sflag:$0x1] =	stream.indirect_vreg.gather [hbm4b:s0+s1], $0x80, v2, vm0, $0xb8;
	[tilespmem:$0x8080] =	vst v63  }
0xdb: {  	s20 =	sadd.s32 $0x700, s24  }
0xdc: {  	[tilespmem:s6], [sflag:$0x1] =	stream.indirect_vreg.gather [hbm4b:s20+s1], $0x80, v2, vm0, $0xb8;
	[tilespmem:$0x8080] =	vst v63  }
0xdd: {  	s0 =	sadd.s32 $0x800, s24  }
0xde: {  	[tilespmem:s7], [sflag:$0x1] =	stream.indirect_vreg.gather [hbm4b:s0+s1], $0x80, v2, vm0, $0xb8;
	[tilespmem:$0x8080] =	vst v63  }
0xdf: {  	s20 =	sadd.s32 $0x900, s24  }
0xe0: {  	[tilespmem:s8], [sflag:$0x1] =	stream.indirect_vreg.gather [hbm4b:s20+s1], $0x80, v2, vm0, $0xb8;
	[tilespmem:$0x8080] =	vst v63  }
0xe1: {  	s0 =	sadd.s32 $0xA00, s24  }
0xe2: {  	[tilespmem:s9], [sflag:$0x1] =	stream.indirect_vreg.gather [hbm4b:s0+s1], $0x80, v2, vm0, $0xb8;
	[tilespmem:$0x8080] =	vst v63  }
0xe3: {  	s20 =	sadd.s32 $0xB00, s24  }
0xe4: {  	[tilespmem:s10], [sflag:$0x1] =	stream.indirect_vreg.gather [hbm4b:s20+s1], $0x80, v2, vm0, $0xb8;
	[tilespmem:$0x8080] =	vst v63  }
0xe5: {  	s0 =	sadd.s32 $0xC00, s24  }
0xe6: {  	[tilespmem:s11], [sflag:$0x1] =	stream.indirect_vreg.gather [hbm4b:s0+s1], $0x80, v2, vm0, $0xb8;
	[tilespmem:$0x8080] =	vst v63  }
0xe7: {  	s20 =	sadd.s32 $0xD00, s24  }
0xe8: {  	[tilespmem:s12], [sflag:$0x1] =	stream.indirect_vreg.gather [hbm4b:s20+s1], $0x80, v2, vm0, $0xb8;
	[tilespmem:$0x8080] =	vst v63  }
0xe9: {  	s0 =	sadd.s32 $0xE00, s24  }
0xea: {  	[tilespmem:s13], [sflag:$0x1] =	stream.indirect_vreg.gather [hbm4b:s0+s1], $0x80, v2, vm0, $0xb8;
	[tilespmem:$0x8080] =	vst v63  }
0xeb: {  	s20 =	sadd.s32 $0xF00, s24  }
0xec: {  	[tilespmem:s14], [sflag:$0x1] =	stream.indirect_vreg.gather [hbm4b:s20+s1], $0x80, v2, vm0, $0xb8;
	[tilespmem:$0x8080] =	vst v63  }
0xed: {  	_ =	swait.ge [sflag:s15], $0x8000  }
0xee: {  	s19 =	simm.s32 $0x80;
	[sflag:s15] =	ssyncset.done $0x0  }
0xef: {  	s1 =	sadd.s32 $0x0, s26;
	s20 =	simm.s32 $0x480;
	[sflag:s15] =	ssyncadd.s32 $0xFFFF8000  }
.LBB2_34:
0xf0: {  	[hbm4b:s1+s3] =	stream.linear.scatter [tilespmem:s18], [sflag:$0x2], $0x300, $0x38;
	[tilespmem:$0x8080] =	vst v63  }
0xf1: {  	s1 =	smov.u32 s19;
	s18 =	smov.u32 s20;
	p2 =	sne.s32 s19, $0xF80  }
.Ltmp14:
0xf2: {  	s19 =	sadd.s32 $0x80, s19;
	(pc) =	sbr.rel @p2 .LBB2_34-.Ltmp14, $2  }
0xf3: {  	_ =	sdelay $0x2  }
0xf4: {  	s20 =	sadd.s32 $0x400, s20;
	s1 =	sadd.s32 s1, s26  }
0xf5: {  	[hbm4b:s1+s3] =	stream.linear.scatter [tilespmem:s18], [sflag:$0x2], $0x300, $0x38;
	[tilespmem:$0x8080] =	vst v63  }
.Ltmp15:
0xf6: {  	_ = 	snop;
	(pc) =	sbr.rel .LBB2_48-.Ltmp15, $4  }
0xf7: {  	_ =	swait.ge [sflag:s16], $0x6000  }
0xf8: {  	[sflag:s16] =	ssyncset.done $0x0  }
0xf9: {  	[sflag:s16] =	ssyncadd.s32 $0xFFFFA000  }
0xfa: {  	s18 =	simm.s32 $0x880;
	s19 =	simm.s32 $0x1080;
	s20 =	rddreg [dreg:$0x0]  }
.LBB2_3:
0xfb: {  	s0 =	sld [smem:$0x7E9];
	_ =	sdelay $0x2  }
0xfc: {  	p2 =	seq.s32 s0, $0x1  }
.Ltmp16:
0xfd: {  	_ = 	snop;
	(pc) =	sbr.rel @p2 .LBB2_6-.Ltmp16, $1  }
0xfe: {  	_ =	sdelay $0x3  }
0xff: {  	s0 =	sld [smem:$0x7EA];
	_ =	sdelay $0x2  }
0x100: {  	p2 =	seq.s32 s0, $0x1  }
.Ltmp17:
0x101: {  	_ = 	snop;
	(pc) =	sbr.rel @p2 .LBB2_36-.Ltmp17, $1  }
0x102: {  	_ =	sdelay $0x3  }
0x103: {  	v2 =	vld.msk @p4 [tilespmem:$0x8], $0xff;
	_ =	sdelay $0x4  }
0x104: {  	v3 =	vshll.u32 @p4 v2, $0x5  }
0x105: {  	v4 =	vlaneseq.u32 @p4;
	v2 =	vand.u32 @p4 $0x7, v2;
	v3 =	vand.u32 @p4 $0xFFFFFF00, v3  }
0x106: {  	v2 =	vor.u32 @p4 v2, v3;
	v3 =	vand.u32 @p4 $0x7, v4;
	v4 =	vshrl.u32 @p4 v4, $0x3  }
0x107: {  	v2 =	vperm.xlane @p4 v2, v3;
	v3 =	vmul.u32 @p4 $0x8, v4;
	_ =	sdelay $0x1  }
0x108: {  	v2 =	vadd.s32 @p4 v3, v2;
	_ =	sdelay $0x3  }
0x109: {  	s1 =	simm.s32 @p4 $0x0;
	s18 =	simm.s32 @p4 $0x80  }
0x10a: {  	[tilespmem:s18], [sflag:$0x1] =	stream.indirect_vreg.gather @p4 [hbm4b:s20+s1], $0x80, v2, vm1, $0xb8;
	[tilespmem:$0x8080] =	vst v63  }
0x10b: {  	s19 =	simm.s32 @p4 $0x880;
	s31 =	rddreg [dreg:$0x4]  }
0x10c: {  	[tilespmem:s19], [sflag:$0x1] =	stream.indirect_vreg.gather @p4 [hbm4b:s31+s1], $0x80, v2, vm1, $0xb8;
	[tilespmem:$0x8080] =	vst v63  }
0x10d: {  	s31 =	rddreg [dreg:$0x5];
	s19 =	simm.s32 @p4 $0x1080  }
0x10e: {  	[tilespmem:s19], [sflag:$0x1] =	stream.indirect_vreg.gather @p4 [hbm4b:s31+s1], $0x80, v2, vm1, $0xb8;
	[tilespmem:$0x8080] =	vst v63  }
0x10f: {  	s0 =	rddreg [dreg:$0x6];
	s19 =	simm.s32 @p4 $0x1880  }
0x110: {  	[tilespmem:s19], [sflag:$0x1] =	stream.indirect_vreg.gather @p4 [hbm4b:s0+s1], $0x80, v2, vm1, $0xb8;
	[tilespmem:$0x8080] =	vst v63  }
0x111: {  	s19 =	simm.s32 @p4 $0x2080;
	s0 =	rddreg [dreg:$0x7]  }
0x112: {  	[tilespmem:s19], [sflag:$0x1] =	stream.indirect_vreg.gather @p4 [hbm4b:s0+s1], $0x80, v2, vm1, $0xb8;
	[tilespmem:$0x8080] =	vst v63  }
0x113: {  	s19 =	simm.s32 @p4 $0x2880;
	s0 =	rddreg [dreg:$0x8]  }
0x114: {  	[tilespmem:s19], [sflag:$0x1] =	stream.indirect_vreg.gather @p4 [hbm4b:s0+s1], $0x80, v2, vm1, $0xb8;
	[tilespmem:$0x8080] =	vst v63  }
0x115: {  	s19 =	simm.s32 @p4 $0x3080;
	s0 =	rddreg [dreg:$0x9]  }
0x116: {  	[tilespmem:s19], [sflag:$0x1] =	stream.indirect_vreg.gather @p4 [hbm4b:s0+s1], $0x80, v2, vm1, $0xb8;
	[tilespmem:$0x8080] =	vst v63  }
0x117: {  	s19 =	simm.s32 @p4 $0x3880;
	s0 =	rddreg [dreg:$0xa]  }
0x118: {  	[tilespmem:s19], [sflag:$0x1] =	stream.indirect_vreg.gather @p4 [hbm4b:s0+s1], $0x80, v2, vm1, $0xb8;
	[tilespmem:$0x8080] =	vst v63  }
0x119: {  	s19 =	simm.s32 @p4 $0x4080;
	s0 =	rddreg [dreg:$0xb]  }
0x11a: {  	[tilespmem:s19], [sflag:$0x1] =	stream.indirect_vreg.gather @p4 [hbm4b:s0+s1], $0x80, v2, vm1, $0xb8;
	[tilespmem:$0x8080] =	vst v63  }
0x11b: {  	s19 =	simm.s32 @p4 $0x4880;
	s0 =	rddreg [dreg:$0xc]  }
0x11c: {  	[tilespmem:s19], [sflag:$0x1] =	stream.indirect_vreg.gather @p4 [hbm4b:s0+s1], $0x80, v2, vm1, $0xb8;
	[tilespmem:$0x8080] =	vst v63  }
0x11d: {  	s19 =	simm.s32 @p4 $0x5080;
	s0 =	rddreg [dreg:$0xd]  }
0x11e: {  	[tilespmem:s19], [sflag:$0x1] =	stream.indirect_vreg.gather @p4 [hbm4b:s0+s1], $0x80, v2, vm1, $0xb8;
	[tilespmem:$0x8080] =	vst v63  }
0x11f: {  	s19 =	simm.s32 @p4 $0x5880;
	s0 =	rddreg [dreg:$0xe]  }
0x120: {  	[tilespmem:s19], [sflag:$0x1] =	stream.indirect_vreg.gather @p4 [hbm4b:s0+s1], $0x80, v2, vm1, $0xb8;
	[tilespmem:$0x8080] =	vst v63  }
0x121: {  	s19 =	simm.s32 @p4 $0x6080;
	s0 =	rddreg [dreg:$0xf]  }
0x122: {  	[tilespmem:s19], [sflag:$0x1] =	stream.indirect_vreg.gather @p4 [hbm4b:s0+s1], $0x80, v2, vm1, $0xb8;
	[tilespmem:$0x8080] =	vst v63  }
0x123: {  	s19 =	simm.s32 @p4 $0x6880;
	s0 =	rddreg [dreg:$0x10]  }
0x124: {  	[tilespmem:s19], [sflag:$0x1] =	stream.indirect_vreg.gather @p4 [hbm4b:s0+s1], $0x80, v2, vm1, $0xb8;
	[tilespmem:$0x8080] =	vst v63  }
0x125: {  	s19 =	simm.s32 @p4 $0x7080;
	s0 =	rddreg [dreg:$0x11]  }
0x126: {  	[tilespmem:s19], [sflag:$0x1] =	stream.indirect_vreg.gather @p4 [hbm4b:s0+s1], $0x80, v2, vm1, $0xb8;
	[tilespmem:$0x8080] =	vst v63  }
0x127: {  	s19 =	simm.s32 @p4 $0x7880;
	s0 =	rddreg [dreg:$0x12]  }
0x128: {  	[tilespmem:s19], [sflag:$0x1] =	stream.indirect_vreg.gather @p4 [hbm4b:s0+s1], $0x80, v2, vm1, $0xb8;
	[tilespmem:$0x8080] =	vst v63  }
0x129: {  	s19 =	simm.s32 @p4 $0x1  }
0x12a: {  	_ =	swait.ge @p4 [sflag:s19], $0x8000  }
0x12b: {  	s0 =	sld [smem:$0x7FD]  }
0x12c: {  	[sflag:s19] =	ssyncset.done @p4 $0x0  }
0x12d: {  	[sflag:s19] =	ssyncadd.s32 @p4 $0xFFFF8000  }
0x12e: {  	[hbm4b:s0+s1] =	stream.linear.scatter @p4 [tilespmem:s18], [sflag:$0x2], $0x8000, $0x38;
	[tilespmem:$0x8080] =	vst v63  }
.Ltmp18:
0x12f: {  	_ = 	snop;
	(pc) =	sbr.rel .LBB2_48-.Ltmp18, $4  }
0x130: {  	s1 =	simm.s32 @p4 $0x2  }
0x131: {  	_ =	swait.ge @p4 [sflag:s1], $0x8000  }
0x132: {  	[sflag:s1] =	ssyncset.done @p4 $0x0  }
0x133: {  	s19 =	simm.s32 $0x1080;
	s18 =	simm.s32 $0x880;
	[sflag:s1] =	ssyncadd.s32 @p4 $0xFFFF8000  }
.LBB2_19:
0x134: {  	s0 =	sld [smem:$0x7F2];
	_ =	sdelay $0x2  }
0x135: {  	p2 =	seq.s32 s0, $0x1  }
.Ltmp19:
0x136: {  	_ = 	snop;
	(pc) =	sbr.rel @p2 .LBB2_23-.Ltmp19, $1  }
0x137: {  	_ =	sdelay $0x3  }
0x138: {  	s0 =	sld [smem:$0x7F3];
	_ =	sdelay $0x2  }
0x139: {  	p2 =	seq.s32 s0, $0x1  }
.Ltmp20:
0x13a: {  	_ = 	snop;
	(pc) =	sbr.rel @p2 .LBB2_41-.Ltmp20, $1  }
0x13b: {  	_ =	sdelay $0x3  }
0x13c: {  	s0 =	sld [smem:$0x7F4];
	_ =	sdelay $0x2  }
0x13d: {  	p2 =	seq.s32 s0, $0x1  }
.Ltmp21:
0x13e: {  	_ = 	snop;
	(pc) =	sbr.rel @!p2 .LBB2_48-.Ltmp21, $1  }
0x13f: {  	_ =	sdelay $0x3  }
0x140: {  	v2 =	vld.msk [tilespmem:$0x20], $0xff;
	_ =	sdelay $0x4  }
0x141: {  	v3 =	vshll.u32 v2, $0x5  }
0x142: {  	v2 =	vand.u32 $0x7, v2;
	v3 =	vand.u32 $0xFFFFFF00, v3  }
0x143: {  	v2 =	vor.u32 v2, v3  }
0x144: {  	v2 =	vperm.xlane v2, v0;
	_ =	sdelay $0x1  }
0x145: {  	v2 =	vadd.s32 v1, v2;
	_ =	sdelay $0x4  }
0x146: {  	[tilespmem:s30], [sflag:$0x1] =	stream.indirect_vreg.gather [hbm4b:s22+s3], $0x80, v2, vm0, $0xb8;
	[tilespmem:$0x8080] =	vst v63  }
0x147: {  	s1 =	sadd.s32 $0x100, s22  }
0x148: {  	[tilespmem:s18], [sflag:$0x1] =	stream.indirect_vreg.gather [hbm4b:s1+s3], $0x80, v2, vm0, $0xb8;
	[tilespmem:$0x8080] =	vst v63  }
0x149: {  	s0 =	sadd.s32 $0x200, s22  }
0x14a: {  	[tilespmem:s19], [sflag:$0x1] =	stream.indirect_vreg.gather [hbm4b:s0+s3], $0x80, v2, vm0, $0xb8;
	[tilespmem:$0x8080] =	vst v63  }
0x14b: {  	s0 =	sadd.s32 $0x300, s22  }
0x14c: {  	[tilespmem:s28], [sflag:$0x1] =	stream.indirect_vreg.gather [hbm4b:s0+s3], $0x80, v2, vm0, $0xb8;
	[tilespmem:$0x8080] =	vst v63  }
0x14d: {  	s0 =	sadd.s32 $0x400, s22  }
0x14e: {  	[tilespmem:s4], [sflag:$0x1] =	stream.indirect_vreg.gather [hbm4b:s0+s3], $0x80, v2, vm0, $0xb8;
	[tilespmem:$0x8080] =	vst v63  }
0x14f: {  	s0 =	sadd.s32 $0x500, s22  }
0x150: {  	[tilespmem:s29], [sflag:$0x1] =	stream.indirect_vreg.gather [hbm4b:s0+s3], $0x80, v2, vm0, $0xb8;
	[tilespmem:$0x8080] =	vst v63  }
0x151: {  	s0 =	sadd.s32 $0x600, s22  }
0x152: {  	[tilespmem:s2], [sflag:$0x1] =	stream.indirect_vreg.gather [hbm4b:s0+s3], $0x80, v2, vm0, $0xb8;
	[tilespmem:$0x8080] =	vst v63  }
0x153: {  	s0 =	sadd.s32 $0x700, s22  }
0x154: {  	[tilespmem:s6], [sflag:$0x1] =	stream.indirect_vreg.gather [hbm4b:s0+s3], $0x80, v2, vm0, $0xb8;
	[tilespmem:$0x8080] =	vst v63  }
0x155: {  	s0 =	sadd.s32 $0x800, s22  }
0x156: {  	[tilespmem:s7], [sflag:$0x1] =	stream.indirect_vreg.gather [hbm4b:s0+s3], $0x80, v2, vm0, $0xb8;
	[tilespmem:$0x8080] =	vst v63  }
0x157: {  	s0 =	sadd.s32 $0x900, s22  }
0x158: {  	[tilespmem:s8], [sflag:$0x1] =	stream.indirect_vreg.gather [hbm4b:s0+s3], $0x80, v2, vm0, $0xb8;
	[tilespmem:$0x8080] =	vst v63  }
0x159: {  	s0 =	sadd.s32 $0xA00, s22  }
0x15a: {  	[tilespmem:s9], [sflag:$0x1] =	stream.indirect_vreg.gather [hbm4b:s0+s3], $0x80, v2, vm0, $0xb8;
	[tilespmem:$0x8080] =	vst v63  }
0x15b: {  	s0 =	sadd.s32 $0xB00, s22  }
0x15c: {  	[tilespmem:s10], [sflag:$0x1] =	stream.indirect_vreg.gather [hbm4b:s0+s3], $0x80, v2, vm0, $0xb8;
	[tilespmem:$0x8080] =	vst v63  }
0x15d: {  	s0 =	sadd.s32 $0xC00, s22  }
0x15e: {  	[tilespmem:s11], [sflag:$0x1] =	stream.indirect_vreg.gather [hbm4b:s0+s3], $0x80, v2, vm0, $0xb8;
	[tilespmem:$0x8080] =	vst v63  }
0x15f: {  	s0 =	sadd.s32 $0xD00, s22  }
0x160: {  	[tilespmem:s12], [sflag:$0x1] =	stream.indirect_vreg.gather [hbm4b:s0+s3], $0x80, v2, vm0, $0xb8;
	[tilespmem:$0x8080] =	vst v63  }
0x161: {  	s0 =	sadd.s32 $0xE00, s22  }
0x162: {  	[tilespmem:s13], [sflag:$0x1] =	stream.indirect_vreg.gather [hbm4b:s0+s3], $0x80, v2, vm0, $0xb8;
	[tilespmem:$0x8080] =	vst v63  }
0x163: {  	s0 =	sadd.s32 $0xF00, s22  }
0x164: {  	[tilespmem:s14], [sflag:$0x1] =	stream.indirect_vreg.gather [hbm4b:s0+s3], $0x80, v2, vm0, $0xb8;
	[tilespmem:$0x8080] =	vst v63  }
0x165: {  	_ =	swait.ge [sflag:s15], $0x8000  }
0x166: {  	[sflag:s15] =	ssyncset.done $0x0  }
.Ltmp22:
0x167: {  	s0 =	rddreg [dreg:$0x18];
	[sflag:s15] =	ssyncadd.s32 $0xFFFF8000;
	(pc) =	sbr.rel .LBB2_48-.Ltmp22, $4  }
0x168: {  	[hbm4b:s0+s3] =	stream.linear.scatter [tilespmem:s30], [sflag:$0x2], $0x8000, $0x38;
	[tilespmem:$0x8080] =	vst v63  }
0x169: {  	_ =	swait.ge [sflag:s16], $0x8000  }
0x16a: {  	[sflag:s16] =	ssyncset.done $0x0  }
0x16b: {  	[sflag:s16] =	ssyncadd.s32 $0xFFFF8000  }
.LBB2_6:
0x16c: {  	s0 =	sld [smem:$0x7EB];
	_ =	sdelay $0x2  }
0x16d: {  	p2 =	seq.s32 s0, $0x1  }
.Ltmp23:
0x16e: {  	_ = 	snop;
	(pc) =	sbr.rel @p2 .LBB2_37-.Ltmp23, $1  }
0x16f: {  	_ =	sdelay $0x3  }
0x170: {  	v2 =	vld.msk @p6 [tilespmem:$0x18], $0xff;
	_ =	sdelay $0x4  }
0x171: {  	v3 =	vshll.u32 @p6 v2, $0x5  }
0x172: {  	v4 =	vlaneseq.u32 @p6;
	v2 =	vand.u32 @p6 $0x7, v2;
	v3 =	vand.u32 @p6 $0xFFFFFF00, v3  }
0x173: {  	v2 =	vor.u32 @p6 v2, v3;
	v3 =	vand.u32 @p6 $0x7, v4;
	v4 =	vshrl.u32 @p6 v4, $0x3  }
0x174: {  	v2 =	vperm.xlane @p6 v2, v3;
	v3 =	vmul.u32 @p6 $0x8, v4;
	_ =	sdelay $0x1  }
0x175: {  	v2 =	vadd.s32 @p6 v3, v2;
	_ =	sdelay $0x3  }
0x176: {  	s1 =	simm.s32 @p6 $0x0;
	s18 =	simm.s32 @p6 $0x80  }
0x177: {  	[tilespmem:s18], [sflag:$0x1] =	stream.indirect_vreg.gather @p6 [hbm4b:s20+s1], $0x80, v2, vm2, $0xb8;
	[tilespmem:$0x8080] =	vst v63  }
0x178: {  	s19 =	simm.s32 @p6 $0x880;
	s31 =	rddreg [dreg:$0x4]  }
0x179: {  	[tilespmem:s19], [sflag:$0x1] =	stream.indirect_vreg.gather @p6 [hbm4b:s31+s1], $0x80, v2, vm2, $0xb8;
	[tilespmem:$0x8080] =	vst v63  }
0x17a: {  	s31 =	rddreg [dreg:$0x5];
	s19 =	simm.s32 @p6 $0x1080  }
0x17b: {  	[tilespmem:s19], [sflag:$0x1] =	stream.indirect_vreg.gather @p6 [hbm4b:s31+s1], $0x80, v2, vm2, $0xb8;
	[tilespmem:$0x8080] =	vst v63  }
0x17c: {  	s0 =	rddreg [dreg:$0x6];
	s19 =	simm.s32 @p6 $0x1880  }
0x17d: {  	[tilespmem:s19], [sflag:$0x1] =	stream.indirect_vreg.gather @p6 [hbm4b:s0+s1], $0x80, v2, vm2, $0xb8;
	[tilespmem:$0x8080] =	vst v63  }
0x17e: {  	s19 =	simm.s32 @p6 $0x2080;
	s0 =	rddreg [dreg:$0x7]  }
0x17f: {  	[tilespmem:s19], [sflag:$0x1] =	stream.indirect_vreg.gather @p6 [hbm4b:s0+s1], $0x80, v2, vm2, $0xb8;
	[tilespmem:$0x8080] =	vst v63  }
0x180: {  	s19 =	simm.s32 @p6 $0x2880;
	s0 =	rddreg [dreg:$0x8]  }
0x181: {  	[tilespmem:s19], [sflag:$0x1] =	stream.indirect_vreg.gather @p6 [hbm4b:s0+s1], $0x80, v2, vm2, $0xb8;
	[tilespmem:$0x8080] =	vst v63  }
0x182: {  	s19 =	simm.s32 @p6 $0x3080;
	s0 =	rddreg [dreg:$0x9]  }
0x183: {  	[tilespmem:s19], [sflag:$0x1] =	stream.indirect_vreg.gather @p6 [hbm4b:s0+s1], $0x80, v2, vm2, $0xb8;
	[tilespmem:$0x8080] =	vst v63  }
0x184: {  	s19 =	simm.s32 @p6 $0x3880;
	s0 =	rddreg [dreg:$0xa]  }
0x185: {  	[tilespmem:s19], [sflag:$0x1] =	stream.indirect_vreg.gather @p6 [hbm4b:s0+s1], $0x80, v2, vm2, $0xb8;
	[tilespmem:$0x8080] =	vst v63  }
0x186: {  	s19 =	simm.s32 @p6 $0x4080;
	s0 =	rddreg [dreg:$0xb]  }
0x187: {  	[tilespmem:s19], [sflag:$0x1] =	stream.indirect_vreg.gather @p6 [hbm4b:s0+s1], $0x80, v2, vm2, $0xb8;
	[tilespmem:$0x8080] =	vst v63  }
0x188: {  	s19 =	simm.s32 @p6 $0x4880;
	s0 =	rddreg [dreg:$0xc]  }
0x189: {  	[tilespmem:s19], [sflag:$0x1] =	stream.indirect_vreg.gather @p6 [hbm4b:s0+s1], $0x80, v2, vm2, $0xb8;
	[tilespmem:$0x8080] =	vst v63  }
0x18a: {  	s19 =	simm.s32 @p6 $0x5080;
	s0 =	rddreg [dreg:$0xd]  }
0x18b: {  	[tilespmem:s19], [sflag:$0x1] =	stream.indirect_vreg.gather @p6 [hbm4b:s0+s1], $0x80, v2, vm2, $0xb8;
	[tilespmem:$0x8080] =	vst v63  }
0x18c: {  	s19 =	simm.s32 @p6 $0x5880;
	s0 =	rddreg [dreg:$0xe]  }
0x18d: {  	[tilespmem:s19], [sflag:$0x1] =	stream.indirect_vreg.gather @p6 [hbm4b:s0+s1], $0x80, v2, vm2, $0xb8;
	[tilespmem:$0x8080] =	vst v63  }
0x18e: {  	s19 =	simm.s32 @p6 $0x6080;
	s0 =	rddreg [dreg:$0xf]  }
0x18f: {  	[tilespmem:s19], [sflag:$0x1] =	stream.indirect_vreg.gather @p6 [hbm4b:s0+s1], $0x80, v2, vm2, $0xb8;
	[tilespmem:$0x8080] =	vst v63  }
0x190: {  	s19 =	simm.s32 @p6 $0x6880;
	s0 =	rddreg [dreg:$0x10]  }
0x191: {  	[tilespmem:s19], [sflag:$0x1] =	stream.indirect_vreg.gather @p6 [hbm4b:s0+s1], $0x80, v2, vm2, $0xb8;
	[tilespmem:$0x8080] =	vst v63  }
0x192: {  	s19 =	simm.s32 @p6 $0x7080;
	s0 =	rddreg [dreg:$0x11]  }
0x193: {  	[tilespmem:s19], [sflag:$0x1] =	stream.indirect_vreg.gather @p6 [hbm4b:s0+s1], $0x80, v2, vm2, $0xb8;
	[tilespmem:$0x8080] =	vst v63  }
0x194: {  	s19 =	simm.s32 @p6 $0x7880;
	s0 =	rddreg [dreg:$0x12]  }
0x195: {  	[tilespmem:s19], [sflag:$0x1] =	stream.indirect_vreg.gather @p6 [hbm4b:s0+s1], $0x80, v2, vm2, $0xb8;
	[tilespmem:$0x8080] =	vst v63  }
0x196: {  	s19 =	simm.s32 @p6 $0x1  }
0x197: {  	_ =	swait.ge @p6 [sflag:s19], $0x8000  }
0x198: {  	[sflag:s19] =	ssyncset.done @p6 $0x0  }
0x199: {  	s0 =	rddreg [dreg:$0x1e];
	[sflag:s19] =	ssyncadd.s32 @p6 $0xFFFF8000  }
0x19a: {  	[hbm4b:s0+s1] =	stream.linear.scatter @p6 [tilespmem:s18], [sflag:$0x2], $0x8000, $0x38;
	[tilespmem:$0x8080] =	vst v63  }
.Ltmp24:
0x19b: {  	_ = 	snop;
	(pc) =	sbr.rel .LBB2_48-.Ltmp24, $4  }
0x19c: {  	s1 =	simm.s32 @p6 $0x2  }
0x19d: {  	_ =	swait.ge @p6 [sflag:s1], $0x8000  }
0x19e: {  	[sflag:s1] =	ssyncset.done @p6 $0x0  }
0x19f: {  	s19 =	simm.s32 $0x1080;
	s18 =	simm.s32 $0x880;
	[sflag:s1] =	ssyncadd.s32 @p6 $0xFFFF8000  }
.LBB2_23:
0x1a0: {  	s0 =	sld [smem:$0x7F5];
	_ =	sdelay $0x2  }
0x1a1: {  	p2 =	seq.s32 s0, $0x1  }
.Ltmp25:
0x1a2: {  	_ = 	snop;
	(pc) =	sbr.rel @p2 .LBB2_42-.Ltmp25, $1  }
0x1a3: {  	_ =	sdelay $0x3  }
0x1a4: {  	s0 =	sld [smem:$0x7F6];
	_ =	sdelay $0x2  }
0x1a5: {  	p2 =	seq.s32 s0, $0x1  }
.Ltmp26:
0x1a6: {  	_ = 	snop;
	(pc) =	sbr.rel @!p2 .LBB2_48-.Ltmp26, $1  }
0x1a7: {  	_ =	sdelay $0x3  }
0x1a8: {  	v2 =	vld.msk [tilespmem:$0x0], $0xff;
	_ =	sdelay $0x4  }
0x1a9: {  	v3 =	vshll.u32 v2, $0x5  }
0x1aa: {  	v2 =	vand.u32 $0x7, v2;
	v3 =	vand.u32 $0xFFFFFF00, v3  }
0x1ab: {  	v2 =	vor.u32 v2, v3  }
0x1ac: {  	v2 =	vperm.xlane v2, v0;
	_ =	sdelay $0x1  }
0x1ad: {  	v2 =	vadd.s32 v1, v2;
	_ =	sdelay $0x4  }
0x1ae: {  	[tilespmem:s30], [sflag:$0x1] =	stream.indirect_vreg.gather [hbm4b:s24+s3], $0x80, v2, vm0, $0xb8;
	[tilespmem:$0x8080] =	vst v63  }
0x1af: {  	s1 =	sadd.s32 $0x100, s24  }
0x1b0: {  	[tilespmem:s18], [sflag:$0x1] =	stream.indirect_vreg.gather [hbm4b:s1+s3], $0x80, v2, vm0, $0xb8;
	[tilespmem:$0x8080] =	vst v63  }
0x1b1: {  	s0 =	sadd.s32 $0x200, s24  }
0x1b2: {  	[tilespmem:s19], [sflag:$0x1] =	stream.indirect_vreg.gather [hbm4b:s0+s3], $0x80, v2, vm0, $0xb8;
	[tilespmem:$0x8080] =	vst v63  }
0x1b3: {  	s0 =	sadd.s32 $0x300, s24  }
0x1b4: {  	[tilespmem:s28], [sflag:$0x1] =	stream.indirect_vreg.gather [hbm4b:s0+s3], $0x80, v2, vm0, $0xb8;
	[tilespmem:$0x8080] =	vst v63  }
0x1b5: {  	s0 =	sadd.s32 $0x400, s24  }
0x1b6: {  	[tilespmem:s4], [sflag:$0x1] =	stream.indirect_vreg.gather [hbm4b:s0+s3], $0x80, v2, vm0, $0xb8;
	[tilespmem:$0x8080] =	vst v63  }
0x1b7: {  	s0 =	sadd.s32 $0x500, s24  }
0x1b8: {  	[tilespmem:s29], [sflag:$0x1] =	stream.indirect_vreg.gather [hbm4b:s0+s3], $0x80, v2, vm0, $0xb8;
	[tilespmem:$0x8080] =	vst v63  }
0x1b9: {  	s0 =	sadd.s32 $0x600, s24  }
0x1ba: {  	[tilespmem:s2], [sflag:$0x1] =	stream.indirect_vreg.gather [hbm4b:s0+s3], $0x80, v2, vm0, $0xb8;
	[tilespmem:$0x8080] =	vst v63  }
0x1bb: {  	s0 =	sadd.s32 $0x700, s24  }
0x1bc: {  	[tilespmem:s6], [sflag:$0x1] =	stream.indirect_vreg.gather [hbm4b:s0+s3], $0x80, v2, vm0, $0xb8;
	[tilespmem:$0x8080] =	vst v63  }
0x1bd: {  	s0 =	sadd.s32 $0x800, s24  }
0x1be: {  	[tilespmem:s7], [sflag:$0x1] =	stream.indirect_vreg.gather [hbm4b:s0+s3], $0x80, v2, vm0, $0xb8;
	[tilespmem:$0x8080] =	vst v63  }
0x1bf: {  	s0 =	sadd.s32 $0x900, s24  }
0x1c0: {  	[tilespmem:s8], [sflag:$0x1] =	stream.indirect_vreg.gather [hbm4b:s0+s3], $0x80, v2, vm0, $0xb8;
	[tilespmem:$0x8080] =	vst v63  }
0x1c1: {  	s0 =	sadd.s32 $0xA00, s24  }
0x1c2: {  	[tilespmem:s9], [sflag:$0x1] =	stream.indirect_vreg.gather [hbm4b:s0+s3], $0x80, v2, vm0, $0xb8;
	[tilespmem:$0x8080] =	vst v63  }
0x1c3: {  	s0 =	sadd.s32 $0xB00, s24  }
0x1c4: {  	[tilespmem:s10], [sflag:$0x1] =	stream.indirect_vreg.gather [hbm4b:s0+s3], $0x80, v2, vm0, $0xb8;
	[tilespmem:$0x8080] =	vst v63  }
0x1c5: {  	s0 =	sadd.s32 $0xC00, s24  }
0x1c6: {  	[tilespmem:s11], [sflag:$0x1] =	stream.indirect_vreg.gather [hbm4b:s0+s3], $0x80, v2, vm0, $0xb8;
	[tilespmem:$0x8080] =	vst v63  }
0x1c7: {  	s0 =	sadd.s32 $0xD00, s24  }
0x1c8: {  	[tilespmem:s12], [sflag:$0x1] =	stream.indirect_vreg.gather [hbm4b:s0+s3], $0x80, v2, vm0, $0xb8;
	[tilespmem:$0x8080] =	vst v63  }
0x1c9: {  	s0 =	sadd.s32 $0xE00, s24  }
0x1ca: {  	[tilespmem:s13], [sflag:$0x1] =	stream.indirect_vreg.gather [hbm4b:s0+s3], $0x80, v2, vm0, $0xb8;
	[tilespmem:$0x8080] =	vst v63  }
0x1cb: {  	s0 =	sadd.s32 $0xF00, s24  }
0x1cc: {  	[tilespmem:s14], [sflag:$0x1] =	stream.indirect_vreg.gather [hbm4b:s0+s3], $0x80, v2, vm0, $0xb8;
	[tilespmem:$0x8080] =	vst v63  }
0x1cd: {  	_ =	swait.ge [sflag:s15], $0x8000  }
0x1ce: {  	[sflag:s15] =	ssyncset.done $0x0  }
.Ltmp27:
0x1cf: {  	s0 =	rddreg [dreg:$0x17];
	[sflag:s15] =	ssyncadd.s32 $0xFFFF8000;
	(pc) =	sbr.rel .LBB2_48-.Ltmp27, $4  }
0x1d0: {  	[hbm4b:s0+s3] =	stream.linear.scatter [tilespmem:s30], [sflag:$0x2], $0x8000, $0x38;
	[tilespmem:$0x8080] =	vst v63  }
0x1d1: {  	_ =	swait.ge [sflag:s16], $0x8000  }
0x1d2: {  	[sflag:s16] =	ssyncset.done $0x0  }
0x1d3: {  	[sflag:s16] =	ssyncadd.s32 $0xFFFF8000  }
.LBB2_9:
0x1d4: {  	s0 =	sld [smem:$0x7ED];
	_ =	sdelay $0x2  }
0x1d5: {  	p2 =	seq.s32 s0, $0x1  }
.Ltmp28:
0x1d6: {  	_ = 	snop;
	(pc) =	sbr.rel @p2 .LBB2_38-.Ltmp28, $1  }
0x1d7: {  	_ =	sdelay $0x3  }
0x1d8: {  	s0 =	sld [smem:$0x7EE];
	_ =	sdelay $0x2  }
0x1d9: {  	p2 =	seq.s32 s0, $0x1  }
.Ltmp29:
0x1da: {  	_ = 	snop;
	(pc) =	sbr.rel @!p2 .LBB2_48-.Ltmp29, $1  }
0x1db: {  	_ =	sdelay $0x3  }
0x1dc: {  	v2 =	vld.msk [tilespmem:$0x28], $0xff;
	_ =	sdelay $0x4  }
0x1dd: {  	v3 =	vshll.u32 v2, $0x5  }
0x1de: {  	v2 =	vand.u32 $0x7, v2;
	v3 =	vand.u32 $0xFFFFFF00, v3  }
0x1df: {  	v2 =	vor.u32 v2, v3  }
0x1e0: {  	v2 =	vperm.xlane v2, v0;
	_ =	sdelay $0x1  }
0x1e1: {  	v2 =	vadd.s32 v1, v2;
	_ =	sdelay $0x3  }
0x1e2: {  	s1 =	simm.s32 $0x0;
	s18 =	simm.s32 $0x80  }
0x1e3: {  	[tilespmem:s18], [sflag:$0x1] =	stream.indirect_vreg.gather [hbm4b:s20+s1], $0x80, v2, vm0, $0xb8;
	[tilespmem:$0x8080] =	vst v63  }
0x1e4: {  	s0 =	simm.s32 $0x880;
	s19 =	rddreg [dreg:$0x4]  }
0x1e5: {  	[tilespmem:s0], [sflag:$0x1] =	stream.indirect_vreg.gather [hbm4b:s19+s1], $0x80, v2, vm0, $0xb8;
	[tilespmem:$0x8080] =	vst v63  }
0x1e6: {  	s20 =	simm.s32 $0x1080  }
0x1e7: {  	[tilespmem:s20], [sflag:$0x1] =	stream.indirect_vreg.gather [hbm4b:s31+s1], $0x80, v2, vm0, $0xb8;
	[tilespmem:$0x8080] =	vst v63  }
0x1e8: {  	s0 =	rddreg [dreg:$0x6]  }
0x1e9: {  	[tilespmem:s28], [sflag:$0x1] =	stream.indirect_vreg.gather [hbm4b:s0+s1], $0x80, v2, vm0, $0xb8;
	[tilespmem:$0x8080] =	vst v63  }
0x1ea: {  	s19 =	rddreg [dreg:$0x7]  }
0x1eb: {  	[tilespmem:s4], [sflag:$0x1] =	stream.indirect_vreg.gather [hbm4b:s19+s1], $0x80, v2, vm0, $0xb8;
	[tilespmem:$0x8080] =	vst v63  }
0x1ec: {  	s20 =	rddreg [dreg:$0x8]  }
0x1ed: {  	[tilespmem:s29], [sflag:$0x1] =	stream.indirect_vreg.gather [hbm4b:s20+s1], $0x80, v2, vm0, $0xb8;
	[tilespmem:$0x8080] =	vst v63  }
0x1ee: {  	s19 =	rddreg [dreg:$0x9]  }
0x1ef: {  	[tilespmem:s2], [sflag:$0x1] =	stream.indirect_vreg.gather [hbm4b:s19+s1], $0x80, v2, vm0, $0xb8;
	[tilespmem:$0x8080] =	vst v63  }
0x1f0: {  	s20 =	rddreg [dreg:$0xa]  }
0x1f1: {  	[tilespmem:s6], [sflag:$0x1] =	stream.indirect_vreg.gather [hbm4b:s20+s1], $0x80, v2, vm0, $0xb8;
	[tilespmem:$0x8080] =	vst v63  }
0x1f2: {  	s19 =	rddreg [dreg:$0xb]  }
0x1f3: {  	[tilespmem:s7], [sflag:$0x1] =	stream.indirect_vreg.gather [hbm4b:s19+s1], $0x80, v2, vm0, $0xb8;
	[tilespmem:$0x8080] =	vst v63  }
0x1f4: {  	s20 =	rddreg [dreg:$0xc]  }
0x1f5: {  	[tilespmem:s8], [sflag:$0x1] =	stream.indirect_vreg.gather [hbm4b:s20+s1], $0x80, v2, vm0, $0xb8;
	[tilespmem:$0x8080] =	vst v63  }
0x1f6: {  	s19 =	rddreg [dreg:$0xd]  }
0x1f7: {  	[tilespmem:s9], [sflag:$0x1] =	stream.indirect_vreg.gather [hbm4b:s19+s1], $0x80, v2, vm0, $0xb8;
	[tilespmem:$0x8080] =	vst v63  }
0x1f8: {  	s20 =	rddreg [dreg:$0xe]  }
0x1f9: {  	[tilespmem:s10], [sflag:$0x1] =	stream.indirect_vreg.gather [hbm4b:s20+s1], $0x80, v2, vm0, $0xb8;
	[tilespmem:$0x8080] =	vst v63  }
0x1fa: {  	s19 =	rddreg [dreg:$0xf]  }
0x1fb: {  	[tilespmem:s11], [sflag:$0x1] =	stream.indirect_vreg.gather [hbm4b:s19+s1], $0x80, v2, vm0, $0xb8;
	[tilespmem:$0x8080] =	vst v63  }
0x1fc: {  	s20 =	rddreg [dreg:$0x10]  }
0x1fd: {  	[tilespmem:s12], [sflag:$0x1] =	stream.indirect_vreg.gather [hbm4b:s20+s1], $0x80, v2, vm0, $0xb8;
	[tilespmem:$0x8080] =	vst v63  }
0x1fe: {  	s19 =	rddreg [dreg:$0x11]  }
0x1ff: {  	[tilespmem:s13], [sflag:$0x1] =	stream.indirect_vreg.gather [hbm4b:s19+s1], $0x80, v2, vm0, $0xb8;
	[tilespmem:$0x8080] =	vst v63  }
0x200: {  	s20 =	rddreg [dreg:$0x12]  }
0x201: {  	[tilespmem:s14], [sflag:$0x1] =	stream.indirect_vreg.gather [hbm4b:s20+s1], $0x80, v2, vm0, $0xb8;
	[tilespmem:$0x8080] =	vst v63  }
0x202: {  	_ =	swait.ge [sflag:s15], $0x8000  }
0x203: {  	s19 =	simm.s32 $0x80;
	[sflag:s15] =	ssyncset.done $0x0  }
0x204: {  	s1 =	sadd.s32 $0x0, s21;
	s20 =	simm.s32 $0x480;
	[sflag:s15] =	ssyncadd.s32 $0xFFFF8000  }
.LBB2_12:
0x205: {  	[hbm4b:s1+s3] =	stream.linear.scatter [tilespmem:s18], [sflag:$0x2], $0x300, $0x38;
	[tilespmem:$0x8080] =	vst v63  }
0x206: {  	s1 =	smov.u32 s19;
	s18 =	smov.u32 s20;
	p2 =	sne.s32 s19, $0xF80  }
.Ltmp30:
0x207: {  	s19 =	sadd.s32 $0x80, s19;
	(pc) =	sbr.rel @p2 .LBB2_12-.Ltmp30, $2  }
0x208: {  	_ =	sdelay $0x2  }
0x209: {  	s20 =	sadd.s32 $0x400, s20;
	s1 =	sadd.s32 s1, s21  }
0x20a: {  	[hbm4b:s1+s3] =	stream.linear.scatter [tilespmem:s18], [sflag:$0x2], $0x300, $0x38;
	[tilespmem:$0x8080] =	vst v63  }
.Ltmp31:
0x20b: {  	_ = 	snop;
	(pc) =	sbr.rel .LBB2_48-.Ltmp31, $4  }
0x20c: {  	_ =	swait.ge [sflag:s16], $0x6000  }
0x20d: {  	[sflag:s16] =	ssyncset.done $0x0  }
0x20e: {  	[sflag:s16] =	ssyncadd.s32 $0xFFFFA000  }
0x20f: {  	s18 =	simm.s32 $0x880;
	s19 =	simm.s32 $0x1080;
	s20 =	rddreg [dreg:$0x0]  }
.LBB2_27:
0x210: {  	s0 =	sld [smem:$0x7F8];
	_ =	sdelay $0x2  }
0x211: {  	p2 =	seq.s32 s0, $0x1  }
.Ltmp32:
0x212: {  	_ = 	snop;
	(pc) =	sbr.rel @p2 .LBB2_45-.Ltmp32, $1  }
0x213: {  	_ =	sdelay $0x3  }
0x214: {  	s0 =	sld [smem:$0x7F9];
	_ =	sdelay $0x2  }
0x215: {  	p2 =	seq.s32 s0, $0x1  }
.Ltmp33:
0x216: {  	_ = 	snop;
	(pc) =	sbr.rel @!p2 .LBB2_48-.Ltmp33, $1  }
0x217: {  	_ =	sdelay $0x3  }
0x218: {  	v2 =	vld.msk [tilespmem:$0x10], $0xff;
	_ =	sdelay $0x4  }
0x219: {  	v3 =	vshll.u32 v2, $0x5  }
0x21a: {  	v2 =	vand.u32 $0x7, v2;
	v3 =	vand.u32 $0xFFFFFF00, v3  }
0x21b: {  	v2 =	vor.u32 v2, v3  }
0x21c: {  	v2 =	vperm.xlane v2, v0;
	_ =	sdelay $0x1  }
0x21d: {  	v2 =	vadd.s32 v1, v2;
	_ =	sdelay $0x4  }
0x21e: {  	[tilespmem:s30], [sflag:$0x1] =	stream.indirect_vreg.gather [hbm4b:s24+s3], $0x80, v2, vm0, $0xb8;
	[tilespmem:$0x8080] =	vst v63  }
0x21f: {  	s1 =	sadd.s32 $0x100, s24  }
0x220: {  	[tilespmem:s18], [sflag:$0x1] =	stream.indirect_vreg.gather [hbm4b:s1+s3], $0x80, v2, vm0, $0xb8;
	[tilespmem:$0x8080] =	vst v63  }
0x221: {  	s0 =	sadd.s32 $0x200, s24  }
0x222: {  	[tilespmem:s19], [sflag:$0x1] =	stream.indirect_vreg.gather [hbm4b:s0+s3], $0x80, v2, vm0, $0xb8;
	[tilespmem:$0x8080] =	vst v63  }
0x223: {  	s0 =	sadd.s32 $0x300, s24  }
0x224: {  	[tilespmem:s28], [sflag:$0x1] =	stream.indirect_vreg.gather [hbm4b:s0+s3], $0x80, v2, vm0, $0xb8;
	[tilespmem:$0x8080] =	vst v63  }
0x225: {  	s0 =	sadd.s32 $0x400, s24  }
0x226: {  	[tilespmem:s4], [sflag:$0x1] =	stream.indirect_vreg.gather [hbm4b:s0+s3], $0x80, v2, vm0, $0xb8;
	[tilespmem:$0x8080] =	vst v63  }
0x227: {  	s0 =	sadd.s32 $0x500, s24  }
0x228: {  	[tilespmem:s29], [sflag:$0x1] =	stream.indirect_vreg.gather [hbm4b:s0+s3], $0x80, v2, vm0, $0xb8;
	[tilespmem:$0x8080] =	vst v63  }
0x229: {  	s0 =	sadd.s32 $0x600, s24  }
0x22a: {  	[tilespmem:s2], [sflag:$0x1] =	stream.indirect_vreg.gather [hbm4b:s0+s3], $0x80, v2, vm0, $0xb8;
	[tilespmem:$0x8080] =	vst v63  }
0x22b: {  	s0 =	sadd.s32 $0x700, s24  }
0x22c: {  	[tilespmem:s6], [sflag:$0x1] =	stream.indirect_vreg.gather [hbm4b:s0+s3], $0x80, v2, vm0, $0xb8;
	[tilespmem:$0x8080] =	vst v63  }
0x22d: {  	s0 =	sadd.s32 $0x800, s24  }
0x22e: {  	[tilespmem:s7], [sflag:$0x1] =	stream.indirect_vreg.gather [hbm4b:s0+s3], $0x80, v2, vm0, $0xb8;
	[tilespmem:$0x8080] =	vst v63  }
0x22f: {  	s0 =	sadd.s32 $0x900, s24  }
0x230: {  	[tilespmem:s8], [sflag:$0x1] =	stream.indirect_vreg.gather [hbm4b:s0+s3], $0x80, v2, vm0, $0xb8;
	[tilespmem:$0x8080] =	vst v63  }
0x231: {  	s0 =	sadd.s32 $0xA00, s24  }
0x232: {  	[tilespmem:s9], [sflag:$0x1] =	stream.indirect_vreg.gather [hbm4b:s0+s3], $0x80, v2, vm0, $0xb8;
	[tilespmem:$0x8080] =	vst v63  }
0x233: {  	s0 =	sadd.s32 $0xB00, s24  }
0x234: {  	[tilespmem:s10], [sflag:$0x1] =	stream.indirect_vreg.gather [hbm4b:s0+s3], $0x80, v2, vm0, $0xb8;
	[tilespmem:$0x8080] =	vst v63  }
0x235: {  	s0 =	sadd.s32 $0xC00, s24  }
0x236: {  	[tilespmem:s11], [sflag:$0x1] =	stream.indirect_vreg.gather [hbm4b:s0+s3], $0x80, v2, vm0, $0xb8;
	[tilespmem:$0x8080] =	vst v63  }
0x237: {  	s0 =	sadd.s32 $0xD00, s24  }
0x238: {  	[tilespmem:s12], [sflag:$0x1] =	stream.indirect_vreg.gather [hbm4b:s0+s3], $0x80, v2, vm0, $0xb8;
	[tilespmem:$0x8080] =	vst v63  }
0x239: {  	s0 =	sadd.s32 $0xE00, s24  }
0x23a: {  	[tilespmem:s13], [sflag:$0x1] =	stream.indirect_vreg.gather [hbm4b:s0+s3], $0x80, v2, vm0, $0xb8;
	[tilespmem:$0x8080] =	vst v63  }
0x23b: {  	s0 =	sadd.s32 $0xF00, s24  }
0x23c: {  	[tilespmem:s14], [sflag:$0x1] =	stream.indirect_vreg.gather [hbm4b:s0+s3], $0x80, v2, vm0, $0xb8;
	[tilespmem:$0x8080] =	vst v63  }
0x23d: {  	_ =	swait.ge [sflag:s15], $0x8000  }
0x23e: {  	[sflag:s15] =	ssyncset.done $0x0  }
.Ltmp34:
0x23f: {  	s0 =	rddreg [dreg:$0x15];
	[sflag:s15] =	ssyncadd.s32 $0xFFFF8000;
	(pc) =	sbr.rel .LBB2_48-.Ltmp34, $4  }
0x240: {  	[hbm4b:s0+s3] =	stream.linear.scatter [tilespmem:s30], [sflag:$0x2], $0x8000, $0x38;
	[tilespmem:$0x8080] =	vst v63  }
0x241: {  	_ =	swait.ge [sflag:s16], $0x8000  }
0x242: {  	[sflag:s16] =	ssyncset.done $0x0  }
0x243: {  	[sflag:s16] =	ssyncadd.s32 $0xFFFF8000  }
.LBB2_36:
0x244: {  	v2 =	vld.msk [tilespmem:$0x0], $0xff;
	_ =	sdelay $0x4  }
0x245: {  	v3 =	vshll.u32 v2, $0x5  }
0x246: {  	v2 =	vand.u32 $0x7, v2;
	v3 =	vand.u32 $0xFFFFFF00, v3  }
0x247: {  	v2 =	vor.u32 v2, v3  }
0x248: {  	v2 =	vperm.xlane v2, v0;
	_ =	sdelay $0x1  }
0x249: {  	v2 =	vadd.s32 v1, v2;
	_ =	sdelay $0x4  }
0x24a: {  	[tilespmem:s30], [sflag:$0x1] =	stream.indirect_vreg.gather [hbm4b:s20+s3], $0x80, v2, vm0, $0xb8;
	[tilespmem:$0x8080] =	vst v63  }
0x24b: {  	s1 =	rddreg [dreg:$0x4]  }
0x24c: {  	[tilespmem:s18], [sflag:$0x1] =	stream.indirect_vreg.gather [hbm4b:s1+s3], $0x80, v2, vm0, $0xb8;
	[tilespmem:$0x8080] =	vst v63  }
0x24d: {  	_ = 	snop  }
0x24e: {  	[tilespmem:s19], [sflag:$0x1] =	stream.indirect_vreg.gather [hbm4b:s31+s3], $0x80, v2, vm0, $0xb8;
	[tilespmem:$0x8080] =	vst v63  }
0x24f: {  	s0 =	rddreg [dreg:$0x6]  }
0x250: {  	[tilespmem:s28], [sflag:$0x1] =	stream.indirect_vreg.gather [hbm4b:s0+s3], $0x80, v2, vm0, $0xb8;
	[tilespmem:$0x8080] =	vst v63  }
0x251: {  	s1 =	rddreg [dreg:$0x7]  }
0x252: {  	[tilespmem:s4], [sflag:$0x1] =	stream.indirect_vreg.gather [hbm4b:s1+s3], $0x80, v2, vm0, $0xb8;
	[tilespmem:$0x8080] =	vst v63  }
0x253: {  	s1 =	rddreg [dreg:$0x8]  }
0x254: {  	[tilespmem:s29], [sflag:$0x1] =	stream.indirect_vreg.gather [hbm4b:s1+s3], $0x80, v2, vm0, $0xb8;
	[tilespmem:$0x8080] =	vst v63  }
0x255: {  	s1 =	rddreg [dreg:$0x9]  }
0x256: {  	[tilespmem:s2], [sflag:$0x1] =	stream.indirect_vreg.gather [hbm4b:s1+s3], $0x80, v2, vm0, $0xb8;
	[tilespmem:$0x8080] =	vst v63  }
0x257: {  	s1 =	rddreg [dreg:$0xa]  }
0x258: {  	[tilespmem:s6], [sflag:$0x1] =	stream.indirect_vreg.gather [hbm4b:s1+s3], $0x80, v2, vm0, $0xb8;
	[tilespmem:$0x8080] =	vst v63  }
0x259: {  	s1 =	rddreg [dreg:$0xb]  }
0x25a: {  	[tilespmem:s7], [sflag:$0x1] =	stream.indirect_vreg.gather [hbm4b:s1+s3], $0x80, v2, vm0, $0xb8;
	[tilespmem:$0x8080] =	vst v63  }
0x25b: {  	s1 =	rddreg [dreg:$0xc]  }
0x25c: {  	[tilespmem:s8], [sflag:$0x1] =	stream.indirect_vreg.gather [hbm4b:s1+s3], $0x80, v2, vm0, $0xb8;
	[tilespmem:$0x8080] =	vst v63  }
0x25d: {  	s1 =	rddreg [dreg:$0xd]  }
0x25e: {  	[tilespmem:s9], [sflag:$0x1] =	stream.indirect_vreg.gather [hbm4b:s1+s3], $0x80, v2, vm0, $0xb8;
	[tilespmem:$0x8080] =	vst v63  }
0x25f: {  	s1 =	rddreg [dreg:$0xe]  }
0x260: {  	[tilespmem:s10], [sflag:$0x1] =	stream.indirect_vreg.gather [hbm4b:s1+s3], $0x80, v2, vm0, $0xb8;
	[tilespmem:$0x8080] =	vst v63  }
0x261: {  	s1 =	rddreg [dreg:$0xf]  }
0x262: {  	[tilespmem:s11], [sflag:$0x1] =	stream.indirect_vreg.gather [hbm4b:s1+s3], $0x80, v2, vm0, $0xb8;
	[tilespmem:$0x8080] =	vst v63  }
0x263: {  	s1 =	rddreg [dreg:$0x10]  }
0x264: {  	[tilespmem:s12], [sflag:$0x1] =	stream.indirect_vreg.gather [hbm4b:s1+s3], $0x80, v2, vm0, $0xb8;
	[tilespmem:$0x8080] =	vst v63  }
0x265: {  	s1 =	rddreg [dreg:$0x11]  }
0x266: {  	[tilespmem:s13], [sflag:$0x1] =	stream.indirect_vreg.gather [hbm4b:s1+s3], $0x80, v2, vm0, $0xb8;
	[tilespmem:$0x8080] =	vst v63  }
0x267: {  	s1 =	rddreg [dreg:$0x12]  }
0x268: {  	[tilespmem:s14], [sflag:$0x1] =	stream.indirect_vreg.gather [hbm4b:s1+s3], $0x80, v2, vm0, $0xb8;
	[tilespmem:$0x8080] =	vst v63  }
0x269: {  	_ =	swait.ge [sflag:s15], $0x8000  }
0x26a: {  	[sflag:s15] =	ssyncset.done $0x0  }
0x26b: {  	[sflag:s15] =	ssyncadd.s32 $0xFFFF8000  }
.Ltmp35:
0x26c: {  	s0 =	rddreg [dreg:$0x2];
	(pc) =	sbr.rel .LBB2_48-.Ltmp35, $4  }
0x26d: {  	[hbm4b:s0+s3] =	stream.linear.scatter [tilespmem:s30], [sflag:$0x2], $0x8000, $0x38;
	[tilespmem:$0x8080] =	vst v63  }
0x26e: {  	_ =	swait.ge [sflag:s16], $0x8000  }
0x26f: {  	[sflag:s16] =	ssyncset.done $0x0  }
0x270: {  	[sflag:s16] =	ssyncadd.s32 $0xFFFF8000  }
.LBB2_37:
0x271: {  	v2 =	vld.msk [tilespmem:$0x10], $0xff;
	_ =	sdelay $0x4  }
0x272: {  	v3 =	vshll.u32 v2, $0x5  }
0x273: {  	v2 =	vand.u32 $0x7, v2;
	v3 =	vand.u32 $0xFFFFFF00, v3  }
0x274: {  	v2 =	vor.u32 v2, v3  }
0x275: {  	v2 =	vperm.xlane v2, v0;
	_ =	sdelay $0x1  }
0x276: {  	v2 =	vadd.s32 v1, v2;
	_ =	sdelay $0x4  }
0x277: {  	[tilespmem:s30], [sflag:$0x1] =	stream.indirect_vreg.gather [hbm4b:s20+s3], $0x80, v2, vm0, $0xb8;
	[tilespmem:$0x8080] =	vst v63  }
0x278: {  	s1 =	rddreg [dreg:$0x4]  }
0x279: {  	[tilespmem:s18], [sflag:$0x1] =	stream.indirect_vreg.gather [hbm4b:s1+s3], $0x80, v2, vm0, $0xb8;
	[tilespmem:$0x8080] =	vst v63  }
0x27a: {  	_ = 	snop  }
0x27b: {  	[tilespmem:s19], [sflag:$0x1] =	stream.indirect_vreg.gather [hbm4b:s31+s3], $0x80, v2, vm0, $0xb8;
	[tilespmem:$0x8080] =	vst v63  }
0x27c: {  	s0 =	rddreg [dreg:$0x6]  }
0x27d: {  	[tilespmem:s28], [sflag:$0x1] =	stream.indirect_vreg.gather [hbm4b:s0+s3], $0x80, v2, vm0, $0xb8;
	[tilespmem:$0x8080] =	vst v63  }
0x27e: {  	s1 =	rddreg [dreg:$0x7]  }
0x27f: {  	[tilespmem:s4], [sflag:$0x1] =	stream.indirect_vreg.gather [hbm4b:s1+s3], $0x80, v2, vm0, $0xb8;
	[tilespmem:$0x8080] =	vst v63  }
0x280: {  	s1 =	rddreg [dreg:$0x8]  }
0x281: {  	[tilespmem:s29], [sflag:$0x1] =	stream.indirect_vreg.gather [hbm4b:s1+s3], $0x80, v2, vm0, $0xb8;
	[tilespmem:$0x8080] =	vst v63  }
0x282: {  	s1 =	rddreg [dreg:$0x9]  }
0x283: {  	[tilespmem:s2], [sflag:$0x1] =	stream.indirect_vreg.gather [hbm4b:s1+s3], $0x80, v2, vm0, $0xb8;
	[tilespmem:$0x8080] =	vst v63  }
0x284: {  	s1 =	rddreg [dreg:$0xa]  }
0x285: {  	[tilespmem:s6], [sflag:$0x1] =	stream.indirect_vreg.gather [hbm4b:s1+s3], $0x80, v2, vm0, $0xb8;
	[tilespmem:$0x8080] =	vst v63  }
0x286: {  	s1 =	rddreg [dreg:$0xb]  }
0x287: {  	[tilespmem:s7], [sflag:$0x1] =	stream.indirect_vreg.gather [hbm4b:s1+s3], $0x80, v2, vm0, $0xb8;
	[tilespmem:$0x8080] =	vst v63  }
0x288: {  	s1 =	rddreg [dreg:$0xc]  }
0x289: {  	[tilespmem:s8], [sflag:$0x1] =	stream.indirect_vreg.gather [hbm4b:s1+s3], $0x80, v2, vm0, $0xb8;
	[tilespmem:$0x8080] =	vst v63  }
0x28a: {  	s1 =	rddreg [dreg:$0xd]  }
0x28b: {  	[tilespmem:s9], [sflag:$0x1] =	stream.indirect_vreg.gather [hbm4b:s1+s3], $0x80, v2, vm0, $0xb8;
	[tilespmem:$0x8080] =	vst v63  }
0x28c: {  	s1 =	rddreg [dreg:$0xe]  }
0x28d: {  	[tilespmem:s10], [sflag:$0x1] =	stream.indirect_vreg.gather [hbm4b:s1+s3], $0x80, v2, vm0, $0xb8;
	[tilespmem:$0x8080] =	vst v63  }
0x28e: {  	s1 =	rddreg [dreg:$0xf]  }
0x28f: {  	[tilespmem:s11], [sflag:$0x1] =	stream.indirect_vreg.gather [hbm4b:s1+s3], $0x80, v2, vm0, $0xb8;
	[tilespmem:$0x8080] =	vst v63  }
0x290: {  	s1 =	rddreg [dreg:$0x10]  }
0x291: {  	[tilespmem:s12], [sflag:$0x1] =	stream.indirect_vreg.gather [hbm4b:s1+s3], $0x80, v2, vm0, $0xb8;
	[tilespmem:$0x8080] =	vst v63  }
0x292: {  	s1 =	rddreg [dreg:$0x11]  }
0x293: {  	[tilespmem:s13], [sflag:$0x1] =	stream.indirect_vreg.gather [hbm4b:s1+s3], $0x80, v2, vm0, $0xb8;
	[tilespmem:$0x8080] =	vst v63  }
0x294: {  	s1 =	rddreg [dreg:$0x12]  }
0x295: {  	[tilespmem:s14], [sflag:$0x1] =	stream.indirect_vreg.gather [hbm4b:s1+s3], $0x80, v2, vm0, $0xb8;
	[tilespmem:$0x8080] =	vst v63  }
0x296: {  	_ =	swait.ge [sflag:s15], $0x8000  }
0x297: {  	[sflag:s15] =	ssyncset.done $0x0  }
.Ltmp36:
0x298: {  	s1 =	rddreg [dreg:$0x1f];
	[sflag:s15] =	ssyncadd.s32 $0xFFFF8000;
	(pc) =	sbr.rel .LBB2_48-.Ltmp36, $4  }
0x299: {  	[hbm4b:s1+s3] =	stream.linear.scatter [tilespmem:s30], [sflag:$0x2], $0x8000, $0x38;
	[tilespmem:$0x8080] =	vst v63  }
0x29a: {  	_ =	swait.ge [sflag:s16], $0x8000  }
0x29b: {  	[sflag:s16] =	ssyncset.done $0x0  }
0x29c: {  	[sflag:s16] =	ssyncadd.s32 $0xFFFF8000  }
.LBB2_42:
0x29d: {  	v2 =	vld.msk [tilespmem:$0x28], $0xff;
	_ =	sdelay $0x4  }
0x29e: {  	v3 =	vshll.u32 v2, $0x5  }
0x29f: {  	v2 =	vand.u32 $0x7, v2;
	v3 =	vand.u32 $0xFFFFFF00, v3  }
0x2a0: {  	v2 =	vor.u32 v2, v3  }
0x2a1: {  	v2 =	vperm.xlane v2, v0;
	_ =	sdelay $0x1  }
0x2a2: {  	v2 =	vadd.s32 v1, v2;
	_ =	sdelay $0x3  }
0x2a3: {  	s1 =	simm.s32 $0x0;
	s18 =	simm.s32 $0x80  }
0x2a4: {  	[tilespmem:s18], [sflag:$0x1] =	stream.indirect_vreg.gather [hbm4b:s22+s1], $0x80, v2, vm0, $0xb8;
	[tilespmem:$0x8080] =	vst v63  }
0x2a5: {  	s0 =	simm.s32 $0x880;
	s19 =	sadd.s32 $0x100, s22  }
0x2a6: {  	[tilespmem:s0], [sflag:$0x1] =	stream.indirect_vreg.gather [hbm4b:s19+s1], $0x80, v2, vm0, $0xb8;
	[tilespmem:$0x8080] =	vst v63  }
0x2a7: {  	s20 =	simm.s32 $0x1080;
	s0 =	sadd.s32 $0x200, s22  }
0x2a8: {  	[tilespmem:s20], [sflag:$0x1] =	stream.indirect_vreg.gather [hbm4b:s0+s1], $0x80, v2, vm0, $0xb8;
	[tilespmem:$0x8080] =	vst v63  }
0x2a9: {  	s20 =	sadd.s32 $0x300, s22  }
0x2aa: {  	[tilespmem:s28], [sflag:$0x1] =	stream.indirect_vreg.gather [hbm4b:s20+s1], $0x80, v2, vm0, $0xb8;
	[tilespmem:$0x8080] =	vst v63  }
0x2ab: {  	s0 =	sadd.s32 $0x400, s22  }
0x2ac: {  	[tilespmem:s4], [sflag:$0x1] =	stream.indirect_vreg.gather [hbm4b:s0+s1], $0x80, v2, vm0, $0xb8;
	[tilespmem:$0x8080] =	vst v63  }
0x2ad: {  	s20 =	sadd.s32 $0x500, s22  }
0x2ae: {  	[tilespmem:s29], [sflag:$0x1] =	stream.indirect_vreg.gather [hbm4b:s20+s1], $0x80, v2, vm0, $0xb8;
	[tilespmem:$0x8080] =	vst v63  }
0x2af: {  	s0 =	sadd.s32 $0x600, s22  }
0x2b0: {  	[tilespmem:s2], [sflag:$0x1] =	stream.indirect_vreg.gather [hbm4b:s0+s1], $0x80, v2, vm0, $0xb8;
	[tilespmem:$0x8080] =	vst v63  }
0x2b1: {  	s20 =	sadd.s32 $0x700, s22  }
0x2b2: {  	[tilespmem:s6], [sflag:$0x1] =	stream.indirect_vreg.gather [hbm4b:s20+s1], $0x80, v2, vm0, $0xb8;
	[tilespmem:$0x8080] =	vst v63  }
0x2b3: {  	s0 =	sadd.s32 $0x800, s22  }
0x2b4: {  	[tilespmem:s7], [sflag:$0x1] =	stream.indirect_vreg.gather [hbm4b:s0+s1], $0x80, v2, vm0, $0xb8;
	[tilespmem:$0x8080] =	vst v63  }
0x2b5: {  	s20 =	sadd.s32 $0x900, s22  }
0x2b6: {  	[tilespmem:s8], [sflag:$0x1] =	stream.indirect_vreg.gather [hbm4b:s20+s1], $0x80, v2, vm0, $0xb8;
	[tilespmem:$0x8080] =	vst v63  }
0x2b7: {  	s0 =	sadd.s32 $0xA00, s22  }
0x2b8: {  	[tilespmem:s9], [sflag:$0x1] =	stream.indirect_vreg.gather [hbm4b:s0+s1], $0x80, v2, vm0, $0xb8;
	[tilespmem:$0x8080] =	vst v63  }
0x2b9: {  	s20 =	sadd.s32 $0xB00, s22  }
0x2ba: {  	[tilespmem:s10], [sflag:$0x1] =	stream.indirect_vreg.gather [hbm4b:s20+s1], $0x80, v2, vm0, $0xb8;
	[tilespmem:$0x8080] =	vst v63  }
0x2bb: {  	s0 =	sadd.s32 $0xC00, s22  }
0x2bc: {  	[tilespmem:s11], [sflag:$0x1] =	stream.indirect_vreg.gather [hbm4b:s0+s1], $0x80, v2, vm0, $0xb8;
	[tilespmem:$0x8080] =	vst v63  }
0x2bd: {  	s20 =	sadd.s32 $0xD00, s22  }
0x2be: {  	[tilespmem:s12], [sflag:$0x1] =	stream.indirect_vreg.gather [hbm4b:s20+s1], $0x80, v2, vm0, $0xb8;
	[tilespmem:$0x8080] =	vst v63  }
0x2bf: {  	s0 =	sadd.s32 $0xE00, s22  }
0x2c0: {  	[tilespmem:s13], [sflag:$0x1] =	stream.indirect_vreg.gather [hbm4b:s0+s1], $0x80, v2, vm0, $0xb8;
	[tilespmem:$0x8080] =	vst v63  }
0x2c1: {  	s20 =	sadd.s32 $0xF00, s22  }
0x2c2: {  	[tilespmem:s14], [sflag:$0x1] =	stream.indirect_vreg.gather [hbm4b:s20+s1], $0x80, v2, vm0, $0xb8;
	[tilespmem:$0x8080] =	vst v63  }
0x2c3: {  	_ =	swait.ge [sflag:s15], $0x8000  }
0x2c4: {  	s19 =	simm.s32 $0x80;
	[sflag:s15] =	ssyncset.done $0x0  }
0x2c5: {  	s1 =	sadd.s32 $0x0, s23;
	s20 =	simm.s32 $0x480;
	[sflag:s15] =	ssyncadd.s32 $0xFFFF8000  }
.LBB2_43:
0x2c6: {  	[hbm4b:s1+s3] =	stream.linear.scatter [tilespmem:s18], [sflag:$0x2], $0x300, $0x38;
	[tilespmem:$0x8080] =	vst v63  }
0x2c7: {  	s1 =	smov.u32 s19;
	s18 =	smov.u32 s20;
	p2 =	sne.s32 s19, $0xF80  }
.Ltmp37:
0x2c8: {  	s19 =	sadd.s32 $0x80, s19;
	(pc) =	sbr.rel @p2 .LBB2_43-.Ltmp37, $2  }
0x2c9: {  	_ =	sdelay $0x2  }
0x2ca: {  	s20 =	sadd.s32 $0x400, s20;
	s1 =	sadd.s32 s1, s23  }
0x2cb: {  	[hbm4b:s1+s3] =	stream.linear.scatter [tilespmem:s18], [sflag:$0x2], $0x300, $0x38;
	[tilespmem:$0x8080] =	vst v63  }
.Ltmp38:
0x2cc: {  	_ = 	snop;
	(pc) =	sbr.rel .LBB2_48-.Ltmp38, $4  }
0x2cd: {  	_ =	swait.ge [sflag:s16], $0x6000  }
0x2ce: {  	[sflag:s16] =	ssyncset.done $0x0  }
0x2cf: {  	[sflag:s16] =	ssyncadd.s32 $0xFFFFA000  }
0x2d0: {  	s18 =	simm.s32 $0x880;
	s19 =	simm.s32 $0x1080;
	s20 =	rddreg [dreg:$0x0]  }
.LBB2_40:
0x2d1: {  	v2 =	vld.msk [tilespmem:$0x8], $0xff;
	_ =	sdelay $0x4  }
0x2d2: {  	v3 =	vshll.u32 v2, $0x5  }
0x2d3: {  	v2 =	vand.u32 $0x7, v2;
	v3 =	vand.u32 $0xFFFFFF00, v3  }
0x2d4: {  	v2 =	vor.u32 v2, v3  }
0x2d5: {  	v2 =	vperm.xlane v2, v0;
	_ =	sdelay $0x1  }
0x2d6: {  	v2 =	vadd.s32 v1, v2;
	_ =	sdelay $0x4  }
0x2d7: {  	[tilespmem:s30], [sflag:$0x1] =	stream.indirect_vreg.gather [hbm4b:s22+s3], $0x80, v2, vm0, $0xb8;
	[tilespmem:$0x8080] =	vst v63  }
0x2d8: {  	s1 =	sadd.s32 $0x100, s22  }
0x2d9: {  	[tilespmem:s18], [sflag:$0x1] =	stream.indirect_vreg.gather [hbm4b:s1+s3], $0x80, v2, vm0, $0xb8;
	[tilespmem:$0x8080] =	vst v63  }
0x2da: {  	s0 =	sadd.s32 $0x200, s22  }
0x2db: {  	[tilespmem:s19], [sflag:$0x1] =	stream.indirect_vreg.gather [hbm4b:s0+s3], $0x80, v2, vm0, $0xb8;
	[tilespmem:$0x8080] =	vst v63  }
0x2dc: {  	s0 =	sadd.s32 $0x300, s22  }
0x2dd: {  	[tilespmem:s28], [sflag:$0x1] =	stream.indirect_vreg.gather [hbm4b:s0+s3], $0x80, v2, vm0, $0xb8;
	[tilespmem:$0x8080] =	vst v63  }
0x2de: {  	s0 =	sadd.s32 $0x400, s22  }
0x2df: {  	[tilespmem:s4], [sflag:$0x1] =	stream.indirect_vreg.gather [hbm4b:s0+s3], $0x80, v2, vm0, $0xb8;
	[tilespmem:$0x8080] =	vst v63  }
0x2e0: {  	s0 =	sadd.s32 $0x500, s22  }
0x2e1: {  	[tilespmem:s29], [sflag:$0x1] =	stream.indirect_vreg.gather [hbm4b:s0+s3], $0x80, v2, vm0, $0xb8;
	[tilespmem:$0x8080] =	vst v63  }
0x2e2: {  	s0 =	sadd.s32 $0x600, s22  }
0x2e3: {  	[tilespmem:s2], [sflag:$0x1] =	stream.indirect_vreg.gather [hbm4b:s0+s3], $0x80, v2, vm0, $0xb8;
	[tilespmem:$0x8080] =	vst v63  }
0x2e4: {  	s0 =	sadd.s32 $0x700, s22  }
0x2e5: {  	[tilespmem:s6], [sflag:$0x1] =	stream.indirect_vreg.gather [hbm4b:s0+s3], $0x80, v2, vm0, $0xb8;
	[tilespmem:$0x8080] =	vst v63  }
0x2e6: {  	s0 =	sadd.s32 $0x800, s22  }
0x2e7: {  	[tilespmem:s7], [sflag:$0x1] =	stream.indirect_vreg.gather [hbm4b:s0+s3], $0x80, v2, vm0, $0xb8;
	[tilespmem:$0x8080] =	vst v63  }
0x2e8: {  	s0 =	sadd.s32 $0x900, s22  }
0x2e9: {  	[tilespmem:s8], [sflag:$0x1] =	stream.indirect_vreg.gather [hbm4b:s0+s3], $0x80, v2, vm0, $0xb8;
	[tilespmem:$0x8080] =	vst v63  }
0x2ea: {  	s0 =	sadd.s32 $0xA00, s22  }
0x2eb: {  	[tilespmem:s9], [sflag:$0x1] =	stream.indirect_vreg.gather [hbm4b:s0+s3], $0x80, v2, vm0, $0xb8;
	[tilespmem:$0x8080] =	vst v63  }
0x2ec: {  	s0 =	sadd.s32 $0xB00, s22  }
0x2ed: {  	[tilespmem:s10], [sflag:$0x1] =	stream.indirect_vreg.gather [hbm4b:s0+s3], $0x80, v2, vm0, $0xb8;
	[tilespmem:$0x8080] =	vst v63  }
0x2ee: {  	s0 =	sadd.s32 $0xC00, s22  }
0x2ef: {  	[tilespmem:s11], [sflag:$0x1] =	stream.indirect_vreg.gather [hbm4b:s0+s3], $0x80, v2, vm0, $0xb8;
	[tilespmem:$0x8080] =	vst v63  }
0x2f0: {  	s0 =	sadd.s32 $0xD00, s22  }
0x2f1: {  	[tilespmem:s12], [sflag:$0x1] =	stream.indirect_vreg.gather [hbm4b:s0+s3], $0x80, v2, vm0, $0xb8;
	[tilespmem:$0x8080] =	vst v63  }
0x2f2: {  	s0 =	sadd.s32 $0xE00, s22  }
0x2f3: {  	[tilespmem:s13], [sflag:$0x1] =	stream.indirect_vreg.gather [hbm4b:s0+s3], $0x80, v2, vm0, $0xb8;
	[tilespmem:$0x8080] =	vst v63  }
0x2f4: {  	s0 =	sadd.s32 $0xF00, s22  }
0x2f5: {  	[tilespmem:s14], [sflag:$0x1] =	stream.indirect_vreg.gather [hbm4b:s0+s3], $0x80, v2, vm0, $0xb8;
	[tilespmem:$0x8080] =	vst v63  }
0x2f6: {  	_ =	swait.ge [sflag:s15], $0x8000  }
0x2f7: {  	[sflag:s15] =	ssyncset.done $0x0  }
.Ltmp39:
0x2f8: {  	s0 =	rddreg [dreg:$0x1b];
	[sflag:s15] =	ssyncadd.s32 $0xFFFF8000;
	(pc) =	sbr.rel .LBB2_48-.Ltmp39, $4  }
0x2f9: {  	[hbm4b:s0+s3] =	stream.linear.scatter [tilespmem:s30], [sflag:$0x2], $0x8000, $0x38;
	[tilespmem:$0x8080] =	vst v63  }
0x2fa: {  	_ =	swait.ge [sflag:s16], $0x8000  }
0x2fb: {  	[sflag:s16] =	ssyncset.done $0x0  }
0x2fc: {  	[sflag:s16] =	ssyncadd.s32 $0xFFFF8000  }
.LBB2_47:
0x2fd: {  	v2 =	vld.msk [tilespmem:$0x20], $0xff;
	_ =	sdelay $0x4  }
0x2fe: {  	v3 =	vshll.u32 v2, $0x5  }
0x2ff: {  	v2 =	vand.u32 $0x7, v2;
	v3 =	vand.u32 $0xFFFFFF00, v3  }
0x300: {  	v2 =	vor.u32 v2, v3  }
0x301: {  	v2 =	vperm.xlane v2, v0;
	_ =	sdelay $0x1  }
0x302: {  	v2 =	vadd.s32 v1, v2;
	_ =	sdelay $0x4  }
0x303: {  	[tilespmem:s30], [sflag:$0x1] =	stream.indirect_vreg.gather [hbm4b:s24+s3], $0x80, v2, vm0, $0xb8;
	[tilespmem:$0x8080] =	vst v63  }
0x304: {  	s1 =	sadd.s32 $0x100, s24  }
0x305: {  	[tilespmem:s18], [sflag:$0x1] =	stream.indirect_vreg.gather [hbm4b:s1+s3], $0x80, v2, vm0, $0xb8;
	[tilespmem:$0x8080] =	vst v63  }
0x306: {  	s0 =	sadd.s32 $0x200, s24  }
0x307: {  	[tilespmem:s19], [sflag:$0x1] =	stream.indirect_vreg.gather [hbm4b:s0+s3], $0x80, v2, vm0, $0xb8;
	[tilespmem:$0x8080] =	vst v63  }
0x308: {  	s0 =	sadd.s32 $0x300, s24  }
0x309: {  	[tilespmem:s28], [sflag:$0x1] =	stream.indirect_vreg.gather [hbm4b:s0+s3], $0x80, v2, vm0, $0xb8;
	[tilespmem:$0x8080] =	vst v63  }
0x30a: {  	s0 =	sadd.s32 $0x400, s24  }
0x30b: {  	[tilespmem:s4], [sflag:$0x1] =	stream.indirect_vreg.gather [hbm4b:s0+s3], $0x80, v2, vm0, $0xb8;
	[tilespmem:$0x8080] =	vst v63  }
0x30c: {  	s0 =	sadd.s32 $0x500, s24  }
0x30d: {  	[tilespmem:s29], [sflag:$0x1] =	stream.indirect_vreg.gather [hbm4b:s0+s3], $0x80, v2, vm0, $0xb8;
	[tilespmem:$0x8080] =	vst v63  }
0x30e: {  	s0 =	sadd.s32 $0x600, s24  }
0x30f: {  	[tilespmem:s2], [sflag:$0x1] =	stream.indirect_vreg.gather [hbm4b:s0+s3], $0x80, v2, vm0, $0xb8;
	[tilespmem:$0x8080] =	vst v63  }
0x310: {  	s0 =	sadd.s32 $0x700, s24  }
0x311: {  	[tilespmem:s6], [sflag:$0x1] =	stream.indirect_vreg.gather [hbm4b:s0+s3], $0x80, v2, vm0, $0xb8;
	[tilespmem:$0x8080] =	vst v63  }
0x312: {  	s0 =	sadd.s32 $0x800, s24  }
0x313: {  	[tilespmem:s7], [sflag:$0x1] =	stream.indirect_vreg.gather [hbm4b:s0+s3], $0x80, v2, vm0, $0xb8;
	[tilespmem:$0x8080] =	vst v63  }
0x314: {  	s0 =	sadd.s32 $0x900, s24  }
0x315: {  	[tilespmem:s8], [sflag:$0x1] =	stream.indirect_vreg.gather [hbm4b:s0+s3], $0x80, v2, vm0, $0xb8;
	[tilespmem:$0x8080] =	vst v63  }
0x316: {  	s0 =	sadd.s32 $0xA00, s24  }
0x317: {  	[tilespmem:s9], [sflag:$0x1] =	stream.indirect_vreg.gather [hbm4b:s0+s3], $0x80, v2, vm0, $0xb8;
	[tilespmem:$0x8080] =	vst v63  }
0x318: {  	s0 =	sadd.s32 $0xB00, s24  }
0x319: {  	[tilespmem:s10], [sflag:$0x1] =	stream.indirect_vreg.gather [hbm4b:s0+s3], $0x80, v2, vm0, $0xb8;
	[tilespmem:$0x8080] =	vst v63  }
0x31a: {  	s0 =	sadd.s32 $0xC00, s24  }
0x31b: {  	[tilespmem:s11], [sflag:$0x1] =	stream.indirect_vreg.gather [hbm4b:s0+s3], $0x80, v2, vm0, $0xb8;
	[tilespmem:$0x8080] =	vst v63  }
0x31c: {  	s0 =	sadd.s32 $0xD00, s24  }
0x31d: {  	[tilespmem:s12], [sflag:$0x1] =	stream.indirect_vreg.gather [hbm4b:s0+s3], $0x80, v2, vm0, $0xb8;
	[tilespmem:$0x8080] =	vst v63  }
0x31e: {  	s0 =	sadd.s32 $0xE00, s24  }
0x31f: {  	[tilespmem:s13], [sflag:$0x1] =	stream.indirect_vreg.gather [hbm4b:s0+s3], $0x80, v2, vm0, $0xb8;
	[tilespmem:$0x8080] =	vst v63  }
0x320: {  	s0 =	sadd.s32 $0xF00, s24  }
0x321: {  	[tilespmem:s14], [sflag:$0x1] =	stream.indirect_vreg.gather [hbm4b:s0+s3], $0x80, v2, vm0, $0xb8;
	[tilespmem:$0x8080] =	vst v63  }
0x322: {  	_ =	swait.ge [sflag:s15], $0x8000  }
0x323: {  	[sflag:s15] =	ssyncset.done $0x0  }
.Ltmp40:
0x324: {  	s0 =	rddreg [dreg:$0x13];
	[sflag:s15] =	ssyncadd.s32 $0xFFFF8000;
	(pc) =	sbr.rel .LBB2_48-.Ltmp40, $4  }
0x325: {  	[hbm4b:s0+s3] =	stream.linear.scatter [tilespmem:s30], [sflag:$0x2], $0x8000, $0x38;
	[tilespmem:$0x8080] =	vst v63  }
0x326: {  	_ =	swait.ge [sflag:s16], $0x8000  }
0x327: {  	[sflag:s16] =	ssyncset.done $0x0  }
0x328: {  	[sflag:s16] =	ssyncadd.s32 $0xFFFF8000  }
.LBB2_39:
0x329: {  	v2 =	vld.msk [tilespmem:$0x0], $0xff;
	_ =	sdelay $0x4  }
0x32a: {  	v3 =	vshll.u32 v2, $0x5  }
0x32b: {  	v2 =	vand.u32 $0x7, v2;
	v3 =	vand.u32 $0xFFFFFF00, v3  }
0x32c: {  	v2 =	vor.u32 v2, v3  }
0x32d: {  	v2 =	vperm.xlane v2, v0;
	_ =	sdelay $0x1  }
0x32e: {  	v2 =	vadd.s32 v1, v2;
	_ =	sdelay $0x4  }
0x32f: {  	[tilespmem:s30], [sflag:$0x1] =	stream.indirect_vreg.gather [hbm4b:s22+s3], $0x80, v2, vm0, $0xb8;
	[tilespmem:$0x8080] =	vst v63  }
0x330: {  	s1 =	sadd.s32 $0x100, s22  }
0x331: {  	[tilespmem:s18], [sflag:$0x1] =	stream.indirect_vreg.gather [hbm4b:s1+s3], $0x80, v2, vm0, $0xb8;
	[tilespmem:$0x8080] =	vst v63  }
0x332: {  	s0 =	sadd.s32 $0x200, s22  }
0x333: {  	[tilespmem:s19], [sflag:$0x1] =	stream.indirect_vreg.gather [hbm4b:s0+s3], $0x80, v2, vm0, $0xb8;
	[tilespmem:$0x8080] =	vst v63  }
0x334: {  	s0 =	sadd.s32 $0x300, s22  }
0x335: {  	[tilespmem:s28], [sflag:$0x1] =	stream.indirect_vreg.gather [hbm4b:s0+s3], $0x80, v2, vm0, $0xb8;
	[tilespmem:$0x8080] =	vst v63  }
0x336: {  	s0 =	sadd.s32 $0x400, s22  }
0x337: {  	[tilespmem:s4], [sflag:$0x1] =	stream.indirect_vreg.gather [hbm4b:s0+s3], $0x80, v2, vm0, $0xb8;
	[tilespmem:$0x8080] =	vst v63  }
0x338: {  	s0 =	sadd.s32 $0x500, s22  }
0x339: {  	[tilespmem:s29], [sflag:$0x1] =	stream.indirect_vreg.gather [hbm4b:s0+s3], $0x80, v2, vm0, $0xb8;
	[tilespmem:$0x8080] =	vst v63  }
0x33a: {  	s0 =	sadd.s32 $0x600, s22  }
0x33b: {  	[tilespmem:s2], [sflag:$0x1] =	stream.indirect_vreg.gather [hbm4b:s0+s3], $0x80, v2, vm0, $0xb8;
	[tilespmem:$0x8080] =	vst v63  }
0x33c: {  	s0 =	sadd.s32 $0x700, s22  }
0x33d: {  	[tilespmem:s6], [sflag:$0x1] =	stream.indirect_vreg.gather [hbm4b:s0+s3], $0x80, v2, vm0, $0xb8;
	[tilespmem:$0x8080] =	vst v63  }
0x33e: {  	s0 =	sadd.s32 $0x800, s22  }
0x33f: {  	[tilespmem:s7], [sflag:$0x1] =	stream.indirect_vreg.gather [hbm4b:s0+s3], $0x80, v2, vm0, $0xb8;
	[tilespmem:$0x8080] =	vst v63  }
0x340: {  	s0 =	sadd.s32 $0x900, s22  }
0x341: {  	[tilespmem:s8], [sflag:$0x1] =	stream.indirect_vreg.gather [hbm4b:s0+s3], $0x80, v2, vm0, $0xb8;
	[tilespmem:$0x8080] =	vst v63  }
0x342: {  	s0 =	sadd.s32 $0xA00, s22  }
0x343: {  	[tilespmem:s9], [sflag:$0x1] =	stream.indirect_vreg.gather [hbm4b:s0+s3], $0x80, v2, vm0, $0xb8;
	[tilespmem:$0x8080] =	vst v63  }
0x344: {  	s0 =	sadd.s32 $0xB00, s22  }
0x345: {  	[tilespmem:s10], [sflag:$0x1] =	stream.indirect_vreg.gather [hbm4b:s0+s3], $0x80, v2, vm0, $0xb8;
	[tilespmem:$0x8080] =	vst v63  }
0x346: {  	s0 =	sadd.s32 $0xC00, s22  }
0x347: {  	[tilespmem:s11], [sflag:$0x1] =	stream.indirect_vreg.gather [hbm4b:s0+s3], $0x80, v2, vm0, $0xb8;
	[tilespmem:$0x8080] =	vst v63  }
0x348: {  	s0 =	sadd.s32 $0xD00, s22  }
0x349: {  	[tilespmem:s12], [sflag:$0x1] =	stream.indirect_vreg.gather [hbm4b:s0+s3], $0x80, v2, vm0, $0xb8;
	[tilespmem:$0x8080] =	vst v63  }
0x34a: {  	s0 =	sadd.s32 $0xE00, s22  }
0x34b: {  	[tilespmem:s13], [sflag:$0x1] =	stream.indirect_vreg.gather [hbm4b:s0+s3], $0x80, v2, vm0, $0xb8;
	[tilespmem:$0x8080] =	vst v63  }
0x34c: {  	s0 =	sadd.s32 $0xF00, s22  }
0x34d: {  	[tilespmem:s14], [sflag:$0x1] =	stream.indirect_vreg.gather [hbm4b:s0+s3], $0x80, v2, vm0, $0xb8;
	[tilespmem:$0x8080] =	vst v63  }
0x34e: {  	_ =	swait.ge [sflag:s15], $0x8000  }
0x34f: {  	[sflag:s15] =	ssyncset.done $0x0  }
.Ltmp41:
0x350: {  	s0 =	rddreg [dreg:$0x1c];
	[sflag:s15] =	ssyncadd.s32 $0xFFFF8000;
	(pc) =	sbr.rel .LBB2_48-.Ltmp41, $4  }
0x351: {  	[hbm4b:s0+s3] =	stream.linear.scatter [tilespmem:s30], [sflag:$0x2], $0x8000, $0x38;
	[tilespmem:$0x8080] =	vst v63  }
0x352: {  	_ =	swait.ge [sflag:s16], $0x8000  }
0x353: {  	[sflag:s16] =	ssyncset.done $0x0  }
0x354: {  	[sflag:s16] =	ssyncadd.s32 $0xFFFF8000  }
.LBB2_46:
0x355: {  	v2 =	vld.msk [tilespmem:$0x18], $0xff;
	_ =	sdelay $0x4  }
0x356: {  	v3 =	vshll.u32 v2, $0x5  }
0x357: {  	v2 =	vand.u32 $0x7, v2;
	v3 =	vand.u32 $0xFFFFFF00, v3  }
0x358: {  	v2 =	vor.u32 v2, v3  }
0x359: {  	v2 =	vperm.xlane v2, v0;
	_ =	sdelay $0x1  }
0x35a: {  	v2 =	vadd.s32 v1, v2;
	_ =	sdelay $0x4  }
0x35b: {  	[tilespmem:s30], [sflag:$0x1] =	stream.indirect_vreg.gather [hbm4b:s24+s3], $0x80, v2, vm0, $0xb8;
	[tilespmem:$0x8080] =	vst v63  }
0x35c: {  	s1 =	sadd.s32 $0x100, s24  }
0x35d: {  	[tilespmem:s18], [sflag:$0x1] =	stream.indirect_vreg.gather [hbm4b:s1+s3], $0x80, v2, vm0, $0xb8;
	[tilespmem:$0x8080] =	vst v63  }
0x35e: {  	s0 =	sadd.s32 $0x200, s24  }
0x35f: {  	[tilespmem:s19], [sflag:$0x1] =	stream.indirect_vreg.gather [hbm4b:s0+s3], $0x80, v2, vm0, $0xb8;
	[tilespmem:$0x8080] =	vst v63  }
0x360: {  	s0 =	sadd.s32 $0x300, s24  }
0x361: {  	[tilespmem:s28], [sflag:$0x1] =	stream.indirect_vreg.gather [hbm4b:s0+s3], $0x80, v2, vm0, $0xb8;
	[tilespmem:$0x8080] =	vst v63  }
0x362: {  	s0 =	sadd.s32 $0x400, s24  }
0x363: {  	[tilespmem:s4], [sflag:$0x1] =	stream.indirect_vreg.gather [hbm4b:s0+s3], $0x80, v2, vm0, $0xb8;
	[tilespmem:$0x8080] =	vst v63  }
0x364: {  	s0 =	sadd.s32 $0x500, s24  }
0x365: {  	[tilespmem:s29], [sflag:$0x1] =	stream.indirect_vreg.gather [hbm4b:s0+s3], $0x80, v2, vm0, $0xb8;
	[tilespmem:$0x8080] =	vst v63  }
0x366: {  	s0 =	sadd.s32 $0x600, s24  }
0x367: {  	[tilespmem:s2], [sflag:$0x1] =	stream.indirect_vreg.gather [hbm4b:s0+s3], $0x80, v2, vm0, $0xb8;
	[tilespmem:$0x8080] =	vst v63  }
0x368: {  	s0 =	sadd.s32 $0x700, s24  }
0x369: {  	[tilespmem:s6], [sflag:$0x1] =	stream.indirect_vreg.gather [hbm4b:s0+s3], $0x80, v2, vm0, $0xb8;
	[tilespmem:$0x8080] =	vst v63  }
0x36a: {  	s0 =	sadd.s32 $0x800, s24  }
0x36b: {  	[tilespmem:s7], [sflag:$0x1] =	stream.indirect_vreg.gather [hbm4b:s0+s3], $0x80, v2, vm0, $0xb8;
	[tilespmem:$0x8080] =	vst v63  }
0x36c: {  	s0 =	sadd.s32 $0x900, s24  }
0x36d: {  	[tilespmem:s8], [sflag:$0x1] =	stream.indirect_vreg.gather [hbm4b:s0+s3], $0x80, v2, vm0, $0xb8;
	[tilespmem:$0x8080] =	vst v63  }
0x36e: {  	s0 =	sadd.s32 $0xA00, s24  }
0x36f: {  	[tilespmem:s9], [sflag:$0x1] =	stream.indirect_vreg.gather [hbm4b:s0+s3], $0x80, v2, vm0, $0xb8;
	[tilespmem:$0x8080] =	vst v63  }
0x370: {  	s0 =	sadd.s32 $0xB00, s24  }
0x371: {  	[tilespmem:s10], [sflag:$0x1] =	stream.indirect_vreg.gather [hbm4b:s0+s3], $0x80, v2, vm0, $0xb8;
	[tilespmem:$0x8080] =	vst v63  }
0x372: {  	s0 =	sadd.s32 $0xC00, s24  }
0x373: {  	[tilespmem:s11], [sflag:$0x1] =	stream.indirect_vreg.gather [hbm4b:s0+s3], $0x80, v2, vm0, $0xb8;
	[tilespmem:$0x8080] =	vst v63  }
0x374: {  	s0 =	sadd.s32 $0xD00, s24  }
0x375: {  	[tilespmem:s12], [sflag:$0x1] =	stream.indirect_vreg.gather [hbm4b:s0+s3], $0x80, v2, vm0, $0xb8;
	[tilespmem:$0x8080] =	vst v63  }
0x376: {  	s0 =	sadd.s32 $0xE00, s24  }
0x377: {  	[tilespmem:s13], [sflag:$0x1] =	stream.indirect_vreg.gather [hbm4b:s0+s3], $0x80, v2, vm0, $0xb8;
	[tilespmem:$0x8080] =	vst v63  }
0x378: {  	s0 =	sadd.s32 $0xF00, s24  }
0x379: {  	[tilespmem:s14], [sflag:$0x1] =	stream.indirect_vreg.gather [hbm4b:s0+s3], $0x80, v2, vm0, $0xb8;
	[tilespmem:$0x8080] =	vst v63  }
0x37a: {  	_ =	swait.ge [sflag:s15], $0x8000  }
0x37b: {  	[sflag:s15] =	ssyncset.done $0x0  }
.Ltmp42:
0x37c: {  	s0 =	rddreg [dreg:$0x14];
	[sflag:s15] =	ssyncadd.s32 $0xFFFF8000;
	(pc) =	sbr.rel .LBB2_48-.Ltmp42, $4  }
0x37d: {  	[hbm4b:s0+s3] =	stream.linear.scatter [tilespmem:s30], [sflag:$0x2], $0x8000, $0x38;
	[tilespmem:$0x8080] =	vst v63  }
0x37e: {  	_ =	swait.ge [sflag:s16], $0x8000  }
0x37f: {  	[sflag:s16] =	ssyncset.done $0x0  }
0x380: {  	[sflag:s16] =	ssyncadd.s32 $0xFFFF8000  }
.LBB2_38:
0x381: {  	v2 =	vld.msk [tilespmem:$0x20], $0xff;
	_ =	sdelay $0x4  }
0x382: {  	v3 =	vshll.u32 v2, $0x5  }
0x383: {  	v2 =	vand.u32 $0x7, v2;
	v3 =	vand.u32 $0xFFFFFF00, v3  }
0x384: {  	v2 =	vor.u32 v2, v3  }
0x385: {  	v2 =	vperm.xlane v2, v0;
	_ =	sdelay $0x1  }
0x386: {  	v2 =	vadd.s32 v1, v2;
	_ =	sdelay $0x4  }
0x387: {  	[tilespmem:s30], [sflag:$0x1] =	stream.indirect_vreg.gather [hbm4b:s20+s3], $0x80, v2, vm0, $0xb8;
	[tilespmem:$0x8080] =	vst v63  }
0x388: {  	s1 =	rddreg [dreg:$0x4]  }
0x389: {  	[tilespmem:s18], [sflag:$0x1] =	stream.indirect_vreg.gather [hbm4b:s1+s3], $0x80, v2, vm0, $0xb8;
	[tilespmem:$0x8080] =	vst v63  }
0x38a: {  	_ = 	snop  }
0x38b: {  	[tilespmem:s19], [sflag:$0x1] =	stream.indirect_vreg.gather [hbm4b:s31+s3], $0x80, v2, vm0, $0xb8;
	[tilespmem:$0x8080] =	vst v63  }
0x38c: {  	s0 =	rddreg [dreg:$0x6]  }
0x38d: {  	[tilespmem:s28], [sflag:$0x1] =	stream.indirect_vreg.gather [hbm4b:s0+s3], $0x80, v2, vm0, $0xb8;
	[tilespmem:$0x8080] =	vst v63  }
0x38e: {  	s0 =	rddreg [dreg:$0x7]  }
0x38f: {  	[tilespmem:s4], [sflag:$0x1] =	stream.indirect_vreg.gather [hbm4b:s0+s3], $0x80, v2, vm0, $0xb8;
	[tilespmem:$0x8080] =	vst v63  }
0x390: {  	s1 =	rddreg [dreg:$0x8]  }
0x391: {  	[tilespmem:s29], [sflag:$0x1] =	stream.indirect_vreg.gather [hbm4b:s1+s3], $0x80, v2, vm0, $0xb8;
	[tilespmem:$0x8080] =	vst v63  }
0x392: {  	s1 =	rddreg [dreg:$0x9]  }
0x393: {  	[tilespmem:s2], [sflag:$0x1] =	stream.indirect_vreg.gather [hbm4b:s1+s3], $0x80, v2, vm0, $0xb8;
	[tilespmem:$0x8080] =	vst v63  }
0x394: {  	s1 =	rddreg [dreg:$0xa]  }
0x395: {  	[tilespmem:s6], [sflag:$0x1] =	stream.indirect_vreg.gather [hbm4b:s1+s3], $0x80, v2, vm0, $0xb8;
	[tilespmem:$0x8080] =	vst v63  }
0x396: {  	s1 =	rddreg [dreg:$0xb]  }
0x397: {  	[tilespmem:s7], [sflag:$0x1] =	stream.indirect_vreg.gather [hbm4b:s1+s3], $0x80, v2, vm0, $0xb8;
	[tilespmem:$0x8080] =	vst v63  }
0x398: {  	s1 =	rddreg [dreg:$0xc]  }
0x399: {  	[tilespmem:s8], [sflag:$0x1] =	stream.indirect_vreg.gather [hbm4b:s1+s3], $0x80, v2, vm0, $0xb8;
	[tilespmem:$0x8080] =	vst v63  }
0x39a: {  	s1 =	rddreg [dreg:$0xd]  }
0x39b: {  	[tilespmem:s9], [sflag:$0x1] =	stream.indirect_vreg.gather [hbm4b:s1+s3], $0x80, v2, vm0, $0xb8;
	[tilespmem:$0x8080] =	vst v63  }
0x39c: {  	s1 =	rddreg [dreg:$0xe]  }
0x39d: {  	[tilespmem:s10], [sflag:$0x1] =	stream.indirect_vreg.gather [hbm4b:s1+s3], $0x80, v2, vm0, $0xb8;
	[tilespmem:$0x8080] =	vst v63  }
0x39e: {  	s1 =	rddreg [dreg:$0xf]  }
0x39f: {  	[tilespmem:s11], [sflag:$0x1] =	stream.indirect_vreg.gather [hbm4b:s1+s3], $0x80, v2, vm0, $0xb8;
	[tilespmem:$0x8080] =	vst v63  }
0x3a0: {  	s1 =	rddreg [dreg:$0x10]  }
0x3a1: {  	[tilespmem:s12], [sflag:$0x1] =	stream.indirect_vreg.gather [hbm4b:s1+s3], $0x80, v2, vm0, $0xb8;
	[tilespmem:$0x8080] =	vst v63  }
0x3a2: {  	s1 =	rddreg [dreg:$0x11]  }
0x3a3: {  	[tilespmem:s13], [sflag:$0x1] =	stream.indirect_vreg.gather [hbm4b:s1+s3], $0x80, v2, vm0, $0xb8;
	[tilespmem:$0x8080] =	vst v63  }
0x3a4: {  	s1 =	rddreg [dreg:$0x12]  }
0x3a5: {  	[tilespmem:s14], [sflag:$0x1] =	stream.indirect_vreg.gather [hbm4b:s1+s3], $0x80, v2, vm0, $0xb8;
	[tilespmem:$0x8080] =	vst v63  }
0x3a6: {  	_ =	swait.ge [sflag:s15], $0x8000  }
0x3a7: {  	[sflag:s15] =	ssyncset.done $0x0  }
.Ltmp43:
0x3a8: {  	s1 =	rddreg [dreg:$0x1d];
	[sflag:s15] =	ssyncadd.s32 $0xFFFF8000;
	(pc) =	sbr.rel .LBB2_48-.Ltmp43, $4  }
0x3a9: {  	[hbm4b:s1+s3] =	stream.linear.scatter [tilespmem:s30], [sflag:$0x2], $0x8000, $0x38;
	[tilespmem:$0x8080] =	vst v63  }
0x3aa: {  	_ =	swait.ge [sflag:s16], $0x8000  }
0x3ab: {  	[sflag:s16] =	ssyncset.done $0x0  }
0x3ac: {  	[sflag:s16] =	ssyncadd.s32 $0xFFFF8000  }
.LBB2_45:
0x3ad: {  	v2 =	vld.msk [tilespmem:$0x8], $0xff;
	_ =	sdelay $0x4  }
0x3ae: {  	v3 =	vshll.u32 v2, $0x5  }
0x3af: {  	v2 =	vand.u32 $0x7, v2;
	v3 =	vand.u32 $0xFFFFFF00, v3  }
0x3b0: {  	v2 =	vor.u32 v2, v3  }
0x3b1: {  	v2 =	vperm.xlane v2, v0;
	_ =	sdelay $0x1  }
0x3b2: {  	v2 =	vadd.s32 v1, v2;
	_ =	sdelay $0x4  }
0x3b3: {  	[tilespmem:s30], [sflag:$0x1] =	stream.indirect_vreg.gather [hbm4b:s24+s3], $0x80, v2, vm0, $0xb8;
	[tilespmem:$0x8080] =	vst v63  }
0x3b4: {  	s1 =	sadd.s32 $0x100, s24  }
0x3b5: {  	[tilespmem:s18], [sflag:$0x1] =	stream.indirect_vreg.gather [hbm4b:s1+s3], $0x80, v2, vm0, $0xb8;
	[tilespmem:$0x8080] =	vst v63  }
0x3b6: {  	s0 =	sadd.s32 $0x200, s24  }
0x3b7: {  	[tilespmem:s19], [sflag:$0x1] =	stream.indirect_vreg.gather [hbm4b:s0+s3], $0x80, v2, vm0, $0xb8;
	[tilespmem:$0x8080] =	vst v63  }
0x3b8: {  	s0 =	sadd.s32 $0x300, s24  }
0x3b9: {  	[tilespmem:s28], [sflag:$0x1] =	stream.indirect_vreg.gather [hbm4b:s0+s3], $0x80, v2, vm0, $0xb8;
	[tilespmem:$0x8080] =	vst v63  }
0x3ba: {  	s0 =	sadd.s32 $0x400, s24  }
0x3bb: {  	[tilespmem:s4], [sflag:$0x1] =	stream.indirect_vreg.gather [hbm4b:s0+s3], $0x80, v2, vm0, $0xb8;
	[tilespmem:$0x8080] =	vst v63  }
0x3bc: {  	s0 =	sadd.s32 $0x500, s24  }
0x3bd: {  	[tilespmem:s29], [sflag:$0x1] =	stream.indirect_vreg.gather [hbm4b:s0+s3], $0x80, v2, vm0, $0xb8;
	[tilespmem:$0x8080] =	vst v63  }
0x3be: {  	s0 =	sadd.s32 $0x600, s24  }
0x3bf: {  	[tilespmem:s2], [sflag:$0x1] =	stream.indirect_vreg.gather [hbm4b:s0+s3], $0x80, v2, vm0, $0xb8;
	[tilespmem:$0x8080] =	vst v63  }
0x3c0: {  	s0 =	sadd.s32 $0x700, s24  }
0x3c1: {  	[tilespmem:s6], [sflag:$0x1] =	stream.indirect_vreg.gather [hbm4b:s0+s3], $0x80, v2, vm0, $0xb8;
	[tilespmem:$0x8080] =	vst v63  }
0x3c2: {  	s0 =	sadd.s32 $0x800, s24  }
0x3c3: {  	[tilespmem:s7], [sflag:$0x1] =	stream.indirect_vreg.gather [hbm4b:s0+s3], $0x80, v2, vm0, $0xb8;
	[tilespmem:$0x8080] =	vst v63  }
0x3c4: {  	s0 =	sadd.s32 $0x900, s24  }
0x3c5: {  	[tilespmem:s8], [sflag:$0x1] =	stream.indirect_vreg.gather [hbm4b:s0+s3], $0x80, v2, vm0, $0xb8;
	[tilespmem:$0x8080] =	vst v63  }
0x3c6: {  	s0 =	sadd.s32 $0xA00, s24  }
0x3c7: {  	[tilespmem:s9], [sflag:$0x1] =	stream.indirect_vreg.gather [hbm4b:s0+s3], $0x80, v2, vm0, $0xb8;
	[tilespmem:$0x8080] =	vst v63  }
0x3c8: {  	s0 =	sadd.s32 $0xB00, s24  }
0x3c9: {  	[tilespmem:s10], [sflag:$0x1] =	stream.indirect_vreg.gather [hbm4b:s0+s3], $0x80, v2, vm0, $0xb8;
	[tilespmem:$0x8080] =	vst v63  }
0x3ca: {  	s0 =	sadd.s32 $0xC00, s24  }
0x3cb: {  	[tilespmem:s11], [sflag:$0x1] =	stream.indirect_vreg.gather [hbm4b:s0+s3], $0x80, v2, vm0, $0xb8;
	[tilespmem:$0x8080] =	vst v63  }
0x3cc: {  	s0 =	sadd.s32 $0xD00, s24  }
0x3cd: {  	[tilespmem:s12], [sflag:$0x1] =	stream.indirect_vreg.gather [hbm4b:s0+s3], $0x80, v2, vm0, $0xb8;
	[tilespmem:$0x8080] =	vst v63  }
0x3ce: {  	s0 =	sadd.s32 $0xE00, s24  }
0x3cf: {  	[tilespmem:s13], [sflag:$0x1] =	stream.indirect_vreg.gather [hbm4b:s0+s3], $0x80, v2, vm0, $0xb8;
	[tilespmem:$0x8080] =	vst v63  }
0x3d0: {  	s0 =	sadd.s32 $0xF00, s24  }
0x3d1: {  	[tilespmem:s14], [sflag:$0x1] =	stream.indirect_vreg.gather [hbm4b:s0+s3], $0x80, v2, vm0, $0xb8;
	[tilespmem:$0x8080] =	vst v63  }
0x3d2: {  	_ =	swait.ge [sflag:s15], $0x8000  }
0x3d3: {  	[sflag:s15] =	ssyncset.done $0x0  }
.Ltmp44:
0x3d4: {  	s0 =	rddreg [dreg:$0x16];
	[sflag:s15] =	ssyncadd.s32 $0xFFFF8000;
	(pc) =	sbr.rel .LBB2_48-.Ltmp44, $4  }
0x3d5: {  	[hbm4b:s0+s3] =	stream.linear.scatter [tilespmem:s30], [sflag:$0x2], $0x8000, $0x38;
	[tilespmem:$0x8080] =	vst v63  }
0x3d6: {  	_ =	swait.ge [sflag:s16], $0x8000  }
0x3d7: {  	[sflag:s16] =	ssyncset.done $0x0  }
0x3d8: {  	[sflag:s16] =	ssyncadd.s32 $0xFFFF8000  }
.LBB2_49:
0x3d9: {  	_ =	sfence.sel $0x180000  }
0x3da: {  	[bflag:$0x0] =	sbarrier.arrive $0xFFFF  }
0x3db: {  	_ =	strace $0x90000047  }
0x3dc: {  	s0 =	stileid.u32;
	[bflag:$0x2] =	sbarrier.arrive $0xFFFF  }
0x3dd: {  	p0 =	sne.s32 s0, $0x0;
	s0 =	rddreg [dreg:$0x3]  }
0x3de: {  	s0 =	sadd.s32 @!p0 $0x100000, s0  }
0x3df: {  	[sflag:s0] =	ssyncadd.tile.s32 @!p0 $0x1;
	_ =	shalt  }
.Lfunc_end2:
_tile_overlayer_lowered:
.L_overlay_start_2:
0x3e0: {  	(tag) =	ssettag $0x2  }
0x3e1: {  	s0 =	rddreg [dreg:$0x0];
	s2 =	stileid.u32  }
0x3e2: {  	s1 =	rddreg [dreg:$0x1];
	p0 =	sne.s32 s2, $0x0  }
0x3e3: {  	s3 =	rddreg [dreg:$0x2];
	[bflag:$0x3] =	sbarrier.arrive $0xFFFF;
	s2 =	simm.s32 @!p0 $0x1C03  }
0x3e4: {  	[timem:s3], [sflag:s2] =	dma.local @!p0 [hbm:s0], s1  }
0x3e5: {  	s0 =	simm.s32 @!p0 $0x3  }
0x3e6: {  	_ =	swait.ge @!p0 [sflag:s0], s1  }
0x3e7: {  	s1 =	ssub.s32 @!p0 $0x0, s1;
	[sflag:s0] =	ssyncset.done @!p0 $0x0  }
0x3e8: {  	[sflag:s0] =	ssyncadd.s32 @!p0 s1  }
0x3e9: {  	[bflag:$0x3] =	sbarrier.arrive $0xFFFF  }
0x3ea: {  	_ =	shalt  }

</sc_bundles>
